<compile_context>
chip_gen: v7x
topology: tpu7x:2x2x1
jax: 0.10.2.dev20260603
libtpu: 0.0.44.dev20260713+nightly
codegen_flags: <defaults>
</compile_context>

<pallas_src>
import functools

import jax
import jax.numpy as jnp
from jax import lax
from jax.experimental import pallas as pl
from jax.experimental.pallas import tpu as pltpu
from jax.experimental.pallas import tpu_sc as plsc

N = 10000
E = 320000
D = 128

_F32 = jnp.float32


def _acosh(z):
    return jnp.log(z + jnp.sqrt(z * z - 1.0))


def _cosh_sinh(n):
    e = jnp.exp(n)
    ei = 1.0 / e
    return 0.5 * (e + ei), 0.5 * (e - ei)


def _sigmoid(z):
    return 1.0 / (1.0 + jnp.exp(-z))


def _rowsum(z):
    return jnp.sum(z, axis=-1, keepdims=True)


def _first_mask(shape):
    return lax.broadcasted_iota(jnp.int32, shape, len(shape) - 1) == 0


def _logmap0_cols(x, first):
    x0 = jnp.maximum(x[:, 0:1], 1.0 + 1e-7)
    d = _acosh(x0)
    nsq = _rowsum(x * x) - x[:, 0:1] * x[:, 0:1]
    n = jnp.sqrt(jnp.maximum(nsq, 1e-12))
    return jnp.where(first, 0.0, (d / n) * x)


def _expmap0_cols(u, first):
    us = jnp.where(first, 0.0, u)
    nsq = _rowsum(us * us)
    n = jnp.sqrt(jnp.maximum(nsq, 1e-12))
    c, s = _cosh_sinh(n)
    return jnp.where(first, c, (s / n) * us)


def _bf16_bits(x):
    u = lax.bitcast_convert_type(x, jnp.int32)
    return lax.shift_right_logical(
        u + 0x7FFF + (lax.shift_right_logical(u, 16) & 1), 16)


def _pack2(lo, hi):
    return _bf16_bits(lo) | (_bf16_bits(hi) << 16)


def _unpack_lo(w):
    return lax.bitcast_convert_type(w << 16, _F32)


def _unpack_hi(w):
    return lax.bitcast_convert_type(w & jnp.int32(-65536), _F32)


def _prologue_body(h_ref, wt_ref, bias_ref, w1at_ref, w1bt_ref,
                   x_ref, tr_ref, tc_ref):
    h = h_ref[...]
    first = _first_mask(h.shape)
    u = _logmap0_cols(h, first)
    xt = jnp.dot(u, wt_ref[...], preferred_element_type=_F32)
    xt = jnp.where(first, 0.0, xt)
    x = _expmap0_cols(xt, first)
    bmask = jnp.where(_first_mask(bias_ref[...].shape), 0.0, bias_ref[...])
    c = _rowsum(x * bmask) / (1.0 + x[:, 0:1])
    b = bmask + c * (jnp.where(first, 1.0, 0.0) + x)
    lbb = _rowsum(b * b) - 2.0 * b[:, 0:1] * b[:, 0:1]
    nb = jnp.sqrt(jnp.maximum(lbb, 1e-12))
    ch, sh = _cosh_sinh(nb)
    x = ch * x + (sh / nb) * b
    x_ref[...] = x
    x_tan = _logmap0_cols(x, first)
    a = jnp.dot(x_tan, w1at_ref[...], preferred_element_type=_F32)
    bb = jnp.dot(x_tan, w1bt_ref[...], preferred_element_type=_F32)
    tr_ref[...] = _pack2(x, a)
    tc_ref[...] = _pack2(x, bb)


def _edge_body(gr_ref, gc_ref, ea_ref, em_ref, wv_ref, agg_ref):
    wr = gr_ref[...]
    wc = gc_ref[...]
    xr = _unpack_lo(wr)
    ar = _unpack_hi(wr)
    xc = _unpack_lo(wc)
    bc = _unpack_hi(wc)
    alpha = -(_rowsum(xr * xc) - 2.0 * xr[:, 0:1] * xc[:, 0:1])
    alpha = jnp.maximum(alpha, 1.0 + 1e-7)
    al = alpha.reshape(_BE // D, D)
    sq = jnp.sqrt(jnp.maximum(al * al - 1.0, 1e-12))
    dal = jnp.log(al + sq)
    fac = dal / sq
    d = dal.reshape(_BE, 1)
    w1c0 = wv_ref[0:1, :]
    w1c1 = wv_ref[1:2, :]
    b1 = wv_ref[2:3, :]
    w2 = wv_ref[3:4, :]
    b2 = wv_ref[4:5, 0:1]
    pre = ar + bc + ea_ref[...] * w1c0 + d * w1c1 + b1
    hmid = pre * _sigmoid(pre)
    lg = _rowsum(hmid * w2) + b2
    att_fac = _sigmoid(lg.reshape(_BE // D, D)) * fac
    fa = att_fac.reshape(_BE, 1) * em_ref[...]
    agg_ref[...] = fa * (xc - alpha * xr)


def _epilogue_body(x_ref, o0_ref, o1_ref, ln_ref, out_ref):
    x = x_ref[...]
    first = _first_mask(x.shape)
    out = (o0_ref[...] + o1_ref[...]) * (1.0 / 1000.0)
    lxo = _rowsum(x * out) - 2.0 * x[:, 0:1] * out[:, 0:1]
    p = out + lxo * x
    lpp = _rowsum(p * p) - 2.0 * p[:, 0:1] * p[:, 0:1]
    npn = jnp.sqrt(jnp.maximum(lpp, 1e-12))
    ch, sh = _cosh_sinh(npn)
    x2 = ch * x + (sh / npn) * p
    ht = _logmap0_cols(x2, first)
    mu = _rowsum(ht) * (1.0 / (D - 1))
    dif = jnp.where(first, 0.0, ht - mu)
    var = _rowsum(dif * dif) * (1.0 / (D - 1))
    gamma = ln_ref[0:1, :]
    beta = ln_ref[1:2, :]
    h1 = dif / jnp.sqrt(var + 1e-5) * gamma + beta
    x3 = _expmap0_cols(h1, first)
    s = _logmap0_cols(x3, first)
    sl = s * _sigmoid(s)
    out_ref[...] = _expmap0_cols(sl, first)


_NC = 2
_NS = 16
_NW = _NC * _NS
_EPERW = 10240
_EPAD = _NW * _EPERW
_S = 2
_ESL = _EPAD // _S
_EPWS = _ESL // _NW
_CHG = 128
_NCHG = _EPWS // _CHG
_CHS = 128
_NCHS = _EPWS // _CHS
_NPAD = 10240
_ROWS_PER_TILE = _NPAD // _NS


def _sc_gather(tr, tcb, row3d, col3d):
    mesh = plsc.VectorSubcoreMesh(core_axis_name="c", subcore_axis_name="s")

    @functools.partial(
        pl.kernel, mesh=mesh,
        out_type=[jax.ShapeDtypeStruct((_ESL, D), jnp.int32),
                  jax.ShapeDtypeStruct((_ESL, D), jnp.int32)],
        scratch_types=[
            pltpu.VMEM((_NCHG, _CHG), jnp.int32),
            pltpu.VMEM((_NCHG, _CHG), jnp.int32),
            pltpu.VMEM((_CHG, D), jnp.int32),
            pltpu.VMEM((_CHG, D), jnp.int32),
            pltpu.VMEM((_CHG, D), jnp.int32),
            pltpu.VMEM((_CHG, D), jnp.int32),
            pltpu.SemaphoreType.DMA,
            pltpu.SemaphoreType.DMA,
            pltpu.SemaphoreType.DMA,
            pltpu.SemaphoreType.DMA,
        ],
    )
    def k(tr_hbm, tc_hbm, row_hbm, col_hbm, gr_hbm, gc_hbm,
          idxr, idxc, br0, br1, bc0, bc1, sr0, sr1, sc0, sc1):
        cid = lax.axis_index("c")
        sid = lax.axis_index("s")
        wid = sid * _NC + cid
        bufr = (br0, br1)
        bufc = (bc0, bc1)
        semr = (sr0, sr1)
        semc = (sc0, sc1)
        pltpu.sync_copy(row_hbm.at[wid], idxr)
        pltpu.sync_copy(col_hbm.at[wid], idxc)

        for b in range(2):
            pltpu.async_copy(tr_hbm.at[idxr.at[b]], bufr[b], semr[b])
            pltpu.async_copy(tc_hbm.at[idxc.at[b]], bufc[b], semc[b])

        def body(g, carry):
            for b in range(2):
                j = g * 2 + b
                ebase = pl.multiple_of(wid * _EPWS + j * _CHG, 8)
                pltpu.make_async_copy(tr_hbm.at[idxr.at[j]], bufr[b],
                                      semr[b]).wait()
                pltpu.sync_copy(bufr[b], gr_hbm.at[pl.ds(ebase, _CHG)])
                pltpu.make_async_copy(tc_hbm.at[idxc.at[j]], bufc[b],
                                      semc[b]).wait()
                pltpu.sync_copy(bufc[b], gc_hbm.at[pl.ds(ebase, _CHG)])

                @pl.when(j + 2 < _NCHG)
                def _():
                    pltpu.async_copy(tr_hbm.at[idxr.at[j + 2]], bufr[b],
                                     semr[b])
                    pltpu.async_copy(tc_hbm.at[idxc.at[j + 2]], bufc[b],
                                     semc[b])
            return carry

        lax.fori_loop(0, _NCHG // 2, body, 0)

    return k(tr, tcb, row3d, col3d)


def _sc_scatter(aggs, row3d, zeros_hbm):
    mesh = plsc.VectorSubcoreMesh(core_axis_name="c", subcore_axis_name="s")

    @functools.partial(
        pl.kernel, mesh=mesh,
        out_type=jax.ShapeDtypeStruct((_NC, _NPAD, D), _F32),
        scratch_types=[
            pltpu.VMEM((_S * _NCHS, _CHS), jnp.int32),
            pltpu.VMEM((_CHS, D), _F32),
            pltpu.VMEM((_CHS, D), _F32),
            pltpu.VMEM_SHARED((_NPAD, D), _F32),
            pltpu.SemaphoreType.DMA,
            pltpu.SemaphoreType.DMA,
        ],
    )
    def k(*args):
        agg_refs = args[:_S]
        (row_hbm, zeros_h, parts_hbm, idxr, b0, b1, acc, sm0, sm1) = args[_S:]
        cid = lax.axis_index("c")
        sid = lax.axis_index("s")
        wid = sid * _NC + cid
        buf = (b0, b1)
        sems = (sm0, sm1)
        pltpu.sync_copy(zeros_h, b0)

        def zbody(t, carry):
            rbase = pl.multiple_of(sid * _ROWS_PER_TILE + t * _CHS, 8)
            pltpu.sync_copy(b0, acc.at[pl.ds(rbase, _CHS)])
            return carry

        lax.fori_loop(0, _ROWS_PER_TILE // _CHS, zbody, 0)
        plsc.subcore_barrier()

        pltpu.sync_copy(row_hbm.at[wid], idxr)

        def ebase_of(j):
            return pl.multiple_of(wid * _EPWS + j * _CHS, 8)

        for s in range(_S):
            agg_hbm = agg_refs[s]
            for b in range(2):
                pltpu.async_copy(agg_hbm.at[pl.ds(ebase_of(b), _CHS)],
                                 buf[b], sems[b])

            def body(g, carry, agg_hbm=agg_hbm, s=s):
                for b in range(2):
                    j = g * 2 + b
                    pltpu.make_async_copy(
                        agg_hbm.at[pl.ds(ebase_of(j), _CHS)],
                        buf[b], sems[b]).wait()
                    pltpu.sync_copy(buf[b], acc.at[idxr.at[s * _NCHS + j]],
                                    add=True)

                    @pl.when(j + 2 < _NCHS)
                    def _():
                        pltpu.async_copy(
                            agg_hbm.at[pl.ds(ebase_of(j + 2), _CHS)],
                            buf[b], sems[b])
                return carry

            lax.fori_loop(0, _NCHS // 2, body, 0)
        plsc.subcore_barrier()

        def wbody(t, carry):
            rbase = pl.multiple_of(sid * _ROWS_PER_TILE + t * _CHS, 8)
            pltpu.sync_copy(acc.at[pl.ds(rbase, _CHS)], b0)
            pltpu.sync_copy(b0, parts_hbm.at[cid].at[pl.ds(rbase, _CHS)])
            return carry

        lax.fori_loop(0, _ROWS_PER_TILE // _CHS, wbody, 0)

    return k(*aggs, row3d, zeros_hbm)


_BN = 2000
_BE = 2048


def kernel(h, edge_attr, edges, node_mask, edge_mask, W, bias, att_w1,
           att_b1, att_w2, att_b2, ln_gamma, ln_beta):
    del node_mask
    f32 = _F32
    h = h.astype(f32)
    npad = _EPAD - E
    pad_idx = (jnp.arange(npad, dtype=jnp.int32) * 13) % N
    row = jnp.concatenate([edges[0].astype(jnp.int32), pad_idx])
    col = jnp.concatenate([edges[1].astype(jnp.int32), pad_idx])
    ea_p = jnp.concatenate([edge_attr.astype(f32),
                            jnp.zeros((npad, 1), f32)])
    em_p = jnp.concatenate([edge_mask.astype(f32),
                            jnp.zeros((npad, 1), f32)])
    row_g = row.reshape(_S, _NW, _NCHG, _CHG)
    col_g = col.reshape(_S, _NW, _NCHG, _CHG)
    row_sc = (row.reshape(_S, _NW, _NCHS, _CHS)
              .transpose(1, 0, 2, 3).reshape(_NW, _S * _NCHS, _CHS))
    ea4 = ea_p.reshape(_S, _ESL, 1)
    em4 = em_p.reshape(_S, _ESL, 1)

    wt = W.T.astype(f32)
    w1at = att_w1[:, 0:D].T.astype(f32)
    w1bt = att_w1[:, D:2 * D].T.astype(f32)
    bias2 = bias.astype(f32).reshape(1, D)

    wv = jnp.zeros((8, D), f32)
    wv = wv.at[0].set(att_w1[:, 2 * D])
    wv = wv.at[1].set(att_w1[:, 2 * D + 1])
    wv = wv.at[2].set(att_b1)
    wv = wv.at[3].set(att_w2[0])
    wv = wv.at[4, 0].set(att_b2[0])

    ln = jnp.zeros((2, D), f32)
    ln = ln.at[0, 1:].set(ln_gamma)
    ln = ln.at[1, 1:].set(ln_beta)

    nblk = N // _BN
    x, tr, tcb = pl.pallas_call(
        _prologue_body,
        grid=(nblk,),
        in_specs=[
            pl.BlockSpec((_BN, D), lambda i: (i, 0)),
            pl.BlockSpec((D, D), lambda i: (0, 0)),
            pl.BlockSpec((1, D), lambda i: (0, 0)),
            pl.BlockSpec((D, D), lambda i: (0, 0)),
            pl.BlockSpec((D, D), lambda i: (0, 0)),
        ],
        out_specs=[
            pl.BlockSpec((_BN, D), lambda i: (i, 0)),
            pl.BlockSpec((_BN, D), lambda i: (i, 0)),
            pl.BlockSpec((_BN, D), lambda i: (i, 0)),
        ],
        out_shape=[
            jax.ShapeDtypeStruct((N, D), f32),
            jax.ShapeDtypeStruct((N, D), jnp.int32),
            jax.ShapeDtypeStruct((N, D), jnp.int32),
        ],
    )(h, wt, bias2, w1at, w1bt)

    eblk = _ESL // _BE
    aggs = []
    for s in range(_S):
        gr, gc = _sc_gather(tr, tcb, row_g[s], col_g[s])
        agg_s = pl.pallas_call(
            _edge_body,
            grid=(eblk,),
            in_specs=[
                pl.BlockSpec((_BE, D), lambda i: (i, 0)),
                pl.BlockSpec((_BE, D), lambda i: (i, 0)),
                pl.BlockSpec((_BE, 1), lambda i: (i, 0)),
                pl.BlockSpec((_BE, 1), lambda i: (i, 0)),
                pl.BlockSpec((8, D), lambda i: (0, 0)),
            ],
            out_specs=pl.BlockSpec((_BE, D), lambda i: (i, 0)),
            out_shape=jax.ShapeDtypeStruct((_ESL, D), f32),
        )(gr, gc, ea4[s], em4[s], wv)
        aggs.append(agg_s)

    zeros_h = jnp.zeros((_CHS, D), f32)
    parts = _sc_scatter(aggs, row_sc, zeros_h)
    p0 = parts[0, :N]
    p1 = parts[1, :N]

    out = pl.pallas_call(
        _epilogue_body,
        grid=(nblk,),
        in_specs=[
            pl.BlockSpec((_BN, D), lambda i: (i, 0)),
            pl.BlockSpec((_BN, D), lambda i: (i, 0)),
            pl.BlockSpec((_BN, D), lambda i: (i, 0)),
            pl.BlockSpec((2, D), lambda i: (0, 0)),
        ],
        out_specs=pl.BlockSpec((_BN, D), lambda i: (i, 0)),
        out_shape=jax.ShapeDtypeStruct((N, D), f32),
    )(x, p0, p1, ln)

    return out

# --- scband reference (transcript-rebuilt; emitter-appended) ---
"""Pipeline reference for scband-hgclayer-53102975647844 (READ-ONLY COPY).

The authoritative reference and input builder live on the scoring server;
editing this copy changes nothing except your own understanding.
"""

import jax, jax.numpy as jnp
import numpy as np

N = 10000
E = 320000
D = 128

def _linner(u, v):
    return jnp.sum(u * v, axis=-1, keepdims=True) - 2.0 * u[..., 0:1] * v[..., 0:1]

def _proj_tan0(u):
    return jnp.concatenate([jnp.zeros_like(u[..., 0:1]), u[..., 1:]], axis=-1)

def _expmap0(u):
    x1 = u[..., 1:]
    n = jnp.sqrt(jnp.maximum(jnp.sum(x1 * x1, axis=-1, keepdims=True), 1e-12))
    return jnp.concatenate([jnp.cosh(n), jnp.sinh(n) / n * x1], axis=-1)

def _logmap0(x):
    x0 = jnp.maximum(x[..., 0:1], 1.0 + 1e-7)
    d = jnp.arccosh(x0)
    x1 = x[..., 1:]
    n = jnp.sqrt(jnp.maximum(jnp.sum(x1 * x1, axis=-1, keepdims=True), 1e-12))
    return jnp.concatenate([jnp.zeros_like(x0), d / n * x1], axis=-1)

def _dist(x, y):
    alpha = jnp.maximum(-_linner(x, y), 1.0 + 1e-7)
    return jnp.arccosh(alpha)

def _expmap(x, u):
    n = jnp.sqrt(jnp.maximum(_linner(u, u), 1e-12))
    return jnp.cosh(n) * x + jnp.sinh(n) / n * u

def _logmap(x, y):
    alpha = jnp.maximum(-_linner(x, y), 1.0 + 1e-7)
    d = jnp.arccosh(alpha)
    beta = jnp.sqrt(jnp.maximum(alpha * alpha - 1.0, 1e-12))
    return d / beta * (y - alpha * x)

def _proju(x, u):
    return u + _linner(x, u) * x

def _transp0(y, v):
    o = jnp.zeros_like(y).at[..., 0].set(1.0)
    c = _linner(y, v) / (1.0 + y[..., 0:1])
    return v + c * (o + y)

def setup_inputs(seed: int = 0):
    key = jax.random.key(seed)
    ks = jax.random.split(key, 8)
    xt = 0.2 * jax.random.normal(ks[0], (N, D), dtype=jnp.float32)
    h = _expmap0(_proj_tan0(xt))
    edges = jax.random.randint(ks[1], (2, E), 0, N)
    edge_attr = jax.random.normal(ks[2], (E, 1), dtype=jnp.float32)
    node_mask = jnp.ones((N, 1), dtype=jnp.float32)
    edge_mask = jnp.ones((E, 1), dtype=jnp.float32)
    W = jax.random.normal(ks[3], (D, D), dtype=jnp.float32) / np.sqrt(D)
    bias = 0.01 * jax.random.normal(ks[4], (1, D), dtype=jnp.float32)
    att_w1 = 0.05 * jax.random.normal(ks[5], (D, 2 * D + 2), dtype=jnp.float32)
    att_b1 = jnp.zeros((D,), dtype=jnp.float32)
    att_w2 = 0.05 * jax.random.normal(ks[6], (1, D), dtype=jnp.float32)
    att_b2 = jnp.zeros((1,), dtype=jnp.float32)
    ln_gamma = jnp.ones((D - 1,), dtype=jnp.float32)
    ln_beta = jnp.zeros((D - 1,), dtype=jnp.float32)
    return {"h": h, "edge_attr": edge_attr, "edges": edges, "node_mask": node_mask, "edge_mask": edge_mask, "W": W, "bias": bias, "att_w1": att_w1, "att_b1": att_b1, "att_w2": att_w2, "att_b2": att_b2, "ln_gamma": ln_gamma, "ln_beta": ln_beta}

def reference(h, edge_attr, edges, node_mask, edge_mask, W, bias, att_w1, att_b1, att_w2, att_b2, ln_gamma, ln_beta):
    # HypLinear
    xt = _logmap0(h) @ W.T
    xt = _proj_tan0(xt)
    x = _expmap0(xt)
    b = _transp0(x, jnp.broadcast_to(_proj_tan0(bias), x.shape))
    x = _expmap(x, b)
    # HypAgg
    x_tan = _logmap0(x)
    row = edges[0]
    col = edges[1]
    geod = _dist(x[row], x[col])
    ea = jnp.concatenate([edge_attr, geod], axis=-1)
    att_in = jnp.concatenate([x_tan[row], x_tan[col], ea], axis=-1)
    hmid = jax.nn.silu(att_in @ att_w1.T + att_b1)
    att = jax.nn.sigmoid(hmid @ att_w2.T + att_b2) * edge_mask
    agg = _logmap(x[row], x[col]) * att
    out = jax.ops.segment_sum(agg, row, num_segments=x.shape[0]) / 1000.0
    x = _expmap(x, _proju(x, out))
    # HNorm (Lorentz: LayerNorm over spatial coords 1:)
    ht = _logmap0(x)
    h1 = ht[..., 1:]
    mu = jnp.mean(h1, axis=-1, keepdims=True)
    var = jnp.var(h1, axis=-1, keepdims=True)
    h1 = (h1 - mu) / jnp.sqrt(var + 1e-5) * ln_gamma + ln_beta
    x = _expmap0(jnp.concatenate([ht[..., 0:1], h1], axis=-1))
    # HypAct (act = SiLU, manifold_out = Lorentz)
    xt2 = _proj_tan0(jax.nn.silu(_logmap0(x)))
    return _expmap0(xt2)

if __name__ == "__main__":
    import jax
    _d = setup_inputs()
    print(jax.jit(kernel)(*tuple(_d.values())))

</pallas_src>

<mosaic_0001>
#map = affine_map<(d0, d1) -> (0, 0)>
#map1 = affine_map<(d0, d1) -> (0, 0, 0)>
module attributes {stable_mosaic.version = 14 : i64} {
  func.func @k(%arg0: i32, %arg1: i32, %arg2: memref<163840x128xf32, #tpu.memory_space<hbm>>, %arg3: memref<163840x128xf32, #tpu.memory_space<hbm>>, %arg4: memref<32x80x128xi32, #tpu.memory_space<hbm>>, %arg5: memref<128x128xf32, #tpu.memory_space<hbm>>, %arg6: memref<2x10240x128xf32, #tpu.memory_space<hbm>>, %arg7: memref<80x128xi32, #tpu.memory_space<vmem>>, %arg8: memref<128x128xf32, #tpu.memory_space<vmem>>, %arg9: memref<128x128xf32, #tpu.memory_space<vmem>>, %arg10: memref<10240x128xf32, #tpu.memory_space<vmem_shared>>, %arg11: memref<!tpu.dma_semaphore, #tpu.memory_space<semaphore_mem>>, %arg12: memref<!tpu.dma_semaphore, #tpu.memory_space<semaphore_mem>>) attributes {dimension_semantics = [#tpu.dimension_semantics<core_parallel>, #tpu.dimension_semantics<subcore_parallel>], iteration_bounds = array<i64: 2, 16>, scalar_prefetch = 0 : i64, scratch_operands = 6 : i64, tpu.core_type = #tpu.core_type<sc_vector_subcore>, window_params = [{transform_indices = #map}, {transform_indices = #map}, {transform_indices = #map1}, {transform_indices = #map}, {transform_indices = #map1}]} {
    %mul3A = arith.constant 2 : i32
    %mul3A_0 = arith.muli %arg1, %mul3A : i32
    %add3A = arith.addi %mul3A_0, %arg0 : i32
    "tpu.region"() ({
      %run_scoped3A = tpu.sem_alloc : memref<!tpu.dma_semaphore, #tpu.memory_space<semaphore_mem>>
      tpu.enqueue_dma source(%arg5 : memref<128x128xf32, #tpu.memory_space<hbm>>) target(%arg8 : memref<128x128xf32, #tpu.memory_space<vmem>>) target_semaphore(%run_scoped3A : memref<!tpu.dma_semaphore, #tpu.memory_space<semaphore_mem>>)
      tpu.wait_dma2 semaphore(%run_scoped3A : memref<!tpu.dma_semaphore, #tpu.memory_space<semaphore_mem>>) src(%arg5 : memref<128x128xf32, #tpu.memory_space<hbm>>) dst(%arg8 : memref<128x128xf32, #tpu.memory_space<vmem>>)
      tpu.yield
    }) : () -> ()
    %scan3A = arith.constant 0 : i32
    %scan3A_1 = arith.constant 0 : i32
    %scan3A_2 = arith.constant 5 : i32
    %scan3A_3 = arith.addi %scan3A_1, %scan3A_2 : i32
    %scan3A_4 = arith.constant 1 : i32
    scf.for %scan3A_59 = %scan3A_1 to %scan3A_3 step %scan3A_4  : i32 {
      %mul3A_60 = arith.constant 640 : i32
      %mul3A_61 = arith.muli %arg1, %mul3A_60 : i32
      %mul3A_62 = arith.constant 128 : i32
      %mul3A_63 = arith.muli %scan3A_59, %mul3A_62 : i32
      %add3A_64 = arith.addi %mul3A_61, %mul3A_63 : i32
      %multiple_of3A_65 = tpu.assume_multiple %add3A_64, 8 : i32
      "tpu.region"() ({
        %run_scoped3A = tpu.sem_alloc : memref<!tpu.dma_semaphore, #tpu.memory_space<semaphore_mem>>
        %dma_start3A_66 = arith.constant 0 : i32
        %dma_start3A_67 = tpu.memref_slice %arg10[%multiple_of3A_65, %dma_start3A_66] : memref<10240x128xf32, #tpu.memory_space<vmem_shared>> -> memref<128x128xf32, #tpu.memory_space<vmem_shared>>
        %dma_start3A_68 = arith.constant 0 : i32
        %dma_start3A_69 = tpu.memref_slice %arg10[%multiple_of3A_65, %dma_start3A_68] : memref<10240x128xf32, #tpu.memory_space<vmem_shared>> -> memref<128x128xf32, #tpu.memory_space<vmem_shared>>
        tpu.enqueue_dma source(%arg8 : memref<128x128xf32, #tpu.memory_space<vmem>>) target(%dma_start3A_69 : memref<128x128xf32, #tpu.memory_space<vmem_shared>>) target_semaphore(%run_scoped3A : memref<!tpu.dma_semaphore, #tpu.memory_space<semaphore_mem>>)
        %dma_wait3A = arith.constant 0 : i32
        %dma_wait3A_70 = tpu.memref_slice %arg10[%multiple_of3A_65, %dma_wait3A] : memref<10240x128xf32, #tpu.memory_space<vmem_shared>> -> memref<128x128xf32, #tpu.memory_space<vmem_shared>>
        %dma_wait3A_71 = arith.constant 0 : i32
        %dma_wait3A_72 = tpu.memref_slice %arg10[%multiple_of3A_65, %dma_wait3A_71] : memref<10240x128xf32, #tpu.memory_space<vmem_shared>> -> memref<128x128xf32, #tpu.memory_space<vmem_shared>>
        tpu.wait_dma2 semaphore(%run_scoped3A : memref<!tpu.dma_semaphore, #tpu.memory_space<semaphore_mem>>) src(%arg8 : memref<128x128xf32, #tpu.memory_space<vmem>>) dst(%dma_wait3A_72 : memref<128x128xf32, #tpu.memory_space<vmem_shared>>)
        tpu.yield
      }) : () -> ()
    }
    %scan3A_5 = arith.constant 5 : i32
    %barrier3A = arith.constant 0 : index
    tpu.barrier barrier_id(%barrier3A)
    "tpu.region"() ({
      %run_scoped3A = tpu.sem_alloc : memref<!tpu.dma_semaphore, #tpu.memory_space<semaphore_mem>>
      %dma_start3A_59 = arith.constant 0 : i32
      %dma_start3A_60 = arith.constant 0 : i32
      %dma_start3A_61 = tpu.memref_slice %arg4[%add3A, %dma_start3A_59, %dma_start3A_60] : memref<32x80x128xi32, #tpu.memory_space<hbm>> -> memref<1x80x128xi32, #tpu.memory_space<hbm>>
      %dma_start3A_62 = tpu.memref_squeeze %dma_start3A_61 : memref<1x80x128xi32, #tpu.memory_space<hbm>> -> memref<80x128xi32, #tpu.memory_space<hbm>>
      %dma_start3A_63 = arith.constant 0 : i32
      %dma_start3A_64 = arith.constant 0 : i32
      %dma_start3A_65 = tpu.memref_slice %arg4[%add3A, %dma_start3A_63, %dma_start3A_64] : memref<32x80x128xi32, #tpu.memory_space<hbm>> -> memref<1x80x128xi32, #tpu.memory_space<hbm>>
      %dma_start3A_66 = tpu.memref_squeeze %dma_start3A_65 : memref<1x80x128xi32, #tpu.memory_space<hbm>> -> memref<80x128xi32, #tpu.memory_space<hbm>>
      tpu.enqueue_dma source(%dma_start3A_66 : memref<80x128xi32, #tpu.memory_space<hbm>>) target(%arg7 : memref<80x128xi32, #tpu.memory_space<vmem>>) target_semaphore(%run_scoped3A : memref<!tpu.dma_semaphore, #tpu.memory_space<semaphore_mem>>)
      %dma_wait3A = arith.constant 0 : i32
      %dma_wait3A_67 = arith.constant 0 : i32
      %dma_wait3A_68 = tpu.memref_slice %arg4[%add3A, %dma_wait3A, %dma_wait3A_67] : memref<32x80x128xi32, #tpu.memory_space<hbm>> -> memref<1x80x128xi32, #tpu.memory_space<hbm>>
      %dma_wait3A_69 = tpu.memref_squeeze %dma_wait3A_68 : memref<1x80x128xi32, #tpu.memory_space<hbm>> -> memref<80x128xi32, #tpu.memory_space<hbm>>
      %dma_wait3A_70 = arith.constant 0 : i32
      %dma_wait3A_71 = arith.constant 0 : i32
      %dma_wait3A_72 = tpu.memref_slice %arg4[%add3A, %dma_wait3A_70, %dma_wait3A_71] : memref<32x80x128xi32, #tpu.memory_space<hbm>> -> memref<1x80x128xi32, #tpu.memory_space<hbm>>
      %dma_wait3A_73 = tpu.memref_squeeze %dma_wait3A_72 : memref<1x80x128xi32, #tpu.memory_space<hbm>> -> memref<80x128xi32, #tpu.memory_space<hbm>>
      tpu.wait_dma2 semaphore(%run_scoped3A : memref<!tpu.dma_semaphore, #tpu.memory_space<semaphore_mem>>) src(%dma_wait3A_73 : memref<80x128xi32, #tpu.memory_space<hbm>>) dst(%arg7 : memref<80x128xi32, #tpu.memory_space<vmem>>)
      tpu.yield
    }) : () -> ()
    %mul3A_6 = arith.constant 5120 : i32
    %mul3A_7 = arith.muli %add3A, %mul3A_6 : i32
    %add3A_8 = arith.constant 0 : i32
    %add3A_9 = arith.addi %mul3A_7, %add3A_8 : i32
    %multiple_of3A = tpu.assume_multiple %add3A_9, 8 : i32
    %dma_start3A = arith.constant 0 : i32
    %dma_start3A_10 = tpu.memref_slice %arg2[%multiple_of3A, %dma_start3A] : memref<163840x128xf32, #tpu.memory_space<hbm>> -> memref<128x128xf32, #tpu.memory_space<hbm>>
    %dma_start3A_11 = arith.constant 0 : i32
    %dma_start3A_12 = tpu.memref_slice %arg2[%multiple_of3A, %dma_start3A_11] : memref<163840x128xf32, #tpu.memory_space<hbm>> -> memref<128x128xf32, #tpu.memory_space<hbm>>
    tpu.enqueue_dma source(%dma_start3A_12 : memref<128x128xf32, #tpu.memory_space<hbm>>) target(%arg8 : memref<128x128xf32, #tpu.memory_space<vmem>>) target_semaphore(%arg11 : memref<!tpu.dma_semaphore, #tpu.memory_space<semaphore_mem>>)
    %mul3A_13 = arith.constant 5120 : i32
    %mul3A_14 = arith.muli %add3A, %mul3A_13 : i32
    %add3A_15 = arith.constant 128 : i32
    %add3A_16 = arith.addi %mul3A_14, %add3A_15 : i32
    %multiple_of3A_17 = tpu.assume_multiple %add3A_16, 8 : i32
    %dma_start3A_18 = arith.constant 0 : i32
    %dma_start3A_19 = tpu.memref_slice %arg2[%multiple_of3A_17, %dma_start3A_18] : memref<163840x128xf32, #tpu.memory_space<hbm>> -> memref<128x128xf32, #tpu.memory_space<hbm>>
    %dma_start3A_20 = arith.constant 0 : i32
    %dma_start3A_21 = tpu.memref_slice %arg2[%multiple_of3A_17, %dma_start3A_20] : memref<163840x128xf32, #tpu.memory_space<hbm>> -> memref<128x128xf32, #tpu.memory_space<hbm>>
    tpu.enqueue_dma source(%dma_start3A_21 : memref<128x128xf32, #tpu.memory_space<hbm>>) target(%arg9 : memref<128x128xf32, #tpu.memory_space<vmem>>) target_semaphore(%arg12 : memref<!tpu.dma_semaphore, #tpu.memory_space<semaphore_mem>>)
    %scan3A_22 = arith.constant 0 : i32
    %scan3A_23 = arith.constant 0 : i32
    %scan3A_24 = arith.constant 20 : i32
    %scan3A_25 = arith.addi %scan3A_23, %scan3A_24 : i32
    %scan3A_26 = arith.constant 1 : i32
    scf.for %scan3A_59 = %scan3A_23 to %scan3A_25 step %scan3A_26  : i32 {
      %mul3A_60 = arith.constant 2 : i32
      %mul3A_61 = arith.muli %scan3A_59, %mul3A_60 : i32
      %add3A_62 = arith.constant 0 : i32
      %add3A_63 = arith.addi %mul3A_61, %add3A_62 : i32
      %mul3A_64 = arith.constant 5120 : i32
      %mul3A_65 = arith.muli %add3A, %mul3A_64 : i32
      %mul3A_66 = arith.constant 128 : i32
      %mul3A_67 = arith.muli %add3A_63, %mul3A_66 : i32
      %add3A_68 = arith.addi %mul3A_65, %mul3A_67 : i32
      %multiple_of3A_69 = tpu.assume_multiple %add3A_68, 8 : i32
      %dma_wait3A = arith.constant 0 : i32
      %dma_wait3A_70 = tpu.memref_slice %arg2[%multiple_of3A_69, %dma_wait3A] : memref<163840x128xf32, #tpu.memory_space<hbm>> -> memref<128x128xf32, #tpu.memory_space<hbm>>
      %dma_wait3A_71 = arith.constant 0 : i32
      %dma_wait3A_72 = tpu.memref_slice %arg2[%multiple_of3A_69, %dma_wait3A_71] : memref<163840x128xf32, #tpu.memory_space<hbm>> -> memref<128x128xf32, #tpu.memory_space<hbm>>
      tpu.wait_dma2 semaphore(%arg11 : memref<!tpu.dma_semaphore, #tpu.memory_space<semaphore_mem>>) src(%dma_wait3A_72 : memref<128x128xf32, #tpu.memory_space<hbm>>) dst(%arg8 : memref<128x128xf32, #tpu.memory_space<vmem>>)
      %add3A_73 = arith.constant 0 : i32
      %add3A_74 = arith.addi %add3A_73, %add3A_63 : i32
      "tpu.region"() ({
        %run_scoped3A = tpu.sem_alloc : memref<!tpu.dma_semaphore, #tpu.memory_space<semaphore_mem>>
        %dma_start3A_102 = arith.constant 0 : i32
        %dma_start3A_103 = tpu.memref_slice %arg7[%add3A_74, %dma_start3A_102] : memref<80x128xi32, #tpu.memory_space<vmem>> -> memref<1x128xi32, #tpu.memory_space<vmem>>
        %dma_start3A_104 = tpu.memref_squeeze %dma_start3A_103 : memref<1x128xi32, #tpu.memory_space<vmem>> -> memref<128xi32, #tpu.memory_space<vmem>>
        %dma_start3A_105 = arith.constant 0 : i32
        %dma_start3A_106 = arith.constant 0 : i32
        %dma_start3A_107 = tpu.memref_slice %arg10[%dma_start3A_105, %dma_start3A_106] : memref<10240x128xf32, #tpu.memory_space<vmem_shared>> -> memref<10240x128xf32, #tpu.memory_space<vmem_shared>>
        tpu.enqueue_indirect_dma source(%arg8 : memref<128x128xf32, #tpu.memory_space<vmem>>) target(%dma_start3A_107 : memref<10240x128xf32, #tpu.memory_space<vmem_shared>>) offsets(%dma_start3A_104 : memref<128xi32, #tpu.memory_space<vmem>>) semaphore(%run_scoped3A : memref<!tpu.dma_semaphore, #tpu.memory_space<semaphore_mem>>) {add = true}
        %dma_wait3A_108 = arith.constant 0 : i32
        %dma_wait3A_109 = tpu.memref_slice %arg7[%add3A_74, %dma_wait3A_108] : memref<80x128xi32, #tpu.memory_space<vmem>> -> memref<1x128xi32, #tpu.memory_space<vmem>>
        %dma_wait3A_110 = tpu.memref_squeeze %dma_wait3A_109 : memref<1x128xi32, #tpu.memory_space<vmem>> -> memref<128xi32, #tpu.memory_space<vmem>>
        %dma_wait3A_111 = arith.constant 0 : i32
        %dma_wait3A_112 = arith.constant 0 : i32
        %dma_wait3A_113 = tpu.memref_slice %arg10[%dma_wait3A_111, %dma_wait3A_112] : memref<10240x128xf32, #tpu.memory_space<vmem_shared>> -> memref<10240x128xf32, #tpu.memory_space<vmem_shared>>
        tpu.wait_indirect_dma semaphore(%run_scoped3A : memref<!tpu.dma_semaphore, #tpu.memory_space<semaphore_mem>>) src(%arg8 : memref<128x128xf32, #tpu.memory_space<vmem>>) dst(%dma_wait3A_113 : memref<10240x128xf32, #tpu.memory_space<vmem_shared>>)
        tpu.yield
      }) : () -> ()
      %add3A_75 = arith.constant 2 : i32
      %add3A_76 = arith.addi %add3A_63, %add3A_75 : i32
      %lt3A = arith.constant 40 : i32
      %lt3A_77 = arith.cmpi slt, %add3A_76, %lt3A : i32
      %convert_element_type3A = arith.extui %lt3A_77 : i1 to i32
      %cond3A = arith.constant 0 : i32
      %cond3A_78 = arith.cmpi ne, %convert_element_type3A, %cond3A : i32
      scf.if %cond3A_78 {
        %add3A_102 = arith.constant 2 : i32
        %add3A_103 = arith.addi %add3A_63, %add3A_102 : i32
        %mul3A_104 = arith.constant 5120 : i32
        %mul3A_105 = arith.muli %add3A, %mul3A_104 : i32
        %mul3A_106 = arith.constant 128 : i32
        %mul3A_107 = arith.muli %add3A_103, %mul3A_106 : i32
        %add3A_108 = arith.addi %mul3A_105, %mul3A_107 : i32
        %multiple_of3A_109 = tpu.assume_multiple %add3A_108, 8 : i32
        %dma_start3A_110 = arith.constant 0 : i32
        %dma_start3A_111 = tpu.memref_slice %arg2[%multiple_of3A_109, %dma_start3A_110] : memref<163840x128xf32, #tpu.memory_space<hbm>> -> memref<128x128xf32, #tpu.memory_space<hbm>>
        %dma_start3A_112 = arith.constant 0 : i32
        %dma_start3A_113 = tpu.memref_slice %arg2[%multiple_of3A_109, %dma_start3A_112] : memref<163840x128xf32, #tpu.memory_space<hbm>> -> memref<128x128xf32, #tpu.memory_space<hbm>>
        tpu.enqueue_dma source(%dma_start3A_113 : memref<128x128xf32, #tpu.memory_space<hbm>>) target(%arg8 : memref<128x128xf32, #tpu.memory_space<vmem>>) target_semaphore(%arg11 : memref<!tpu.dma_semaphore, #tpu.memory_space<semaphore_mem>>)
      } else {
      }
      %mul3A_79 = arith.constant 2 : i32
      %mul3A_80 = arith.muli %scan3A_59, %mul3A_79 : i32
      %add3A_81 = arith.constant 1 : i32
      %add3A_82 = arith.addi %mul3A_80, %add3A_81 : i32
      %mul3A_83 = arith.constant 5120 : i32
      %mul3A_84 = arith.muli %add3A, %mul3A_83 : i32
      %mul3A_85 = arith.constant 128 : i32
      %mul3A_86 = arith.muli %add3A_82, %mul3A_85 : i32
      %add3A_87 = arith.addi %mul3A_84, %mul3A_86 : i32
      %multiple_of3A_88 = tpu.assume_multiple %add3A_87, 8 : i32
      %dma_wait3A_89 = arith.constant 0 : i32
      %dma_wait3A_90 = tpu.memref_slice %arg2[%multiple_of3A_88, %dma_wait3A_89] : memref<163840x128xf32, #tpu.memory_space<hbm>> -> memref<128x128xf32, #tpu.memory_space<hbm>>
      %dma_wait3A_91 = arith.constant 0 : i32
      %dma_wait3A_92 = tpu.memref_slice %arg2[%multiple_of3A_88, %dma_wait3A_91] : memref<163840x128xf32, #tpu.memory_space<hbm>> -> memref<128x128xf32, #tpu.memory_space<hbm>>
      tpu.wait_dma2 semaphore(%arg12 : memref<!tpu.dma_semaphore, #tpu.memory_space<semaphore_mem>>) src(%dma_wait3A_92 : memref<128x128xf32, #tpu.memory_space<hbm>>) dst(%arg9 : memref<128x128xf32, #tpu.memory_space<vmem>>)
      %add3A_93 = arith.constant 0 : i32
      %add3A_94 = arith.addi %add3A_93, %add3A_82 : i32
      "tpu.region"() ({
        %run_scoped3A = tpu.sem_alloc : memref<!tpu.dma_semaphore, #tpu.memory_space<semaphore_mem>>
        %dma_start3A_102 = arith.constant 0 : i32
        %dma_start3A_103 = tpu.memref_slice %arg7[%add3A_94, %dma_start3A_102] : memref<80x128xi32, #tpu.memory_space<vmem>> -> memref<1x128xi32, #tpu.memory_space<vmem>>
        %dma_start3A_104 = tpu.memref_squeeze %dma_start3A_103 : memref<1x128xi32, #tpu.memory_space<vmem>> -> memref<128xi32, #tpu.memory_space<vmem>>
        %dma_start3A_105 = arith.constant 0 : i32
        %dma_start3A_106 = arith.constant 0 : i32
        %dma_start3A_107 = tpu.memref_slice %arg10[%dma_start3A_105, %dma_start3A_106] : memref<10240x128xf32, #tpu.memory_space<vmem_shared>> -> memref<10240x128xf32, #tpu.memory_space<vmem_shared>>
        tpu.enqueue_indirect_dma source(%arg9 : memref<128x128xf32, #tpu.memory_space<vmem>>) target(%dma_start3A_107 : memref<10240x128xf32, #tpu.memory_space<vmem_shared>>) offsets(%dma_start3A_104 : memref<128xi32, #tpu.memory_space<vmem>>) semaphore(%run_scoped3A : memref<!tpu.dma_semaphore, #tpu.memory_space<semaphore_mem>>) {add = true}
        %dma_wait3A_108 = arith.constant 0 : i32
        %dma_wait3A_109 = tpu.memref_slice %arg7[%add3A_94, %dma_wait3A_108] : memref<80x128xi32, #tpu.memory_space<vmem>> -> memref<1x128xi32, #tpu.memory_space<vmem>>
        %dma_wait3A_110 = tpu.memref_squeeze %dma_wait3A_109 : memref<1x128xi32, #tpu.memory_space<vmem>> -> memref<128xi32, #tpu.memory_space<vmem>>
        %dma_wait3A_111 = arith.constant 0 : i32
        %dma_wait3A_112 = arith.constant 0 : i32
        %dma_wait3A_113 = tpu.memref_slice %arg10[%dma_wait3A_111, %dma_wait3A_112] : memref<10240x128xf32, #tpu.memory_space<vmem_shared>> -> memref<10240x128xf32, #tpu.memory_space<vmem_shared>>
        tpu.wait_indirect_dma semaphore(%run_scoped3A : memref<!tpu.dma_semaphore, #tpu.memory_space<semaphore_mem>>) src(%arg9 : memref<128x128xf32, #tpu.memory_space<vmem>>) dst(%dma_wait3A_113 : memref<10240x128xf32, #tpu.memory_space<vmem_shared>>)
        tpu.yield
      }) : () -> ()
      %add3A_95 = arith.constant 2 : i32
      %add3A_96 = arith.addi %add3A_82, %add3A_95 : i32
      %lt3A_97 = arith.constant 40 : i32
      %lt3A_98 = arith.cmpi slt, %add3A_96, %lt3A_97 : i32
      %convert_element_type3A_99 = arith.extui %lt3A_98 : i1 to i32
      %cond3A_100 = arith.constant 0 : i32
      %cond3A_101 = arith.cmpi ne, %convert_element_type3A_99, %cond3A_100 : i32
      scf.if %cond3A_101 {
        %add3A_102 = arith.constant 2 : i32
        %add3A_103 = arith.addi %add3A_82, %add3A_102 : i32
        %mul3A_104 = arith.constant 5120 : i32
        %mul3A_105 = arith.muli %add3A, %mul3A_104 : i32
        %mul3A_106 = arith.constant 128 : i32
        %mul3A_107 = arith.muli %add3A_103, %mul3A_106 : i32
        %add3A_108 = arith.addi %mul3A_105, %mul3A_107 : i32
        %multiple_of3A_109 = tpu.assume_multiple %add3A_108, 8 : i32
        %dma_start3A_110 = arith.constant 0 : i32
        %dma_start3A_111 = tpu.memref_slice %arg2[%multiple_of3A_109, %dma_start3A_110] : memref<163840x128xf32, #tpu.memory_space<hbm>> -> memref<128x128xf32, #tpu.memory_space<hbm>>
        %dma_start3A_112 = arith.constant 0 : i32
        %dma_start3A_113 = tpu.memref_slice %arg2[%multiple_of3A_109, %dma_start3A_112] : memref<163840x128xf32, #tpu.memory_space<hbm>> -> memref<128x128xf32, #tpu.memory_space<hbm>>
        tpu.enqueue_dma source(%dma_start3A_113 : memref<128x128xf32, #tpu.memory_space<hbm>>) target(%arg9 : memref<128x128xf32, #tpu.memory_space<vmem>>) target_semaphore(%arg12 : memref<!tpu.dma_semaphore, #tpu.memory_space<semaphore_mem>>)
      } else {
      }
    }
    %scan3A_27 = arith.constant 20 : i32
    %mul3A_28 = arith.constant 5120 : i32
    %mul3A_29 = arith.muli %add3A, %mul3A_28 : i32
    %add3A_30 = arith.constant 0 : i32
    %add3A_31 = arith.addi %mul3A_29, %add3A_30 : i32
    %multiple_of3A_32 = tpu.assume_multiple %add3A_31, 8 : i32
    %dma_start3A_33 = arith.constant 0 : i32
    %dma_start3A_34 = tpu.memref_slice %arg3[%multiple_of3A_32, %dma_start3A_33] : memref<163840x128xf32, #tpu.memory_space<hbm>> -> memref<128x128xf32, #tpu.memory_space<hbm>>
    %dma_start3A_35 = arith.constant 0 : i32
    %dma_start3A_36 = tpu.memref_slice %arg3[%multiple_of3A_32, %dma_start3A_35] : memref<163840x128xf32, #tpu.memory_space<hbm>> -> memref<128x128xf32, #tpu.memory_space<hbm>>
    tpu.enqueue_dma source(%dma_start3A_36 : memref<128x128xf32, #tpu.memory_space<hbm>>) target(%arg8 : memref<128x128xf32, #tpu.memory_space<vmem>>) target_semaphore(%arg11 : memref<!tpu.dma_semaphore, #tpu.memory_space<semaphore_mem>>)
    %mul3A_37 = arith.constant 5120 : i32
    %mul3A_38 = arith.muli %add3A, %mul3A_37 : i32
    %add3A_39 = arith.constant 128 : i32
    %add3A_40 = arith.addi %mul3A_38, %add3A_39 : i32
    %multiple_of3A_41 = tpu.assume_multiple %add3A_40, 8 : i32
    %dma_start3A_42 = arith.constant 0 : i32
    %dma_start3A_43 = tpu.memref_slice %arg3[%multiple_of3A_41, %dma_start3A_42] : memref<163840x128xf32, #tpu.memory_space<hbm>> -> memref<128x128xf32, #tpu.memory_space<hbm>>
    %dma_start3A_44 = arith.constant 0 : i32
    %dma_start3A_45 = tpu.memref_slice %arg3[%multiple_of3A_41, %dma_start3A_44] : memref<163840x128xf32, #tpu.memory_space<hbm>> -> memref<128x128xf32, #tpu.memory_space<hbm>>
    tpu.enqueue_dma source(%dma_start3A_45 : memref<128x128xf32, #tpu.memory_space<hbm>>) target(%arg9 : memref<128x128xf32, #tpu.memory_space<vmem>>) target_semaphore(%arg12 : memref<!tpu.dma_semaphore, #tpu.memory_space<semaphore_mem>>)
    %scan3A_46 = arith.constant 0 : i32
    %scan3A_47 = arith.constant 0 : i32
    %scan3A_48 = arith.constant 20 : i32
    %scan3A_49 = arith.addi %scan3A_47, %scan3A_48 : i32
    %scan3A_50 = arith.constant 1 : i32
    scf.for %scan3A_59 = %scan3A_47 to %scan3A_49 step %scan3A_50  : i32 {
      %mul3A_60 = arith.constant 2 : i32
      %mul3A_61 = arith.muli %scan3A_59, %mul3A_60 : i32
      %add3A_62 = arith.constant 0 : i32
      %add3A_63 = arith.addi %mul3A_61, %add3A_62 : i32
      %mul3A_64 = arith.constant 5120 : i32
      %mul3A_65 = arith.muli %add3A, %mul3A_64 : i32
      %mul3A_66 = arith.constant 128 : i32
      %mul3A_67 = arith.muli %add3A_63, %mul3A_66 : i32
      %add3A_68 = arith.addi %mul3A_65, %mul3A_67 : i32
      %multiple_of3A_69 = tpu.assume_multiple %add3A_68, 8 : i32
      %dma_wait3A = arith.constant 0 : i32
      %dma_wait3A_70 = tpu.memref_slice %arg3[%multiple_of3A_69, %dma_wait3A] : memref<163840x128xf32, #tpu.memory_space<hbm>> -> memref<128x128xf32, #tpu.memory_space<hbm>>
      %dma_wait3A_71 = arith.constant 0 : i32
      %dma_wait3A_72 = tpu.memref_slice %arg3[%multiple_of3A_69, %dma_wait3A_71] : memref<163840x128xf32, #tpu.memory_space<hbm>> -> memref<128x128xf32, #tpu.memory_space<hbm>>
      tpu.wait_dma2 semaphore(%arg11 : memref<!tpu.dma_semaphore, #tpu.memory_space<semaphore_mem>>) src(%dma_wait3A_72 : memref<128x128xf32, #tpu.memory_space<hbm>>) dst(%arg8 : memref<128x128xf32, #tpu.memory_space<vmem>>)
      %add3A_73 = arith.constant 40 : i32
      %add3A_74 = arith.addi %add3A_73, %add3A_63 : i32
      "tpu.region"() ({
        %run_scoped3A = tpu.sem_alloc : memref<!tpu.dma_semaphore, #tpu.memory_space<semaphore_mem>>
        %dma_start3A_102 = arith.constant 0 : i32
        %dma_start3A_103 = tpu.memref_slice %arg7[%add3A_74, %dma_start3A_102] : memref<80x128xi32, #tpu.memory_space<vmem>> -> memref<1x128xi32, #tpu.memory_space<vmem>>
        %dma_start3A_104 = tpu.memref_squeeze %dma_start3A_103 : memref<1x128xi32, #tpu.memory_space<vmem>> -> memref<128xi32, #tpu.memory_space<vmem>>
        %dma_start3A_105 = arith.constant 0 : i32
        %dma_start3A_106 = arith.constant 0 : i32
        %dma_start3A_107 = tpu.memref_slice %arg10[%dma_start3A_105, %dma_start3A_106] : memref<10240x128xf32, #tpu.memory_space<vmem_shared>> -> memref<10240x128xf32, #tpu.memory_space<vmem_shared>>
        tpu.enqueue_indirect_dma source(%arg8 : memref<128x128xf32, #tpu.memory_space<vmem>>) target(%dma_start3A_107 : memref<10240x128xf32, #tpu.memory_space<vmem_shared>>) offsets(%dma_start3A_104 : memref<128xi32, #tpu.memory_space<vmem>>) semaphore(%run_scoped3A : memref<!tpu.dma_semaphore, #tpu.memory_space<semaphore_mem>>) {add = true}
        %dma_wait3A_108 = arith.constant 0 : i32
        %dma_wait3A_109 = tpu.memref_slice %arg7[%add3A_74, %dma_wait3A_108] : memref<80x128xi32, #tpu.memory_space<vmem>> -> memref<1x128xi32, #tpu.memory_space<vmem>>
        %dma_wait3A_110 = tpu.memref_squeeze %dma_wait3A_109 : memref<1x128xi32, #tpu.memory_space<vmem>> -> memref<128xi32, #tpu.memory_space<vmem>>
        %dma_wait3A_111 = arith.constant 0 : i32
        %dma_wait3A_112 = arith.constant 0 : i32
        %dma_wait3A_113 = tpu.memref_slice %arg10[%dma_wait3A_111, %dma_wait3A_112] : memref<10240x128xf32, #tpu.memory_space<vmem_shared>> -> memref<10240x128xf32, #tpu.memory_space<vmem_shared>>
        tpu.wait_indirect_dma semaphore(%run_scoped3A : memref<!tpu.dma_semaphore, #tpu.memory_space<semaphore_mem>>) src(%arg8 : memref<128x128xf32, #tpu.memory_space<vmem>>) dst(%dma_wait3A_113 : memref<10240x128xf32, #tpu.memory_space<vmem_shared>>)
        tpu.yield
      }) : () -> ()
      %add3A_75 = arith.constant 2 : i32
      %add3A_76 = arith.addi %add3A_63, %add3A_75 : i32
      %lt3A = arith.constant 40 : i32
      %lt3A_77 = arith.cmpi slt, %add3A_76, %lt3A : i32
      %convert_element_type3A = arith.extui %lt3A_77 : i1 to i32
      %cond3A = arith.constant 0 : i32
      %cond3A_78 = arith.cmpi ne, %convert_element_type3A, %cond3A : i32
      scf.if %cond3A_78 {
        %add3A_102 = arith.constant 2 : i32
        %add3A_103 = arith.addi %add3A_63, %add3A_102 : i32
        %mul3A_104 = arith.constant 5120 : i32
        %mul3A_105 = arith.muli %add3A, %mul3A_104 : i32
        %mul3A_106 = arith.constant 128 : i32
        %mul3A_107 = arith.muli %add3A_103, %mul3A_106 : i32
        %add3A_108 = arith.addi %mul3A_105, %mul3A_107 : i32
        %multiple_of3A_109 = tpu.assume_multiple %add3A_108, 8 : i32
        %dma_start3A_110 = arith.constant 0 : i32
        %dma_start3A_111 = tpu.memref_slice %arg3[%multiple_of3A_109, %dma_start3A_110] : memref<163840x128xf32, #tpu.memory_space<hbm>> -> memref<128x128xf32, #tpu.memory_space<hbm>>
        %dma_start3A_112 = arith.constant 0 : i32
        %dma_start3A_113 = tpu.memref_slice %arg3[%multiple_of3A_109, %dma_start3A_112] : memref<163840x128xf32, #tpu.memory_space<hbm>> -> memref<128x128xf32, #tpu.memory_space<hbm>>
        tpu.enqueue_dma source(%dma_start3A_113 : memref<128x128xf32, #tpu.memory_space<hbm>>) target(%arg8 : memref<128x128xf32, #tpu.memory_space<vmem>>) target_semaphore(%arg11 : memref<!tpu.dma_semaphore, #tpu.memory_space<semaphore_mem>>)
      } else {
      }
      %mul3A_79 = arith.constant 2 : i32
      %mul3A_80 = arith.muli %scan3A_59, %mul3A_79 : i32
      %add3A_81 = arith.constant 1 : i32
      %add3A_82 = arith.addi %mul3A_80, %add3A_81 : i32
      %mul3A_83 = arith.constant 5120 : i32
      %mul3A_84 = arith.muli %add3A, %mul3A_83 : i32
      %mul3A_85 = arith.constant 128 : i32
      %mul3A_86 = arith.muli %add3A_82, %mul3A_85 : i32
      %add3A_87 = arith.addi %mul3A_84, %mul3A_86 : i32
      %multiple_of3A_88 = tpu.assume_multiple %add3A_87, 8 : i32
      %dma_wait3A_89 = arith.constant 0 : i32
      %dma_wait3A_90 = tpu.memref_slice %arg3[%multiple_of3A_88, %dma_wait3A_89] : memref<163840x128xf32, #tpu.memory_space<hbm>> -> memref<128x128xf32, #tpu.memory_space<hbm>>
      %dma_wait3A_91 = arith.constant 0 : i32
      %dma_wait3A_92 = tpu.memref_slice %arg3[%multiple_of3A_88, %dma_wait3A_91] : memref<163840x128xf32, #tpu.memory_space<hbm>> -> memref<128x128xf32, #tpu.memory_space<hbm>>
      tpu.wait_dma2 semaphore(%arg12 : memref<!tpu.dma_semaphore, #tpu.memory_space<semaphore_mem>>) src(%dma_wait3A_92 : memref<128x128xf32, #tpu.memory_space<hbm>>) dst(%arg9 : memref<128x128xf32, #tpu.memory_space<vmem>>)
      %add3A_93 = arith.constant 40 : i32
      %add3A_94 = arith.addi %add3A_93, %add3A_82 : i32
      "tpu.region"() ({
        %run_scoped3A = tpu.sem_alloc : memref<!tpu.dma_semaphore, #tpu.memory_space<semaphore_mem>>
        %dma_start3A_102 = arith.constant 0 : i32
        %dma_start3A_103 = tpu.memref_slice %arg7[%add3A_94, %dma_start3A_102] : memref<80x128xi32, #tpu.memory_space<vmem>> -> memref<1x128xi32, #tpu.memory_space<vmem>>
        %dma_start3A_104 = tpu.memref_squeeze %dma_start3A_103 : memref<1x128xi32, #tpu.memory_space<vmem>> -> memref<128xi32, #tpu.memory_space<vmem>>
        %dma_start3A_105 = arith.constant 0 : i32
        %dma_start3A_106 = arith.constant 0 : i32
        %dma_start3A_107 = tpu.memref_slice %arg10[%dma_start3A_105, %dma_start3A_106] : memref<10240x128xf32, #tpu.memory_space<vmem_shared>> -> memref<10240x128xf32, #tpu.memory_space<vmem_shared>>
        tpu.enqueue_indirect_dma source(%arg9 : memref<128x128xf32, #tpu.memory_space<vmem>>) target(%dma_start3A_107 : memref<10240x128xf32, #tpu.memory_space<vmem_shared>>) offsets(%dma_start3A_104 : memref<128xi32, #tpu.memory_space<vmem>>) semaphore(%run_scoped3A : memref<!tpu.dma_semaphore, #tpu.memory_space<semaphore_mem>>) {add = true}
        %dma_wait3A_108 = arith.constant 0 : i32
        %dma_wait3A_109 = tpu.memref_slice %arg7[%add3A_94, %dma_wait3A_108] : memref<80x128xi32, #tpu.memory_space<vmem>> -> memref<1x128xi32, #tpu.memory_space<vmem>>
        %dma_wait3A_110 = tpu.memref_squeeze %dma_wait3A_109 : memref<1x128xi32, #tpu.memory_space<vmem>> -> memref<128xi32, #tpu.memory_space<vmem>>
        %dma_wait3A_111 = arith.constant 0 : i32
        %dma_wait3A_112 = arith.constant 0 : i32
        %dma_wait3A_113 = tpu.memref_slice %arg10[%dma_wait3A_111, %dma_wait3A_112] : memref<10240x128xf32, #tpu.memory_space<vmem_shared>> -> memref<10240x128xf32, #tpu.memory_space<vmem_shared>>
        tpu.wait_indirect_dma semaphore(%run_scoped3A : memref<!tpu.dma_semaphore, #tpu.memory_space<semaphore_mem>>) src(%arg9 : memref<128x128xf32, #tpu.memory_space<vmem>>) dst(%dma_wait3A_113 : memref<10240x128xf32, #tpu.memory_space<vmem_shared>>)
        tpu.yield
      }) : () -> ()
      %add3A_95 = arith.constant 2 : i32
      %add3A_96 = arith.addi %add3A_82, %add3A_95 : i32
      %lt3A_97 = arith.constant 40 : i32
      %lt3A_98 = arith.cmpi slt, %add3A_96, %lt3A_97 : i32
      %convert_element_type3A_99 = arith.extui %lt3A_98 : i1 to i32
      %cond3A_100 = arith.constant 0 : i32
      %cond3A_101 = arith.cmpi ne, %convert_element_type3A_99, %cond3A_100 : i32
      scf.if %cond3A_101 {
        %add3A_102 = arith.constant 2 : i32
        %add3A_103 = arith.addi %add3A_82, %add3A_102 : i32
        %mul3A_104 = arith.constant 5120 : i32
        %mul3A_105 = arith.muli %add3A, %mul3A_104 : i32
        %mul3A_106 = arith.constant 128 : i32
        %mul3A_107 = arith.muli %add3A_103, %mul3A_106 : i32
        %add3A_108 = arith.addi %mul3A_105, %mul3A_107 : i32
        %multiple_of3A_109 = tpu.assume_multiple %add3A_108, 8 : i32
        %dma_start3A_110 = arith.constant 0 : i32
        %dma_start3A_111 = tpu.memref_slice %arg3[%multiple_of3A_109, %dma_start3A_110] : memref<163840x128xf32, #tpu.memory_space<hbm>> -> memref<128x128xf32, #tpu.memory_space<hbm>>
        %dma_start3A_112 = arith.constant 0 : i32
        %dma_start3A_113 = tpu.memref_slice %arg3[%multiple_of3A_109, %dma_start3A_112] : memref<163840x128xf32, #tpu.memory_space<hbm>> -> memref<128x128xf32, #tpu.memory_space<hbm>>
        tpu.enqueue_dma source(%dma_start3A_113 : memref<128x128xf32, #tpu.memory_space<hbm>>) target(%arg9 : memref<128x128xf32, #tpu.memory_space<vmem>>) target_semaphore(%arg12 : memref<!tpu.dma_semaphore, #tpu.memory_space<semaphore_mem>>)
      } else {
      }
    }
    %scan3A_51 = arith.constant 20 : i32
    %barrier3A_52 = arith.constant 0 : index
    tpu.barrier barrier_id(%barrier3A_52)
    %scan3A_53 = arith.constant 0 : i32
    %scan3A_54 = arith.constant 0 : i32
    %scan3A_55 = arith.constant 5 : i32
    %scan3A_56 = arith.addi %scan3A_54, %scan3A_55 : i32
    %scan3A_57 = arith.constant 1 : i32
    scf.for %scan3A_59 = %scan3A_54 to %scan3A_56 step %scan3A_57  : i32 {
      %mul3A_60 = arith.constant 640 : i32
      %mul3A_61 = arith.muli %arg1, %mul3A_60 : i32
      %mul3A_62 = arith.constant 128 : i32
      %mul3A_63 = arith.muli %scan3A_59, %mul3A_62 : i32
      %add3A_64 = arith.addi %mul3A_61, %mul3A_63 : i32
      %multiple_of3A_65 = tpu.assume_multiple %add3A_64, 8 : i32
      "tpu.region"() ({
        %run_scoped3A = tpu.sem_alloc : memref<!tpu.dma_semaphore, #tpu.memory_space<semaphore_mem>>
        %dma_start3A_66 = arith.constant 0 : i32
        %dma_start3A_67 = tpu.memref_slice %arg10[%multiple_of3A_65, %dma_start3A_66] : memref<10240x128xf32, #tpu.memory_space<vmem_shared>> -> memref<128x128xf32, #tpu.memory_space<vmem_shared>>
        %dma_start3A_68 = arith.constant 0 : i32
        %dma_start3A_69 = tpu.memref_slice %arg10[%multiple_of3A_65, %dma_start3A_68] : memref<10240x128xf32, #tpu.memory_space<vmem_shared>> -> memref<128x128xf32, #tpu.memory_space<vmem_shared>>
        tpu.enqueue_dma source(%dma_start3A_69 : memref<128x128xf32, #tpu.memory_space<vmem_shared>>) target(%arg8 : memref<128x128xf32, #tpu.memory_space<vmem>>) target_semaphore(%run_scoped3A : memref<!tpu.dma_semaphore, #tpu.memory_space<semaphore_mem>>)
        %dma_wait3A = arith.constant 0 : i32
        %dma_wait3A_70 = tpu.memref_slice %arg10[%multiple_of3A_65, %dma_wait3A] : memref<10240x128xf32, #tpu.memory_space<vmem_shared>> -> memref<128x128xf32, #tpu.memory_space<vmem_shared>>
        %dma_wait3A_71 = arith.constant 0 : i32
        %dma_wait3A_72 = tpu.memref_slice %arg10[%multiple_of3A_65, %dma_wait3A_71] : memref<10240x128xf32, #tpu.memory_space<vmem_shared>> -> memref<128x128xf32, #tpu.memory_space<vmem_shared>>
        tpu.wait_dma2 semaphore(%run_scoped3A : memref<!tpu.dma_semaphore, #tpu.memory_space<semaphore_mem>>) src(%dma_wait3A_72 : memref<128x128xf32, #tpu.memory_space<vmem_shared>>) dst(%arg8 : memref<128x128xf32, #tpu.memory_space<vmem>>)
        tpu.yield
      }) : () -> ()
      "tpu.region"() ({
        %run_scoped3A = tpu.sem_alloc : memref<!tpu.dma_semaphore, #tpu.memory_space<semaphore_mem>>
        %dma_start3A_66 = arith.constant 0 : i32
        %dma_start3A_67 = arith.constant 0 : i32
        %dma_start3A_68 = tpu.memref_slice %arg6[%arg0, %dma_start3A_66, %dma_start3A_67] : memref<2x10240x128xf32, #tpu.memory_space<hbm>> -> memref<1x10240x128xf32, #tpu.memory_space<hbm>>
        %dma_start3A_69 = tpu.memref_squeeze %dma_start3A_68 : memref<1x10240x128xf32, #tpu.memory_space<hbm>> -> memref<10240x128xf32, #tpu.memory_space<hbm>>
        %dma_start3A_70 = arith.constant 0 : i32
        %dma_start3A_71 = tpu.memref_slice %dma_start3A_69[%multiple_of3A_65, %dma_start3A_70] : memref<10240x128xf32, #tpu.memory_space<hbm>> -> memref<128x128xf32, #tpu.memory_space<hbm>>
        %dma_start3A_72 = arith.constant 0 : i32
        %dma_start3A_73 = arith.constant 0 : i32
        %dma_start3A_74 = tpu.memref_slice %arg6[%arg0, %dma_start3A_72, %dma_start3A_73] : memref<2x10240x128xf32, #tpu.memory_space<hbm>> -> memref<1x10240x128xf32, #tpu.memory_space<hbm>>
        %dma_start3A_75 = tpu.memref_squeeze %dma_start3A_74 : memref<1x10240x128xf32, #tpu.memory_space<hbm>> -> memref<10240x128xf32, #tpu.memory_space<hbm>>
        %dma_start3A_76 = arith.constant 0 : i32
        %dma_start3A_77 = tpu.memref_slice %dma_start3A_75[%multiple_of3A_65, %dma_start3A_76] : memref<10240x128xf32, #tpu.memory_space<hbm>> -> memref<128x128xf32, #tpu.memory_space<hbm>>
        tpu.enqueue_dma source(%arg8 : memref<128x128xf32, #tpu.memory_space<vmem>>) target(%dma_start3A_77 : memref<128x128xf32, #tpu.memory_space<hbm>>) target_semaphore(%run_scoped3A : memref<!tpu.dma_semaphore, #tpu.memory_space<semaphore_mem>>)
        %dma_wait3A = arith.constant 0 : i32
        %dma_wait3A_78 = arith.constant 0 : i32
        %dma_wait3A_79 = tpu.memref_slice %arg6[%arg0, %dma_wait3A, %dma_wait3A_78] : memref<2x10240x128xf32, #tpu.memory_space<hbm>> -> memref<1x10240x128xf32, #tpu.memory_space<hbm>>
        %dma_wait3A_80 = tpu.memref_squeeze %dma_wait3A_79 : memref<1x10240x128xf32, #tpu.memory_space<hbm>> -> memref<10240x128xf32, #tpu.memory_space<hbm>>
        %dma_wait3A_81 = arith.constant 0 : i32
        %dma_wait3A_82 = tpu.memref_slice %dma_wait3A_80[%multiple_of3A_65, %dma_wait3A_81] : memref<10240x128xf32, #tpu.memory_space<hbm>> -> memref<128x128xf32, #tpu.memory_space<hbm>>
        %dma_wait3A_83 = arith.constant 0 : i32
        %dma_wait3A_84 = arith.constant 0 : i32
        %dma_wait3A_85 = tpu.memref_slice %arg6[%arg0, %dma_wait3A_83, %dma_wait3A_84] : memref<2x10240x128xf32, #tpu.memory_space<hbm>> -> memref<1x10240x128xf32, #tpu.memory_space<hbm>>
        %dma_wait3A_86 = tpu.memref_squeeze %dma_wait3A_85 : memref<1x10240x128xf32, #tpu.memory_space<hbm>> -> memref<10240x128xf32, #tpu.memory_space<hbm>>
        %dma_wait3A_87 = arith.constant 0 : i32
        %dma_wait3A_88 = tpu.memref_slice %dma_wait3A_86[%multiple_of3A_65, %dma_wait3A_87] : memref<10240x128xf32, #tpu.memory_space<hbm>> -> memref<128x128xf32, #tpu.memory_space<hbm>>
        tpu.wait_dma2 semaphore(%run_scoped3A : memref<!tpu.dma_semaphore, #tpu.memory_space<semaphore_mem>>) src(%arg8 : memref<128x128xf32, #tpu.memory_space<vmem>>) dst(%dma_wait3A_88 : memref<128x128xf32, #tpu.memory_space<hbm>>)
        tpu.yield
      }) : () -> ()
    }
    %scan3A_58 = arith.constant 5 : i32
    return
  }
}

#map = affine_map<(d0, d1) -> (0, 0)>
#map1 = affine_map<(d0, d1) -> (0, 0, 0)>
module attributes {stable_mosaic.version = 14 : i64} {
  func.func @k(%arg0: i32, %arg1: i32, %arg2: memref<10000x128xi32, #tpu.memory_space<hbm>>, %arg3: memref<10000x128xi32, #tpu.memory_space<hbm>>, %arg4: memref<32x40x128xi32, #tpu.memory_space<hbm>>, %arg5: memref<32x40x128xi32, #tpu.memory_space<hbm>>, %arg6: memref<163840x128xi32, #tpu.memory_space<hbm>>, %arg7: memref<163840x128xi32, #tpu.memory_space<hbm>>, %arg8: memref<40x128xi32, #tpu.memory_space<vmem>>, %arg9: memref<40x128xi32, #tpu.memory_space<vmem>>, %arg10: memref<128x128xi32, #tpu.memory_space<vmem>>, %arg11: memref<128x128xi32, #tpu.memory_space<vmem>>, %arg12: memref<128x128xi32, #tpu.memory_space<vmem>>, %arg13: memref<128x128xi32, #tpu.memory_space<vmem>>, %arg14: memref<!tpu.dma_semaphore, #tpu.memory_space<semaphore_mem>>, %arg15: memref<!tpu.dma_semaphore, #tpu.memory_space<semaphore_mem>>, %arg16: memref<!tpu.dma_semaphore, #tpu.memory_space<semaphore_mem>>, %arg17: memref<!tpu.dma_semaphore, #tpu.memory_space<semaphore_mem>>) attributes {dimension_semantics = [#tpu.dimension_semantics<core_parallel>, #tpu.dimension_semantics<subcore_parallel>], iteration_bounds = array<i64: 2, 16>, scalar_prefetch = 0 : i64, scratch_operands = 10 : i64, tpu.core_type = #tpu.core_type<sc_vector_subcore>, window_params = [{transform_indices = #map}, {transform_indices = #map}, {transform_indices = #map1}, {transform_indices = #map1}, {transform_indices = #map}, {transform_indices = #map}]} {
    %mul3A = arith.constant 2 : i32
    %mul3A_0 = arith.muli %arg1, %mul3A : i32
    %add3A = arith.addi %mul3A_0, %arg0 : i32
    "tpu.region"() ({
      %run_scoped3A = tpu.sem_alloc : memref<!tpu.dma_semaphore, #tpu.memory_space<semaphore_mem>>
      %dma_start3A_33 = arith.constant 0 : i32
      %dma_start3A_34 = arith.constant 0 : i32
      %dma_start3A_35 = tpu.memref_slice %arg4[%add3A, %dma_start3A_33, %dma_start3A_34] : memref<32x40x128xi32, #tpu.memory_space<hbm>> -> memref<1x40x128xi32, #tpu.memory_space<hbm>>
      %dma_start3A_36 = tpu.memref_squeeze %dma_start3A_35 : memref<1x40x128xi32, #tpu.memory_space<hbm>> -> memref<40x128xi32, #tpu.memory_space<hbm>>
      %dma_start3A_37 = arith.constant 0 : i32
      %dma_start3A_38 = arith.constant 0 : i32
      %dma_start3A_39 = tpu.memref_slice %arg4[%add3A, %dma_start3A_37, %dma_start3A_38] : memref<32x40x128xi32, #tpu.memory_space<hbm>> -> memref<1x40x128xi32, #tpu.memory_space<hbm>>
      %dma_start3A_40 = tpu.memref_squeeze %dma_start3A_39 : memref<1x40x128xi32, #tpu.memory_space<hbm>> -> memref<40x128xi32, #tpu.memory_space<hbm>>
      tpu.enqueue_dma source(%dma_start3A_40 : memref<40x128xi32, #tpu.memory_space<hbm>>) target(%arg8 : memref<40x128xi32, #tpu.memory_space<vmem>>) target_semaphore(%run_scoped3A : memref<!tpu.dma_semaphore, #tpu.memory_space<semaphore_mem>>)
      %dma_wait3A = arith.constant 0 : i32
      %dma_wait3A_41 = arith.constant 0 : i32
      %dma_wait3A_42 = tpu.memref_slice %arg4[%add3A, %dma_wait3A, %dma_wait3A_41] : memref<32x40x128xi32, #tpu.memory_space<hbm>> -> memref<1x40x128xi32, #tpu.memory_space<hbm>>
      %dma_wait3A_43 = tpu.memref_squeeze %dma_wait3A_42 : memref<1x40x128xi32, #tpu.memory_space<hbm>> -> memref<40x128xi32, #tpu.memory_space<hbm>>
      %dma_wait3A_44 = arith.constant 0 : i32
      %dma_wait3A_45 = arith.constant 0 : i32
      %dma_wait3A_46 = tpu.memref_slice %arg4[%add3A, %dma_wait3A_44, %dma_wait3A_45] : memref<32x40x128xi32, #tpu.memory_space<hbm>> -> memref<1x40x128xi32, #tpu.memory_space<hbm>>
      %dma_wait3A_47 = tpu.memref_squeeze %dma_wait3A_46 : memref<1x40x128xi32, #tpu.memory_space<hbm>> -> memref<40x128xi32, #tpu.memory_space<hbm>>
      tpu.wait_dma2 semaphore(%run_scoped3A : memref<!tpu.dma_semaphore, #tpu.memory_space<semaphore_mem>>) src(%dma_wait3A_47 : memref<40x128xi32, #tpu.memory_space<hbm>>) dst(%arg8 : memref<40x128xi32, #tpu.memory_space<vmem>>)
      tpu.yield
    }) : () -> ()
    "tpu.region"() ({
      %run_scoped3A = tpu.sem_alloc : memref<!tpu.dma_semaphore, #tpu.memory_space<semaphore_mem>>
      %dma_start3A_33 = arith.constant 0 : i32
      %dma_start3A_34 = arith.constant 0 : i32
      %dma_start3A_35 = tpu.memref_slice %arg5[%add3A, %dma_start3A_33, %dma_start3A_34] : memref<32x40x128xi32, #tpu.memory_space<hbm>> -> memref<1x40x128xi32, #tpu.memory_space<hbm>>
      %dma_start3A_36 = tpu.memref_squeeze %dma_start3A_35 : memref<1x40x128xi32, #tpu.memory_space<hbm>> -> memref<40x128xi32, #tpu.memory_space<hbm>>
      %dma_start3A_37 = arith.constant 0 : i32
      %dma_start3A_38 = arith.constant 0 : i32
      %dma_start3A_39 = tpu.memref_slice %arg5[%add3A, %dma_start3A_37, %dma_start3A_38] : memref<32x40x128xi32, #tpu.memory_space<hbm>> -> memref<1x40x128xi32, #tpu.memory_space<hbm>>
      %dma_start3A_40 = tpu.memref_squeeze %dma_start3A_39 : memref<1x40x128xi32, #tpu.memory_space<hbm>> -> memref<40x128xi32, #tpu.memory_space<hbm>>
      tpu.enqueue_dma source(%dma_start3A_40 : memref<40x128xi32, #tpu.memory_space<hbm>>) target(%arg9 : memref<40x128xi32, #tpu.memory_space<vmem>>) target_semaphore(%run_scoped3A : memref<!tpu.dma_semaphore, #tpu.memory_space<semaphore_mem>>)
      %dma_wait3A = arith.constant 0 : i32
      %dma_wait3A_41 = arith.constant 0 : i32
      %dma_wait3A_42 = tpu.memref_slice %arg5[%add3A, %dma_wait3A, %dma_wait3A_41] : memref<32x40x128xi32, #tpu.memory_space<hbm>> -> memref<1x40x128xi32, #tpu.memory_space<hbm>>
      %dma_wait3A_43 = tpu.memref_squeeze %dma_wait3A_42 : memref<1x40x128xi32, #tpu.memory_space<hbm>> -> memref<40x128xi32, #tpu.memory_space<hbm>>
      %dma_wait3A_44 = arith.constant 0 : i32
      %dma_wait3A_45 = arith.constant 0 : i32
      %dma_wait3A_46 = tpu.memref_slice %arg5[%add3A, %dma_wait3A_44, %dma_wait3A_45] : memref<32x40x128xi32, #tpu.memory_space<hbm>> -> memref<1x40x128xi32, #tpu.memory_space<hbm>>
      %dma_wait3A_47 = tpu.memref_squeeze %dma_wait3A_46 : memref<1x40x128xi32, #tpu.memory_space<hbm>> -> memref<40x128xi32, #tpu.memory_space<hbm>>
      tpu.wait_dma2 semaphore(%run_scoped3A : memref<!tpu.dma_semaphore, #tpu.memory_space<semaphore_mem>>) src(%dma_wait3A_47 : memref<40x128xi32, #tpu.memory_space<hbm>>) dst(%arg9 : memref<40x128xi32, #tpu.memory_space<vmem>>)
      tpu.yield
    }) : () -> ()
    %dma_start3A = arith.constant 0 : i32
    %dma_start3A_1 = arith.constant 0 : i32
    %dma_start3A_2 = tpu.memref_slice %arg8[%dma_start3A, %dma_start3A_1] : memref<40x128xi32, #tpu.memory_space<vmem>> -> memref<1x128xi32, #tpu.memory_space<vmem>>
    %dma_start3A_3 = tpu.memref_squeeze %dma_start3A_2 : memref<1x128xi32, #tpu.memory_space<vmem>> -> memref<128xi32, #tpu.memory_space<vmem>>
    %dma_start3A_4 = arith.constant 0 : i32
    %dma_start3A_5 = arith.constant 0 : i32
    %dma_start3A_6 = tpu.memref_slice %arg2[%dma_start3A_4, %dma_start3A_5] : memref<10000x128xi32, #tpu.memory_space<hbm>> -> memref<10000x128xi32, #tpu.memory_space<hbm>>
    tpu.enqueue_indirect_dma source(%dma_start3A_6 : memref<10000x128xi32, #tpu.memory_space<hbm>>) target(%arg10 : memref<128x128xi32, #tpu.memory_space<vmem>>) offsets(%dma_start3A_3 : memref<128xi32, #tpu.memory_space<vmem>>) semaphore(%arg14 : memref<!tpu.dma_semaphore, #tpu.memory_space<semaphore_mem>>)
    %dma_start3A_7 = arith.constant 0 : i32
    %dma_start3A_8 = arith.constant 0 : i32
    %dma_start3A_9 = tpu.memref_slice %arg9[%dma_start3A_7, %dma_start3A_8] : memref<40x128xi32, #tpu.memory_space<vmem>> -> memref<1x128xi32, #tpu.memory_space<vmem>>
    %dma_start3A_10 = tpu.memref_squeeze %dma_start3A_9 : memref<1x128xi32, #tpu.memory_space<vmem>> -> memref<128xi32, #tpu.memory_space<vmem>>
    %dma_start3A_11 = arith.constant 0 : i32
    %dma_start3A_12 = arith.constant 0 : i32
    %dma_start3A_13 = tpu.memref_slice %arg3[%dma_start3A_11, %dma_start3A_12] : memref<10000x128xi32, #tpu.memory_space<hbm>> -> memref<10000x128xi32, #tpu.memory_space<hbm>>
    tpu.enqueue_indirect_dma source(%dma_start3A_13 : memref<10000x128xi32, #tpu.memory_space<hbm>>) target(%arg12 : memref<128x128xi32, #tpu.memory_space<vmem>>) offsets(%dma_start3A_10 : memref<128xi32, #tpu.memory_space<vmem>>) semaphore(%arg16 : memref<!tpu.dma_semaphore, #tpu.memory_space<semaphore_mem>>)
    %dma_start3A_14 = arith.constant 1 : i32
    %dma_start3A_15 = arith.constant 0 : i32
    %dma_start3A_16 = tpu.memref_slice %arg8[%dma_start3A_14, %dma_start3A_15] : memref<40x128xi32, #tpu.memory_space<vmem>> -> memref<1x128xi32, #tpu.memory_space<vmem>>
    %dma_start3A_17 = tpu.memref_squeeze %dma_start3A_16 : memref<1x128xi32, #tpu.memory_space<vmem>> -> memref<128xi32, #tpu.memory_space<vmem>>
    %dma_start3A_18 = arith.constant 0 : i32
    %dma_start3A_19 = arith.constant 0 : i32
    %dma_start3A_20 = tpu.memref_slice %arg2[%dma_start3A_18, %dma_start3A_19] : memref<10000x128xi32, #tpu.memory_space<hbm>> -> memref<10000x128xi32, #tpu.memory_space<hbm>>
    tpu.enqueue_indirect_dma source(%dma_start3A_20 : memref<10000x128xi32, #tpu.memory_space<hbm>>) target(%arg11 : memref<128x128xi32, #tpu.memory_space<vmem>>) offsets(%dma_start3A_17 : memref<128xi32, #tpu.memory_space<vmem>>) semaphore(%arg15 : memref<!tpu.dma_semaphore, #tpu.memory_space<semaphore_mem>>)
    %dma_start3A_21 = arith.constant 1 : i32
    %dma_start3A_22 = arith.constant 0 : i32
    %dma_start3A_23 = tpu.memref_slice %arg9[%dma_start3A_21, %dma_start3A_22] : memref<40x128xi32, #tpu.memory_space<vmem>> -> memref<1x128xi32, #tpu.memory_space<vmem>>
    %dma_start3A_24 = tpu.memref_squeeze %dma_start3A_23 : memref<1x128xi32, #tpu.memory_space<vmem>> -> memref<128xi32, #tpu.memory_space<vmem>>
    %dma_start3A_25 = arith.constant 0 : i32
    %dma_start3A_26 = arith.constant 0 : i32
    %dma_start3A_27 = tpu.memref_slice %arg3[%dma_start3A_25, %dma_start3A_26] : memref<10000x128xi32, #tpu.memory_space<hbm>> -> memref<10000x128xi32, #tpu.memory_space<hbm>>
    tpu.enqueue_indirect_dma source(%dma_start3A_27 : memref<10000x128xi32, #tpu.memory_space<hbm>>) target(%arg13 : memref<128x128xi32, #tpu.memory_space<vmem>>) offsets(%dma_start3A_24 : memref<128xi32, #tpu.memory_space<vmem>>) semaphore(%arg17 : memref<!tpu.dma_semaphore, #tpu.memory_space<semaphore_mem>>)
    %scan3A = arith.constant 0 : i32
    %scan3A_28 = arith.constant 0 : i32
    %scan3A_29 = arith.constant 20 : i32
    %scan3A_30 = arith.addi %scan3A_28, %scan3A_29 : i32
    %scan3A_31 = arith.constant 1 : i32
    scf.for %scan3A_33 = %scan3A_28 to %scan3A_30 step %scan3A_31  : i32 {
      %mul3A_34 = arith.constant 2 : i32
      %mul3A_35 = arith.muli %scan3A_33, %mul3A_34 : i32
      %add3A_36 = arith.constant 0 : i32
      %add3A_37 = arith.addi %mul3A_35, %add3A_36 : i32
      %mul3A_38 = arith.constant 5120 : i32
      %mul3A_39 = arith.muli %add3A, %mul3A_38 : i32
      %mul3A_40 = arith.constant 128 : i32
      %mul3A_41 = arith.muli %add3A_37, %mul3A_40 : i32
      %add3A_42 = arith.addi %mul3A_39, %mul3A_41 : i32
      %multiple_of3A = tpu.assume_multiple %add3A_42, 8 : i32
      %dma_wait3A = arith.constant 0 : i32
      %dma_wait3A_43 = tpu.memref_slice %arg8[%add3A_37, %dma_wait3A] : memref<40x128xi32, #tpu.memory_space<vmem>> -> memref<1x128xi32, #tpu.memory_space<vmem>>
      %dma_wait3A_44 = tpu.memref_squeeze %dma_wait3A_43 : memref<1x128xi32, #tpu.memory_space<vmem>> -> memref<128xi32, #tpu.memory_space<vmem>>
      %dma_wait3A_45 = arith.constant 0 : i32
      %dma_wait3A_46 = arith.constant 0 : i32
      %dma_wait3A_47 = tpu.memref_slice %arg2[%dma_wait3A_45, %dma_wait3A_46] : memref<10000x128xi32, #tpu.memory_space<hbm>> -> memref<10000x128xi32, #tpu.memory_space<hbm>>
      tpu.wait_indirect_dma semaphore(%arg14 : memref<!tpu.dma_semaphore, #tpu.memory_space<semaphore_mem>>) src(%dma_wait3A_47 : memref<10000x128xi32, #tpu.memory_space<hbm>>) dst(%arg10 : memref<128x128xi32, #tpu.memory_space<vmem>>)
      "tpu.region"() ({
        %run_scoped3A = tpu.sem_alloc : memref<!tpu.dma_semaphore, #tpu.memory_space<semaphore_mem>>
        %dma_start3A_87 = arith.constant 0 : i32
        %dma_start3A_88 = tpu.memref_slice %arg6[%multiple_of3A, %dma_start3A_87] : memref<163840x128xi32, #tpu.memory_space<hbm>> -> memref<128x128xi32, #tpu.memory_space<hbm>>
        %dma_start3A_89 = arith.constant 0 : i32
        %dma_start3A_90 = tpu.memref_slice %arg6[%multiple_of3A, %dma_start3A_89] : memref<163840x128xi32, #tpu.memory_space<hbm>> -> memref<128x128xi32, #tpu.memory_space<hbm>>
        tpu.enqueue_dma source(%arg10 : memref<128x128xi32, #tpu.memory_space<vmem>>) target(%dma_start3A_90 : memref<128x128xi32, #tpu.memory_space<hbm>>) target_semaphore(%run_scoped3A : memref<!tpu.dma_semaphore, #tpu.memory_space<semaphore_mem>>)
        %dma_wait3A_91 = arith.constant 0 : i32
        %dma_wait3A_92 = tpu.memref_slice %arg6[%multiple_of3A, %dma_wait3A_91] : memref<163840x128xi32, #tpu.memory_space<hbm>> -> memref<128x128xi32, #tpu.memory_space<hbm>>
        %dma_wait3A_93 = arith.constant 0 : i32
        %dma_wait3A_94 = tpu.memref_slice %arg6[%multiple_of3A, %dma_wait3A_93] : memref<163840x128xi32, #tpu.memory_space<hbm>> -> memref<128x128xi32, #tpu.memory_space<hbm>>
        tpu.wait_dma2 semaphore(%run_scoped3A : memref<!tpu.dma_semaphore, #tpu.memory_space<semaphore_mem>>) src(%arg10 : memref<128x128xi32, #tpu.memory_space<vmem>>) dst(%dma_wait3A_94 : memref<128x128xi32, #tpu.memory_space<hbm>>)
        tpu.yield
      }) : () -> ()
      %dma_wait3A_48 = arith.constant 0 : i32
      %dma_wait3A_49 = tpu.memref_slice %arg9[%add3A_37, %dma_wait3A_48] : memref<40x128xi32, #tpu.memory_space<vmem>> -> memref<1x128xi32, #tpu.memory_space<vmem>>
      %dma_wait3A_50 = tpu.memref_squeeze %dma_wait3A_49 : memref<1x128xi32, #tpu.memory_space<vmem>> -> memref<128xi32, #tpu.memory_space<vmem>>
      %dma_wait3A_51 = arith.constant 0 : i32
      %dma_wait3A_52 = arith.constant 0 : i32
      %dma_wait3A_53 = tpu.memref_slice %arg3[%dma_wait3A_51, %dma_wait3A_52] : memref<10000x128xi32, #tpu.memory_space<hbm>> -> memref<10000x128xi32, #tpu.memory_space<hbm>>
      tpu.wait_indirect_dma semaphore(%arg16 : memref<!tpu.dma_semaphore, #tpu.memory_space<semaphore_mem>>) src(%dma_wait3A_53 : memref<10000x128xi32, #tpu.memory_space<hbm>>) dst(%arg12 : memref<128x128xi32, #tpu.memory_space<vmem>>)
      "tpu.region"() ({
        %run_scoped3A = tpu.sem_alloc : memref<!tpu.dma_semaphore, #tpu.memory_space<semaphore_mem>>
        %dma_start3A_87 = arith.constant 0 : i32
        %dma_start3A_88 = tpu.memref_slice %arg7[%multiple_of3A, %dma_start3A_87] : memref<163840x128xi32, #tpu.memory_space<hbm>> -> memref<128x128xi32, #tpu.memory_space<hbm>>
        %dma_start3A_89 = arith.constant 0 : i32
        %dma_start3A_90 = tpu.memref_slice %arg7[%multiple_of3A, %dma_start3A_89] : memref<163840x128xi32, #tpu.memory_space<hbm>> -> memref<128x128xi32, #tpu.memory_space<hbm>>
        tpu.enqueue_dma source(%arg12 : memref<128x128xi32, #tpu.memory_space<vmem>>) target(%dma_start3A_90 : memref<128x128xi32, #tpu.memory_space<hbm>>) target_semaphore(%run_scoped3A : memref<!tpu.dma_semaphore, #tpu.memory_space<semaphore_mem>>)
        %dma_wait3A_91 = arith.constant 0 : i32
        %dma_wait3A_92 = tpu.memref_slice %arg7[%multiple_of3A, %dma_wait3A_91] : memref<163840x128xi32, #tpu.memory_space<hbm>> -> memref<128x128xi32, #tpu.memory_space<hbm>>
        %dma_wait3A_93 = arith.constant 0 : i32
        %dma_wait3A_94 = tpu.memref_slice %arg7[%multiple_of3A, %dma_wait3A_93] : memref<163840x128xi32, #tpu.memory_space<hbm>> -> memref<128x128xi32, #tpu.memory_space<hbm>>
        tpu.wait_dma2 semaphore(%run_scoped3A : memref<!tpu.dma_semaphore, #tpu.memory_space<semaphore_mem>>) src(%arg12 : memref<128x128xi32, #tpu.memory_space<vmem>>) dst(%dma_wait3A_94 : memref<128x128xi32, #tpu.memory_space<hbm>>)
        tpu.yield
      }) : () -> ()
      %add3A_54 = arith.constant 2 : i32
      %add3A_55 = arith.addi %add3A_37, %add3A_54 : i32
      %lt3A = arith.constant 40 : i32
      %lt3A_56 = arith.cmpi slt, %add3A_55, %lt3A : i32
      %convert_element_type3A = arith.extui %lt3A_56 : i1 to i32
      %cond3A = arith.constant 0 : i32
      %cond3A_57 = arith.cmpi ne, %convert_element_type3A, %cond3A : i32
      scf.if %cond3A_57 {
        %add3A_87 = arith.constant 2 : i32
        %add3A_88 = arith.addi %add3A_37, %add3A_87 : i32
        %dma_start3A_89 = arith.constant 0 : i32
        %dma_start3A_90 = tpu.memref_slice %arg8[%add3A_88, %dma_start3A_89] : memref<40x128xi32, #tpu.memory_space<vmem>> -> memref<1x128xi32, #tpu.memory_space<vmem>>
        %dma_start3A_91 = tpu.memref_squeeze %dma_start3A_90 : memref<1x128xi32, #tpu.memory_space<vmem>> -> memref<128xi32, #tpu.memory_space<vmem>>
        %dma_start3A_92 = arith.constant 0 : i32
        %dma_start3A_93 = arith.constant 0 : i32
        %dma_start3A_94 = tpu.memref_slice %arg2[%dma_start3A_92, %dma_start3A_93] : memref<10000x128xi32, #tpu.memory_space<hbm>> -> memref<10000x128xi32, #tpu.memory_space<hbm>>
        tpu.enqueue_indirect_dma source(%dma_start3A_94 : memref<10000x128xi32, #tpu.memory_space<hbm>>) target(%arg10 : memref<128x128xi32, #tpu.memory_space<vmem>>) offsets(%dma_start3A_91 : memref<128xi32, #tpu.memory_space<vmem>>) semaphore(%arg14 : memref<!tpu.dma_semaphore, #tpu.memory_space<semaphore_mem>>)
        %add3A_95 = arith.constant 2 : i32
        %add3A_96 = arith.addi %add3A_37, %add3A_95 : i32
        %dma_start3A_97 = arith.constant 0 : i32
        %dma_start3A_98 = tpu.memref_slice %arg9[%add3A_96, %dma_start3A_97] : memref<40x128xi32, #tpu.memory_space<vmem>> -> memref<1x128xi32, #tpu.memory_space<vmem>>
        %dma_start3A_99 = tpu.memref_squeeze %dma_start3A_98 : memref<1x128xi32, #tpu.memory_space<vmem>> -> memref<128xi32, #tpu.memory_space<vmem>>
        %dma_start3A_100 = arith.constant 0 : i32
        %dma_start3A_101 = arith.constant 0 : i32
        %dma_start3A_102 = tpu.memref_slice %arg3[%dma_start3A_100, %dma_start3A_101] : memref<10000x128xi32, #tpu.memory_space<hbm>> -> memref<10000x128xi32, #tpu.memory_space<hbm>>
        tpu.enqueue_indirect_dma source(%dma_start3A_102 : memref<10000x128xi32, #tpu.memory_space<hbm>>) target(%arg12 : memref<128x128xi32, #tpu.memory_space<vmem>>) offsets(%dma_start3A_99 : memref<128xi32, #tpu.memory_space<vmem>>) semaphore(%arg16 : memref<!tpu.dma_semaphore, #tpu.memory_space<semaphore_mem>>)
      } else {
      }
      %mul3A_58 = arith.constant 2 : i32
      %mul3A_59 = arith.muli %scan3A_33, %mul3A_58 : i32
      %add3A_60 = arith.constant 1 : i32
      %add3A_61 = arith.addi %mul3A_59, %add3A_60 : i32
      %mul3A_62 = arith.constant 5120 : i32
      %mul3A_63 = arith.muli %add3A, %mul3A_62 : i32
      %mul3A_64 = arith.constant 128 : i32
      %mul3A_65 = arith.muli %add3A_61, %mul3A_64 : i32
      %add3A_66 = arith.addi %mul3A_63, %mul3A_65 : i32
      %multiple_of3A_67 = tpu.assume_multiple %add3A_66, 8 : i32
      %dma_wait3A_68 = arith.constant 0 : i32
      %dma_wait3A_69 = tpu.memref_slice %arg8[%add3A_61, %dma_wait3A_68] : memref<40x128xi32, #tpu.memory_space<vmem>> -> memref<1x128xi32, #tpu.memory_space<vmem>>
      %dma_wait3A_70 = tpu.memref_squeeze %dma_wait3A_69 : memref<1x128xi32, #tpu.memory_space<vmem>> -> memref<128xi32, #tpu.memory_space<vmem>>
      %dma_wait3A_71 = arith.constant 0 : i32
      %dma_wait3A_72 = arith.constant 0 : i32
      %dma_wait3A_73 = tpu.memref_slice %arg2[%dma_wait3A_71, %dma_wait3A_72] : memref<10000x128xi32, #tpu.memory_space<hbm>> -> memref<10000x128xi32, #tpu.memory_space<hbm>>
      tpu.wait_indirect_dma semaphore(%arg15 : memref<!tpu.dma_semaphore, #tpu.memory_space<semaphore_mem>>) src(%dma_wait3A_73 : memref<10000x128xi32, #tpu.memory_space<hbm>>) dst(%arg11 : memref<128x128xi32, #tpu.memory_space<vmem>>)
      "tpu.region"() ({
        %run_scoped3A = tpu.sem_alloc : memref<!tpu.dma_semaphore, #tpu.memory_space<semaphore_mem>>
        %dma_start3A_87 = arith.constant 0 : i32
        %dma_start3A_88 = tpu.memref_slice %arg6[%multiple_of3A_67, %dma_start3A_87] : memref<163840x128xi32, #tpu.memory_space<hbm>> -> memref<128x128xi32, #tpu.memory_space<hbm>>
        %dma_start3A_89 = arith.constant 0 : i32
        %dma_start3A_90 = tpu.memref_slice %arg6[%multiple_of3A_67, %dma_start3A_89] : memref<163840x128xi32, #tpu.memory_space<hbm>> -> memref<128x128xi32, #tpu.memory_space<hbm>>
        tpu.enqueue_dma source(%arg11 : memref<128x128xi32, #tpu.memory_space<vmem>>) target(%dma_start3A_90 : memref<128x128xi32, #tpu.memory_space<hbm>>) target_semaphore(%run_scoped3A : memref<!tpu.dma_semaphore, #tpu.memory_space<semaphore_mem>>)
        %dma_wait3A_91 = arith.constant 0 : i32
        %dma_wait3A_92 = tpu.memref_slice %arg6[%multiple_of3A_67, %dma_wait3A_91] : memref<163840x128xi32, #tpu.memory_space<hbm>> -> memref<128x128xi32, #tpu.memory_space<hbm>>
        %dma_wait3A_93 = arith.constant 0 : i32
        %dma_wait3A_94 = tpu.memref_slice %arg6[%multiple_of3A_67, %dma_wait3A_93] : memref<163840x128xi32, #tpu.memory_space<hbm>> -> memref<128x128xi32, #tpu.memory_space<hbm>>
        tpu.wait_dma2 semaphore(%run_scoped3A : memref<!tpu.dma_semaphore, #tpu.memory_space<semaphore_mem>>) src(%arg11 : memref<128x128xi32, #tpu.memory_space<vmem>>) dst(%dma_wait3A_94 : memref<128x128xi32, #tpu.memory_space<hbm>>)
        tpu.yield
      }) : () -> ()
      %dma_wait3A_74 = arith.constant 0 : i32
      %dma_wait3A_75 = tpu.memref_slice %arg9[%add3A_61, %dma_wait3A_74] : memref<40x128xi32, #tpu.memory_space<vmem>> -> memref<1x128xi32, #tpu.memory_space<vmem>>
      %dma_wait3A_76 = tpu.memref_squeeze %dma_wait3A_75 : memref<1x128xi32, #tpu.memory_space<vmem>> -> memref<128xi32, #tpu.memory_space<vmem>>
      %dma_wait3A_77 = arith.constant 0 : i32
      %dma_wait3A_78 = arith.constant 0 : i32
      %dma_wait3A_79 = tpu.memref_slice %arg3[%dma_wait3A_77, %dma_wait3A_78] : memref<10000x128xi32, #tpu.memory_space<hbm>> -> memref<10000x128xi32, #tpu.memory_space<hbm>>
      tpu.wait_indirect_dma semaphore(%arg17 : memref<!tpu.dma_semaphore, #tpu.memory_space<semaphore_mem>>) src(%dma_wait3A_79 : memref<10000x128xi32, #tpu.memory_space<hbm>>) dst(%arg13 : memref<128x128xi32, #tpu.memory_space<vmem>>)
      "tpu.region"() ({
        %run_scoped3A = tpu.sem_alloc : memref<!tpu.dma_semaphore, #tpu.memory_space<semaphore_mem>>
        %dma_start3A_87 = arith.constant 0 : i32
        %dma_start3A_88 = tpu.memref_slice %arg7[%multiple_of3A_67, %dma_start3A_87] : memref<163840x128xi32, #tpu.memory_space<hbm>> -> memref<128x128xi32, #tpu.memory_space<hbm>>
        %dma_start3A_89 = arith.constant 0 : i32
        %dma_start3A_90 = tpu.memref_slice %arg7[%multiple_of3A_67, %dma_start3A_89] : memref<163840x128xi32, #tpu.memory_space<hbm>> -> memref<128x128xi32, #tpu.memory_space<hbm>>
        tpu.enqueue_dma source(%arg13 : memref<128x128xi32, #tpu.memory_space<vmem>>) target(%dma_start3A_90 : memref<128x128xi32, #tpu.memory_space<hbm>>) target_semaphore(%run_scoped3A : memref<!tpu.dma_semaphore, #tpu.memory_space<semaphore_mem>>)
        %dma_wait3A_91 = arith.constant 0 : i32
        %dma_wait3A_92 = tpu.memref_slice %arg7[%multiple_of3A_67, %dma_wait3A_91] : memref<163840x128xi32, #tpu.memory_space<hbm>> -> memref<128x128xi32, #tpu.memory_space<hbm>>
        %dma_wait3A_93 = arith.constant 0 : i32
        %dma_wait3A_94 = tpu.memref_slice %arg7[%multiple_of3A_67, %dma_wait3A_93] : memref<163840x128xi32, #tpu.memory_space<hbm>> -> memref<128x128xi32, #tpu.memory_space<hbm>>
        tpu.wait_dma2 semaphore(%run_scoped3A : memref<!tpu.dma_semaphore, #tpu.memory_space<semaphore_mem>>) src(%arg13 : memref<128x128xi32, #tpu.memory_space<vmem>>) dst(%dma_wait3A_94 : memref<128x128xi32, #tpu.memory_space<hbm>>)
        tpu.yield
      }) : () -> ()
      %add3A_80 = arith.constant 2 : i32
      %add3A_81 = arith.addi %add3A_61, %add3A_80 : i32
      %lt3A_82 = arith.constant 40 : i32
      %lt3A_83 = arith.cmpi slt, %add3A_81, %lt3A_82 : i32
      %convert_element_type3A_84 = arith.extui %lt3A_83 : i1 to i32
      %cond3A_85 = arith.constant 0 : i32
      %cond3A_86 = arith.cmpi ne, %convert_element_type3A_84, %cond3A_85 : i32
      scf.if %cond3A_86 {
        %add3A_87 = arith.constant 2 : i32
        %add3A_88 = arith.addi %add3A_61, %add3A_87 : i32
        %dma_start3A_89 = arith.constant 0 : i32
        %dma_start3A_90 = tpu.memref_slice %arg8[%add3A_88, %dma_start3A_89] : memref<40x128xi32, #tpu.memory_space<vmem>> -> memref<1x128xi32, #tpu.memory_space<vmem>>
        %dma_start3A_91 = tpu.memref_squeeze %dma_start3A_90 : memref<1x128xi32, #tpu.memory_space<vmem>> -> memref<128xi32, #tpu.memory_space<vmem>>
        %dma_start3A_92 = arith.constant 0 : i32
        %dma_start3A_93 = arith.constant 0 : i32
        %dma_start3A_94 = tpu.memref_slice %arg2[%dma_start3A_92, %dma_start3A_93] : memref<10000x128xi32, #tpu.memory_space<hbm>> -> memref<10000x128xi32, #tpu.memory_space<hbm>>
        tpu.enqueue_indirect_dma source(%dma_start3A_94 : memref<10000x128xi32, #tpu.memory_space<hbm>>) target(%arg11 : memref<128x128xi32, #tpu.memory_space<vmem>>) offsets(%dma_start3A_91 : memref<128xi32, #tpu.memory_space<vmem>>) semaphore(%arg15 : memref<!tpu.dma_semaphore, #tpu.memory_space<semaphore_mem>>)
        %add3A_95 = arith.constant 2 : i32
        %add3A_96 = arith.addi %add3A_61, %add3A_95 : i32
        %dma_start3A_97 = arith.constant 0 : i32
        %dma_start3A_98 = tpu.memref_slice %arg9[%add3A_96, %dma_start3A_97] : memref<40x128xi32, #tpu.memory_space<vmem>> -> memref<1x128xi32, #tpu.memory_space<vmem>>
        %dma_start3A_99 = tpu.memref_squeeze %dma_start3A_98 : memref<1x128xi32, #tpu.memory_space<vmem>> -> memref<128xi32, #tpu.memory_space<vmem>>
        %dma_start3A_100 = arith.constant 0 : i32
        %dma_start3A_101 = arith.constant 0 : i32
        %dma_start3A_102 = tpu.memref_slice %arg3[%dma_start3A_100, %dma_start3A_101] : memref<10000x128xi32, #tpu.memory_space<hbm>> -> memref<10000x128xi32, #tpu.memory_space<hbm>>
        tpu.enqueue_indirect_dma source(%dma_start3A_102 : memref<10000x128xi32, #tpu.memory_space<hbm>>) target(%arg13 : memref<128x128xi32, #tpu.memory_space<vmem>>) offsets(%dma_start3A_99 : memref<128xi32, #tpu.memory_space<vmem>>) semaphore(%arg17 : memref<!tpu.dma_semaphore, #tpu.memory_space<semaphore_mem>>)
      } else {
      }
    }
    %scan3A_32 = arith.constant 20 : i32
    return
  }
}

#map = affine_map<(d0, d1) -> (0, 0)>
#map1 = affine_map<(d0, d1) -> (0, 0, 0)>
module attributes {stable_mosaic.version = 14 : i64} {
  func.func @k(%arg0: i32, %arg1: i32, %arg2: memref<10000x128xi32, #tpu.memory_space<hbm>>, %arg3: memref<10000x128xi32, #tpu.memory_space<hbm>>, %arg4: memref<32x40x128xi32, #tpu.memory_space<hbm>>, %arg5: memref<32x40x128xi32, #tpu.memory_space<hbm>>, %arg6: memref<163840x128xi32, #tpu.memory_space<hbm>>, %arg7: memref<163840x128xi32, #tpu.memory_space<hbm>>, %arg8: memref<40x128xi32, #tpu.memory_space<vmem>>, %arg9: memref<40x128xi32, #tpu.memory_space<vmem>>, %arg10: memref<128x128xi32, #tpu.memory_space<vmem>>, %arg11: memref<128x128xi32, #tpu.memory_space<vmem>>, %arg12: memref<128x128xi32, #tpu.memory_space<vmem>>, %arg13: memref<128x128xi32, #tpu.memory_space<vmem>>, %arg14: memref<!tpu.dma_semaphore, #tpu.memory_space<semaphore_mem>>, %arg15: memref<!tpu.dma_semaphore, #tpu.memory_space<semaphore_mem>>, %arg16: memref<!tpu.dma_semaphore, #tpu.memory_space<semaphore_mem>>, %arg17: memref<!tpu.dma_semaphore, #tpu.memory_space<semaphore_mem>>) attributes {dimension_semantics = [#tpu.dimension_semantics<core_parallel>, #tpu.dimension_semantics<subcore_parallel>], iteration_bounds = array<i64: 2, 16>, scalar_prefetch = 0 : i64, scratch_operands = 10 : i64, tpu.core_type = #tpu.core_type<sc_vector_subcore>, window_params = [{transform_indices = #map}, {transform_indices = #map}, {transform_indices = #map1}, {transform_indices = #map1}, {transform_indices = #map}, {transform_indices = #map}]} {
    %mul3A = arith.constant 2 : i32
    %mul3A_0 = arith.muli %arg1, %mul3A : i32
    %add3A = arith.addi %mul3A_0, %arg0 : i32
    "tpu.region"() ({
      %run_scoped3A = tpu.sem_alloc : memref<!tpu.dma_semaphore, #tpu.memory_space<semaphore_mem>>
      %dma_start3A_33 = arith.constant 0 : i32
      %dma_start3A_34 = arith.constant 0 : i32
      %dma_start3A_35 = tpu.memref_slice %arg4[%add3A, %dma_start3A_33, %dma_start3A_34] : memref<32x40x128xi32, #tpu.memory_space<hbm>> -> memref<1x40x128xi32, #tpu.memory_space<hbm>>
      %dma_start3A_36 = tpu.memref_squeeze %dma_start3A_35 : memref<1x40x128xi32, #tpu.memory_space<hbm>> -> memref<40x128xi32, #tpu.memory_space<hbm>>
      %dma_start3A_37 = arith.constant 0 : i32
      %dma_start3A_38 = arith.constant 0 : i32
      %dma_start3A_39 = tpu.memref_slice %arg4[%add3A, %dma_start3A_37, %dma_start3A_38] : memref<32x40x128xi32, #tpu.memory_space<hbm>> -> memref<1x40x128xi32, #tpu.memory_space<hbm>>
      %dma_start3A_40 = tpu.memref_squeeze %dma_start3A_39 : memref<1x40x128xi32, #tpu.memory_space<hbm>> -> memref<40x128xi32, #tpu.memory_space<hbm>>
      tpu.enqueue_dma source(%dma_start3A_40 : memref<40x128xi32, #tpu.memory_space<hbm>>) target(%arg8 : memref<40x128xi32, #tpu.memory_space<vmem>>) target_semaphore(%run_scoped3A : memref<!tpu.dma_semaphore, #tpu.memory_space<semaphore_mem>>)
      %dma_wait3A = arith.constant 0 : i32
      %dma_wait3A_41 = arith.constant 0 : i32
      %dma_wait3A_42 = tpu.memref_slice %arg4[%add3A, %dma_wait3A, %dma_wait3A_41] : memref<32x40x128xi32, #tpu.memory_space<hbm>> -> memref<1x40x128xi32, #tpu.memory_space<hbm>>
      %dma_wait3A_43 = tpu.memref_squeeze %dma_wait3A_42 : memref<1x40x128xi32, #tpu.memory_space<hbm>> -> memref<40x128xi32, #tpu.memory_space<hbm>>
      %dma_wait3A_44 = arith.constant 0 : i32
      %dma_wait3A_45 = arith.constant 0 : i32
      %dma_wait3A_46 = tpu.memref_slice %arg4[%add3A, %dma_wait3A_44, %dma_wait3A_45] : memref<32x40x128xi32, #tpu.memory_space<hbm>> -> memref<1x40x128xi32, #tpu.memory_space<hbm>>
      %dma_wait3A_47 = tpu.memref_squeeze %dma_wait3A_46 : memref<1x40x128xi32, #tpu.memory_space<hbm>> -> memref<40x128xi32, #tpu.memory_space<hbm>>
      tpu.wait_dma2 semaphore(%run_scoped3A : memref<!tpu.dma_semaphore, #tpu.memory_space<semaphore_mem>>) src(%dma_wait3A_47 : memref<40x128xi32, #tpu.memory_space<hbm>>) dst(%arg8 : memref<40x128xi32, #tpu.memory_space<vmem>>)
      tpu.yield
    }) : () -> ()
    "tpu.region"() ({
      %run_scoped3A = tpu.sem_alloc : memref<!tpu.dma_semaphore, #tpu.memory_space<semaphore_mem>>
      %dma_start3A_33 = arith.constant 0 : i32
      %dma_start3A_34 = arith.constant 0 : i32
      %dma_start3A_35 = tpu.memref_slice %arg5[%add3A, %dma_start3A_33, %dma_start3A_34] : memref<32x40x128xi32, #tpu.memory_space<hbm>> -> memref<1x40x128xi32, #tpu.memory_space<hbm>>
      %dma_start3A_36 = tpu.memref_squeeze %dma_start3A_35 : memref<1x40x128xi32, #tpu.memory_space<hbm>> -> memref<40x128xi32, #tpu.memory_space<hbm>>
      %dma_start3A_37 = arith.constant 0 : i32
      %dma_start3A_38 = arith.constant 0 : i32
      %dma_start3A_39 = tpu.memref_slice %arg5[%add3A, %dma_start3A_37, %dma_start3A_38] : memref<32x40x128xi32, #tpu.memory_space<hbm>> -> memref<1x40x128xi32, #tpu.memory_space<hbm>>
      %dma_start3A_40 = tpu.memref_squeeze %dma_start3A_39 : memref<1x40x128xi32, #tpu.memory_space<hbm>> -> memref<40x128xi32, #tpu.memory_space<hbm>>
      tpu.enqueue_dma source(%dma_start3A_40 : memref<40x128xi32, #tpu.memory_space<hbm>>) target(%arg9 : memref<40x128xi32, #tpu.memory_space<vmem>>) target_semaphore(%run_scoped3A : memref<!tpu.dma_semaphore, #tpu.memory_space<semaphore_mem>>)
      %dma_wait3A = arith.constant 0 : i32
      %dma_wait3A_41 = arith.constant 0 : i32
      %dma_wait3A_42 = tpu.memref_slice %arg5[%add3A, %dma_wait3A, %dma_wait3A_41] : memref<32x40x128xi32, #tpu.memory_space<hbm>> -> memref<1x40x128xi32, #tpu.memory_space<hbm>>
      %dma_wait3A_43 = tpu.memref_squeeze %dma_wait3A_42 : memref<1x40x128xi32, #tpu.memory_space<hbm>> -> memref<40x128xi32, #tpu.memory_space<hbm>>
      %dma_wait3A_44 = arith.constant 0 : i32
      %dma_wait3A_45 = arith.constant 0 : i32
      %dma_wait3A_46 = tpu.memref_slice %arg5[%add3A, %dma_wait3A_44, %dma_wait3A_45] : memref<32x40x128xi32, #tpu.memory_space<hbm>> -> memref<1x40x128xi32, #tpu.memory_space<hbm>>
      %dma_wait3A_47 = tpu.memref_squeeze %dma_wait3A_46 : memref<1x40x128xi32, #tpu.memory_space<hbm>> -> memref<40x128xi32, #tpu.memory_space<hbm>>
      tpu.wait_dma2 semaphore(%run_scoped3A : memref<!tpu.dma_semaphore, #tpu.memory_space<semaphore_mem>>) src(%dma_wait3A_47 : memref<40x128xi32, #tpu.memory_space<hbm>>) dst(%arg9 : memref<40x128xi32, #tpu.memory_space<vmem>>)
      tpu.yield
    }) : () -> ()
    %dma_start3A = arith.constant 0 : i32
    %dma_start3A_1 = arith.constant 0 : i32
    %dma_start3A_2 = tpu.memref_slice %arg8[%dma_start3A, %dma_start3A_1] : memref<40x128xi32, #tpu.memory_space<vmem>> -> memref<1x128xi32, #tpu.memory_space<vmem>>
    %dma_start3A_3 = tpu.memref_squeeze %dma_start3A_2 : memref<1x128xi32, #tpu.memory_space<vmem>> -> memref<128xi32, #tpu.memory_space<vmem>>
    %dma_start3A_4 = arith.constant 0 : i32
    %dma_start3A_5 = arith.constant 0 : i32
    %dma_start3A_6 = tpu.memref_slice %arg2[%dma_start3A_4, %dma_start3A_5] : memref<10000x128xi32, #tpu.memory_space<hbm>> -> memref<10000x128xi32, #tpu.memory_space<hbm>>
    tpu.enqueue_indirect_dma source(%dma_start3A_6 : memref<10000x128xi32, #tpu.memory_space<hbm>>) target(%arg10 : memref<128x128xi32, #tpu.memory_space<vmem>>) offsets(%dma_start3A_3 : memref<128xi32, #tpu.memory_space<vmem>>) semaphore(%arg14 : memref<!tpu.dma_semaphore, #tpu.memory_space<semaphore_mem>>)
    %dma_start3A_7 = arith.constant 0 : i32
    %dma_start3A_8 = arith.constant 0 : i32
    %dma_start3A_9 = tpu.memref_slice %arg9[%dma_start3A_7, %dma_start3A_8] : memref<40x128xi32, #tpu.memory_space<vmem>> -> memref<1x128xi32, #tpu.memory_space<vmem>>
    %dma_start3A_10 = tpu.memref_squeeze %dma_start3A_9 : memref<1x128xi32, #tpu.memory_space<vmem>> -> memref<128xi32, #tpu.memory_space<vmem>>
    %dma_start3A_11 = arith.constant 0 : i32
    %dma_start3A_12 = arith.constant 0 : i32
    %dma_start3A_13 = tpu.memref_slice %arg3[%dma_start3A_11, %dma_start3A_12] : memref<10000x128xi32, #tpu.memory_space<hbm>> -> memref<10000x128xi32, #tpu.memory_space<hbm>>
    tpu.enqueue_indirect_dma source(%dma_start3A_13 : memref<10000x128xi32, #tpu.memory_space<hbm>>) target(%arg12 : memref<128x128xi32, #tpu.memory_space<vmem>>) offsets(%dma_start3A_10 : memref<128xi32, #tpu.memory_space<vmem>>) semaphore(%arg16 : memref<!tpu.dma_semaphore, #tpu.memory_space<semaphore_mem>>)
    %dma_start3A_14 = arith.constant 1 : i32
    %dma_start3A_15 = arith.constant 0 : i32
    %dma_start3A_16 = tpu.memref_slice %arg8[%dma_start3A_14, %dma_start3A_15] : memref<40x128xi32, #tpu.memory_space<vmem>> -> memref<1x128xi32, #tpu.memory_space<vmem>>
    %dma_start3A_17 = tpu.memref_squeeze %dma_start3A_16 : memref<1x128xi32, #tpu.memory_space<vmem>> -> memref<128xi32, #tpu.memory_space<vmem>>
    %dma_start3A_18 = arith.constant 0 : i32
    %dma_start3A_19 = arith.constant 0 : i32
    %dma_start3A_20 = tpu.memref_slice %arg2[%dma_start3A_18, %dma_start3A_19] : memref<10000x128xi32, #tpu.memory_space<hbm>> -> memref<10000x128xi32, #tpu.memory_space<hbm>>
    tpu.enqueue_indirect_dma source(%dma_start3A_20 : memref<10000x128xi32, #tpu.memory_space<hbm>>) target(%arg11 : memref<128x128xi32, #tpu.memory_space<vmem>>) offsets(%dma_start3A_17 : memref<128xi32, #tpu.memory_space<vmem>>) semaphore(%arg15 : memref<!tpu.dma_semaphore, #tpu.memory_space<semaphore_mem>>)
    %dma_start3A_21 = arith.constant 1 : i32
    %dma_start3A_22 = arith.constant 0 : i32
    %dma_start3A_23 = tpu.memref_slice %arg9[%dma_start3A_21, %dma_start3A_22] : memref<40x128xi32, #tpu.memory_space<vmem>> -> memref<1x128xi32, #tpu.memory_space<vmem>>
    %dma_start3A_24 = tpu.memref_squeeze %dma_start3A_23 : memref<1x128xi32, #tpu.memory_space<vmem>> -> memref<128xi32, #tpu.memory_space<vmem>>
    %dma_start3A_25 = arith.constant 0 : i32
    %dma_start3A_26 = arith.constant 0 : i32
    %dma_start3A_27 = tpu.memref_slice %arg3[%dma_start3A_25, %dma_start3A_26] : memref<10000x128xi32, #tpu.memory_space<hbm>> -> memref<10000x128xi32, #tpu.memory_space<hbm>>
    tpu.enqueue_indirect_dma source(%dma_start3A_27 : memref<10000x128xi32, #tpu.memory_space<hbm>>) target(%arg13 : memref<128x128xi32, #tpu.memory_space<vmem>>) offsets(%dma_start3A_24 : memref<128xi32, #tpu.memory_space<vmem>>) semaphore(%arg17 : memref<!tpu.dma_semaphore, #tpu.memory_space<semaphore_mem>>)
    %scan3A = arith.constant 0 : i32
    %scan3A_28 = arith.constant 0 : i32
    %scan3A_29 = arith.constant 20 : i32
    %scan3A_30 = arith.addi %scan3A_28, %scan3A_29 : i32
    %scan3A_31 = arith.constant 1 : i32
    scf.for %scan3A_33 = %scan3A_28 to %scan3A_30 step %scan3A_31  : i32 {
      %mul3A_34 = arith.constant 2 : i32
      %mul3A_35 = arith.muli %scan3A_33, %mul3A_34 : i32
      %add3A_36 = arith.constant 0 : i32
      %add3A_37 = arith.addi %mul3A_35, %add3A_36 : i32
      %mul3A_38 = arith.constant 5120 : i32
      %mul3A_39 = arith.muli %add3A, %mul3A_38 : i32
      %mul3A_40 = arith.constant 128 : i32
      %mul3A_41 = arith.muli %add3A_37, %mul3A_40 : i32
      %add3A_42 = arith.addi %mul3A_39, %mul3A_41 : i32
      %multiple_of3A = tpu.assume_multiple %add3A_42, 8 : i32
      %dma_wait3A = arith.constant 0 : i32
      %dma_wait3A_43 = tpu.memref_slice %arg8[%add3A_37, %dma_wait3A] : memref<40x128xi32, #tpu.memory_space<vmem>> -> memref<1x128xi32, #tpu.memory_space<vmem>>
      %dma_wait3A_44 = tpu.memref_squeeze %dma_wait3A_43 : memref<1x128xi32, #tpu.memory_space<vmem>> -> memref<128xi32, #tpu.memory_space<vmem>>
      %dma_wait3A_45 = arith.constant 0 : i32
      %dma_wait3A_46 = arith.constant 0 : i32
      %dma_wait3A_47 = tpu.memref_slice %arg2[%dma_wait3A_45, %dma_wait3A_46] : memref<10000x128xi32, #tpu.memory_space<hbm>> -> memref<10000x128xi32, #tpu.memory_space<hbm>>
      tpu.wait_indirect_dma semaphore(%arg14 : memref<!tpu.dma_semaphore, #tpu.memory_space<semaphore_mem>>) src(%dma_wait3A_47 : memref<10000x128xi32, #tpu.memory_space<hbm>>) dst(%arg10 : memref<128x128xi32, #tpu.memory_space<vmem>>)
      "tpu.region"() ({
        %run_scoped3A = tpu.sem_alloc : memref<!tpu.dma_semaphore, #tpu.memory_space<semaphore_mem>>
        %dma_start3A_87 = arith.constant 0 : i32
        %dma_start3A_88 = tpu.memref_slice %arg6[%multiple_of3A, %dma_start3A_87] : memref<163840x128xi32, #tpu.memory_space<hbm>> -> memref<128x128xi32, #tpu.memory_space<hbm>>
        %dma_start3A_89 = arith.constant 0 : i32
        %dma_start3A_90 = tpu.memref_slice %arg6[%multiple_of3A, %dma_start3A_89] : memref<163840x128xi32, #tpu.memory_space<hbm>> -> memref<128x128xi32, #tpu.memory_space<hbm>>
        tpu.enqueue_dma source(%arg10 : memref<128x128xi32, #tpu.memory_space<vmem>>) target(%dma_start3A_90 : memref<128x128xi32, #tpu.memory_space<hbm>>) target_semaphore(%run_scoped3A : memref<!tpu.dma_semaphore, #tpu.memory_space<semaphore_mem>>)
        %dma_wait3A_91 = arith.constant 0 : i32
        %dma_wait3A_92 = tpu.memref_slice %arg6[%multiple_of3A, %dma_wait3A_91] : memref<163840x128xi32, #tpu.memory_space<hbm>> -> memref<128x128xi32, #tpu.memory_space<hbm>>
        %dma_wait3A_93 = arith.constant 0 : i32
        %dma_wait3A_94 = tpu.memref_slice %arg6[%multiple_of3A, %dma_wait3A_93] : memref<163840x128xi32, #tpu.memory_space<hbm>> -> memref<128x128xi32, #tpu.memory_space<hbm>>
        tpu.wait_dma2 semaphore(%run_scoped3A : memref<!tpu.dma_semaphore, #tpu.memory_space<semaphore_mem>>) src(%arg10 : memref<128x128xi32, #tpu.memory_space<vmem>>) dst(%dma_wait3A_94 : memref<128x128xi32, #tpu.memory_space<hbm>>)
        tpu.yield
      }) : () -> ()
      %dma_wait3A_48 = arith.constant 0 : i32
      %dma_wait3A_49 = tpu.memref_slice %arg9[%add3A_37, %dma_wait3A_48] : memref<40x128xi32, #tpu.memory_space<vmem>> -> memref<1x128xi32, #tpu.memory_space<vmem>>
      %dma_wait3A_50 = tpu.memref_squeeze %dma_wait3A_49 : memref<1x128xi32, #tpu.memory_space<vmem>> -> memref<128xi32, #tpu.memory_space<vmem>>
      %dma_wait3A_51 = arith.constant 0 : i32
      %dma_wait3A_52 = arith.constant 0 : i32
      %dma_wait3A_53 = tpu.memref_slice %arg3[%dma_wait3A_51, %dma_wait3A_52] : memref<10000x128xi32, #tpu.memory_space<hbm>> -> memref<10000x128xi32, #tpu.memory_space<hbm>>
      tpu.wait_indirect_dma semaphore(%arg16 : memref<!tpu.dma_semaphore, #tpu.memory_space<semaphore_mem>>) src(%dma_wait3A_53 : memref<10000x128xi32, #tpu.memory_space<hbm>>) dst(%arg12 : memref<128x128xi32, #tpu.memory_space<vmem>>)
      "tpu.region"() ({
        %run_scoped3A = tpu.sem_alloc : memref<!tpu.dma_semaphore, #tpu.memory_space<semaphore_mem>>
        %dma_start3A_87 = arith.constant 0 : i32
        %dma_start3A_88 = tpu.memref_slice %arg7[%multiple_of3A, %dma_start3A_87] : memref<163840x128xi32, #tpu.memory_space<hbm>> -> memref<128x128xi32, #tpu.memory_space<hbm>>
        %dma_start3A_89 = arith.constant 0 : i32
        %dma_start3A_90 = tpu.memref_slice %arg7[%multiple_of3A, %dma_start3A_89] : memref<163840x128xi32, #tpu.memory_space<hbm>> -> memref<128x128xi32, #tpu.memory_space<hbm>>
        tpu.enqueue_dma source(%arg12 : memref<128x128xi32, #tpu.memory_space<vmem>>) target(%dma_start3A_90 : memref<128x128xi32, #tpu.memory_space<hbm>>) target_semaphore(%run_scoped3A : memref<!tpu.dma_semaphore, #tpu.memory_space<semaphore_mem>>)
        %dma_wait3A_91 = arith.constant 0 : i32
        %dma_wait3A_92 = tpu.memref_slice %arg7[%multiple_of3A, %dma_wait3A_91] : memref<163840x128xi32, #tpu.memory_space<hbm>> -> memref<128x128xi32, #tpu.memory_space<hbm>>
        %dma_wait3A_93 = arith.constant 0 : i32
        %dma_wait3A_94 = tpu.memref_slice %arg7[%multiple_of3A, %dma_wait3A_93] : memref<163840x128xi32, #tpu.memory_space<hbm>> -> memref<128x128xi32, #tpu.memory_space<hbm>>
        tpu.wait_dma2 semaphore(%run_scoped3A : memref<!tpu.dma_semaphore, #tpu.memory_space<semaphore_mem>>) src(%arg12 : memref<128x128xi32, #tpu.memory_space<vmem>>) dst(%dma_wait3A_94 : memref<128x128xi32, #tpu.memory_space<hbm>>)
        tpu.yield
      }) : () -> ()
      %add3A_54 = arith.constant 2 : i32
      %add3A_55 = arith.addi %add3A_37, %add3A_54 : i32
      %lt3A = arith.constant 40 : i32
      %lt3A_56 = arith.cmpi slt, %add3A_55, %lt3A : i32
      %convert_element_type3A = arith.extui %lt3A_56 : i1 to i32
      %cond3A = arith.constant 0 : i32
      %cond3A_57 = arith.cmpi ne, %convert_element_type3A, %cond3A : i32
      scf.if %cond3A_57 {
        %add3A_87 = arith.constant 2 : i32
        %add3A_88 = arith.addi %add3A_37, %add3A_87 : i32
        %dma_start3A_89 = arith.constant 0 : i32
        %dma_start3A_90 = tpu.memref_slice %arg8[%add3A_88, %dma_start3A_89] : memref<40x128xi32, #tpu.memory_space<vmem>> -> memref<1x128xi32, #tpu.memory_space<vmem>>
        %dma_start3A_91 = tpu.memref_squeeze %dma_start3A_90 : memref<1x128xi32, #tpu.memory_space<vmem>> -> memref<128xi32, #tpu.memory_space<vmem>>
        %dma_start3A_92 = arith.constant 0 : i32
        %dma_start3A_93 = arith.constant 0 : i32
        %dma_start3A_94 = tpu.memref_slice %arg2[%dma_start3A_92, %dma_start3A_93] : memref<10000x128xi32, #tpu.memory_space<hbm>> -> memref<10000x128xi32, #tpu.memory_space<hbm>>
        tpu.enqueue_indirect_dma source(%dma_start3A_94 : memref<10000x128xi32, #tpu.memory_space<hbm>>) target(%arg10 : memref<128x128xi32, #tpu.memory_space<vmem>>) offsets(%dma_start3A_91 : memref<128xi32, #tpu.memory_space<vmem>>) semaphore(%arg14 : memref<!tpu.dma_semaphore, #tpu.memory_space<semaphore_mem>>)
        %add3A_95 = arith.constant 2 : i32
        %add3A_96 = arith.addi %add3A_37, %add3A_95 : i32
        %dma_start3A_97 = arith.constant 0 : i32
        %dma_start3A_98 = tpu.memref_slice %arg9[%add3A_96, %dma_start3A_97] : memref<40x128xi32, #tpu.memory_space<vmem>> -> memref<1x128xi32, #tpu.memory_space<vmem>>
        %dma_start3A_99 = tpu.memref_squeeze %dma_start3A_98 : memref<1x128xi32, #tpu.memory_space<vmem>> -> memref<128xi32, #tpu.memory_space<vmem>>
        %dma_start3A_100 = arith.constant 0 : i32
        %dma_start3A_101 = arith.constant 0 : i32
        %dma_start3A_102 = tpu.memref_slice %arg3[%dma_start3A_100, %dma_start3A_101] : memref<10000x128xi32, #tpu.memory_space<hbm>> -> memref<10000x128xi32, #tpu.memory_space<hbm>>
        tpu.enqueue_indirect_dma source(%dma_start3A_102 : memref<10000x128xi32, #tpu.memory_space<hbm>>) target(%arg12 : memref<128x128xi32, #tpu.memory_space<vmem>>) offsets(%dma_start3A_99 : memref<128xi32, #tpu.memory_space<vmem>>) semaphore(%arg16 : memref<!tpu.dma_semaphore, #tpu.memory_space<semaphore_mem>>)
      } else {
      }
      %mul3A_58 = arith.constant 2 : i32
      %mul3A_59 = arith.muli %scan3A_33, %mul3A_58 : i32
      %add3A_60 = arith.constant 1 : i32
      %add3A_61 = arith.addi %mul3A_59, %add3A_60 : i32
      %mul3A_62 = arith.constant 5120 : i32
      %mul3A_63 = arith.muli %add3A, %mul3A_62 : i32
      %mul3A_64 = arith.constant 128 : i32
      %mul3A_65 = arith.muli %add3A_61, %mul3A_64 : i32
      %add3A_66 = arith.addi %mul3A_63, %mul3A_65 : i32
      %multiple_of3A_67 = tpu.assume_multiple %add3A_66, 8 : i32
      %dma_wait3A_68 = arith.constant 0 : i32
      %dma_wait3A_69 = tpu.memref_slice %arg8[%add3A_61, %dma_wait3A_68] : memref<40x128xi32, #tpu.memory_space<vmem>> -> memref<1x128xi32, #tpu.memory_space<vmem>>
      %dma_wait3A_70 = tpu.memref_squeeze %dma_wait3A_69 : memref<1x128xi32, #tpu.memory_space<vmem>> -> memref<128xi32, #tpu.memory_space<vmem>>
      %dma_wait3A_71 = arith.constant 0 : i32
      %dma_wait3A_72 = arith.constant 0 : i32
      %dma_wait3A_73 = tpu.memref_slice %arg2[%dma_wait3A_71, %dma_wait3A_72] : memref<10000x128xi32, #tpu.memory_space<hbm>> -> memref<10000x128xi32, #tpu.memory_space<hbm>>
      tpu.wait_indirect_dma semaphore(%arg15 : memref<!tpu.dma_semaphore, #tpu.memory_space<semaphore_mem>>) src(%dma_wait3A_73 : memref<10000x128xi32, #tpu.memory_space<hbm>>) dst(%arg11 : memref<128x128xi32, #tpu.memory_space<vmem>>)
      "tpu.region"() ({
        %run_scoped3A = tpu.sem_alloc : memref<!tpu.dma_semaphore, #tpu.memory_space<semaphore_mem>>
        %dma_start3A_87 = arith.constant 0 : i32
        %dma_start3A_88 = tpu.memref_slice %arg6[%multiple_of3A_67, %dma_start3A_87] : memref<163840x128xi32, #tpu.memory_space<hbm>> -> memref<128x128xi32, #tpu.memory_space<hbm>>
        %dma_start3A_89 = arith.constant 0 : i32
        %dma_start3A_90 = tpu.memref_slice %arg6[%multiple_of3A_67, %dma_start3A_89] : memref<163840x128xi32, #tpu.memory_space<hbm>> -> memref<128x128xi32, #tpu.memory_space<hbm>>
        tpu.enqueue_dma source(%arg11 : memref<128x128xi32, #tpu.memory_space<vmem>>) target(%dma_start3A_90 : memref<128x128xi32, #tpu.memory_space<hbm>>) target_semaphore(%run_scoped3A : memref<!tpu.dma_semaphore, #tpu.memory_space<semaphore_mem>>)
        %dma_wait3A_91 = arith.constant 0 : i32
        %dma_wait3A_92 = tpu.memref_slice %arg6[%multiple_of3A_67, %dma_wait3A_91] : memref<163840x128xi32, #tpu.memory_space<hbm>> -> memref<128x128xi32, #tpu.memory_space<hbm>>
        %dma_wait3A_93 = arith.constant 0 : i32
        %dma_wait3A_94 = tpu.memref_slice %arg6[%multiple_of3A_67, %dma_wait3A_93] : memref<163840x128xi32, #tpu.memory_space<hbm>> -> memref<128x128xi32, #tpu.memory_space<hbm>>
        tpu.wait_dma2 semaphore(%run_scoped3A : memref<!tpu.dma_semaphore, #tpu.memory_space<semaphore_mem>>) src(%arg11 : memref<128x128xi32, #tpu.memory_space<vmem>>) dst(%dma_wait3A_94 : memref<128x128xi32, #tpu.memory_space<hbm>>)
        tpu.yield
      }) : () -> ()
      %dma_wait3A_74 = arith.constant 0 : i32
      %dma_wait3A_75 = tpu.memref_slice %arg9[%add3A_61, %dma_wait3A_74] : memref<40x128xi32, #tpu.memory_space<vmem>> -> memref<1x128xi32, #tpu.memory_space<vmem>>
      %dma_wait3A_76 = tpu.memref_squeeze %dma_wait3A_75 : memref<1x128xi32, #tpu.memory_space<vmem>> -> memref<128xi32, #tpu.memory_space<vmem>>
      %dma_wait3A_77 = arith.constant 0 : i32
      %dma_wait3A_78 = arith.constant 0 : i32
      %dma_wait3A_79 = tpu.memref_slice %arg3[%dma_wait3A_77, %dma_wait3A_78] : memref<10000x128xi32, #tpu.memory_space<hbm>> -> memref<10000x128xi32, #tpu.memory_space<hbm>>
      tpu.wait_indirect_dma semaphore(%arg17 : memref<!tpu.dma_semaphore, #tpu.memory_space<semaphore_mem>>) src(%dma_wait3A_79 : memref<10000x128xi32, #tpu.memory_space<hbm>>) dst(%arg13 : memref<128x128xi32, #tpu.memory_space<vmem>>)
      "tpu.region"() ({
        %run_scoped3A = tpu.sem_alloc : memref<!tpu.dma_semaphore, #tpu.memory_space<semaphore_mem>>
        %dma_start3A_87 = arith.constant 0 : i32
        %dma_start3A_88 = tpu.memref_slice %arg7[%multiple_of3A_67, %dma_start3A_87] : memref<163840x128xi32, #tpu.memory_space<hbm>> -> memref<128x128xi32, #tpu.memory_space<hbm>>
        %dma_start3A_89 = arith.constant 0 : i32
        %dma_start3A_90 = tpu.memref_slice %arg7[%multiple_of3A_67, %dma_start3A_89] : memref<163840x128xi32, #tpu.memory_space<hbm>> -> memref<128x128xi32, #tpu.memory_space<hbm>>
        tpu.enqueue_dma source(%arg13 : memref<128x128xi32, #tpu.memory_space<vmem>>) target(%dma_start3A_90 : memref<128x128xi32, #tpu.memory_space<hbm>>) target_semaphore(%run_scoped3A : memref<!tpu.dma_semaphore, #tpu.memory_space<semaphore_mem>>)
        %dma_wait3A_91 = arith.constant 0 : i32
        %dma_wait3A_92 = tpu.memref_slice %arg7[%multiple_of3A_67, %dma_wait3A_91] : memref<163840x128xi32, #tpu.memory_space<hbm>> -> memref<128x128xi32, #tpu.memory_space<hbm>>
        %dma_wait3A_93 = arith.constant 0 : i32
        %dma_wait3A_94 = tpu.memref_slice %arg7[%multiple_of3A_67, %dma_wait3A_93] : memref<163840x128xi32, #tpu.memory_space<hbm>> -> memref<128x128xi32, #tpu.memory_space<hbm>>
        tpu.wait_dma2 semaphore(%run_scoped3A : memref<!tpu.dma_semaphore, #tpu.memory_space<semaphore_mem>>) src(%arg13 : memref<128x128xi32, #tpu.memory_space<vmem>>) dst(%dma_wait3A_94 : memref<128x128xi32, #tpu.memory_space<hbm>>)
        tpu.yield
      }) : () -> ()
      %add3A_80 = arith.constant 2 : i32
      %add3A_81 = arith.addi %add3A_61, %add3A_80 : i32
      %lt3A_82 = arith.constant 40 : i32
      %lt3A_83 = arith.cmpi slt, %add3A_81, %lt3A_82 : i32
      %convert_element_type3A_84 = arith.extui %lt3A_83 : i1 to i32
      %cond3A_85 = arith.constant 0 : i32
      %cond3A_86 = arith.cmpi ne, %convert_element_type3A_84, %cond3A_85 : i32
      scf.if %cond3A_86 {
        %add3A_87 = arith.constant 2 : i32
        %add3A_88 = arith.addi %add3A_61, %add3A_87 : i32
        %dma_start3A_89 = arith.constant 0 : i32
        %dma_start3A_90 = tpu.memref_slice %arg8[%add3A_88, %dma_start3A_89] : memref<40x128xi32, #tpu.memory_space<vmem>> -> memref<1x128xi32, #tpu.memory_space<vmem>>
        %dma_start3A_91 = tpu.memref_squeeze %dma_start3A_90 : memref<1x128xi32, #tpu.memory_space<vmem>> -> memref<128xi32, #tpu.memory_space<vmem>>
        %dma_start3A_92 = arith.constant 0 : i32
        %dma_start3A_93 = arith.constant 0 : i32
        %dma_start3A_94 = tpu.memref_slice %arg2[%dma_start3A_92, %dma_start3A_93] : memref<10000x128xi32, #tpu.memory_space<hbm>> -> memref<10000x128xi32, #tpu.memory_space<hbm>>
        tpu.enqueue_indirect_dma source(%dma_start3A_94 : memref<10000x128xi32, #tpu.memory_space<hbm>>) target(%arg11 : memref<128x128xi32, #tpu.memory_space<vmem>>) offsets(%dma_start3A_91 : memref<128xi32, #tpu.memory_space<vmem>>) semaphore(%arg15 : memref<!tpu.dma_semaphore, #tpu.memory_space<semaphore_mem>>)
        %add3A_95 = arith.constant 2 : i32
        %add3A_96 = arith.addi %add3A_61, %add3A_95 : i32
        %dma_start3A_97 = arith.constant 0 : i32
        %dma_start3A_98 = tpu.memref_slice %arg9[%add3A_96, %dma_start3A_97] : memref<40x128xi32, #tpu.memory_space<vmem>> -> memref<1x128xi32, #tpu.memory_space<vmem>>
        %dma_start3A_99 = tpu.memref_squeeze %dma_start3A_98 : memref<1x128xi32, #tpu.memory_space<vmem>> -> memref<128xi32, #tpu.memory_space<vmem>>
        %dma_start3A_100 = arith.constant 0 : i32
        %dma_start3A_101 = arith.constant 0 : i32
        %dma_start3A_102 = tpu.memref_slice %arg3[%dma_start3A_100, %dma_start3A_101] : memref<10000x128xi32, #tpu.memory_space<hbm>> -> memref<10000x128xi32, #tpu.memory_space<hbm>>
        tpu.enqueue_indirect_dma source(%dma_start3A_102 : memref<10000x128xi32, #tpu.memory_space<hbm>>) target(%arg13 : memref<128x128xi32, #tpu.memory_space<vmem>>) offsets(%dma_start3A_99 : memref<128xi32, #tpu.memory_space<vmem>>) semaphore(%arg17 : memref<!tpu.dma_semaphore, #tpu.memory_space<semaphore_mem>>)
      } else {
      }
    }
    %scan3A_32 = arith.constant 20 : i32
    return
  }
}

module attributes {stable_mosaic.version = 14 : i64} {
  func.func @_prologue_body(%arg0: i32, %arg1: memref<2000x128xf32, #tpu.memory_space<vmem>>, %arg2: memref<128x128xf32, #tpu.memory_space<vmem>>, %arg3: memref<1x128xf32, #tpu.memory_space<vmem>>, %arg4: memref<128x128xf32, #tpu.memory_space<vmem>>, %arg5: memref<128x128xf32, #tpu.memory_space<vmem>>, %arg6: memref<2000x128xf32, #tpu.memory_space<vmem>>, %arg7: memref<2000x128xi32, #tpu.memory_space<vmem>>, %arg8: memref<2000x128xi32, #tpu.memory_space<vmem>>) attributes {dimension_semantics = [#tpu.dimension_semantics<arbitrary>], iteration_bounds = array<i64: 5>, scalar_prefetch = 0 : i64, scratch_operands = 0 : i64, tpu.core_type = #tpu.core_type<tc>, window_params = [{transform_indices = @transform_0, window_bounds = array<i64: 2000, 128>}, {pipeline_mode = #tpu.pipeline_mode<synchronous>, transform_indices = @transform_1, window_bounds = array<i64: 128, 128>}, {pipeline_mode = #tpu.pipeline_mode<synchronous>, transform_indices = @transform_2, window_bounds = array<i64: 1, 128>}, {pipeline_mode = #tpu.pipeline_mode<synchronous>, transform_indices = @transform_3, window_bounds = array<i64: 128, 128>}, {pipeline_mode = #tpu.pipeline_mode<synchronous>, transform_indices = @transform_4, window_bounds = array<i64: 128, 128>}, {transform_indices = @transform_5, window_bounds = array<i64: 2000, 128>}, {transform_indices = @transform_6, window_bounds = array<i64: 2000, 128>}, {transform_indices = @transform_7, window_bounds = array<i64: 2000, 128>}]} {
    %get3A = arith.constant 0 : index
    %get3A_0 = arith.constant 0 : index
    %get3A_1 = vector.load %arg1[%get3A, %get3A_0] : memref<2000x128xf32, #tpu.memory_space<vmem>>, vector<2000x128xf32>
    %iota3A = tpu.iota {dimensions = array<i32: 1>} : vector<2000x128xi32>
    %eq3A = arith.constant 0 : i32
    %eq3A_2 = vector.broadcast %eq3A : i32 to vector<2000x128xi32>
    %eq3A_3 = arith.cmpi eq, %iota3A, %eq3A_2 : vector<2000x128xi32>
    %slice3A = vector.extract_strided_slice %get3A_1 {offsets = [0, 0], sizes = [2000, 1], strides = [1, 1]} : vector<2000x128xf32> to vector<2000x1xf32>
    %max3A = arith.constant 1.00000012 : f32
    %max3A_4 = vector.broadcast %max3A : f32 to vector<2000x1xf32>
    %max3A_5 = arith.maximumf %slice3A, %max3A_4 : vector<2000x1xf32>
    %mul3A = arith.mulf %max3A_5, %max3A_5 : vector<2000x1xf32>
    %sub3A = arith.constant 1.000000e+00 : f32
    %sub3A_6 = vector.broadcast %sub3A : f32 to vector<2000x1xf32>
    %sub3A_7 = arith.subf %mul3A, %sub3A_6 : vector<2000x1xf32>
    %sqrt3A = math.sqrt %sub3A_7 : vector<2000x1xf32>
    %add3A = arith.addf %max3A_5, %sqrt3A : vector<2000x1xf32>
    %log3A = math.log %add3A : vector<2000x1xf32>
    %mul3A_8 = arith.mulf %get3A_1, %get3A_1 : vector<2000x128xf32>
    %reduce_sum3A = arith.constant dense<0.000000e+00> : vector<2000xf32>
    %reduce_sum3A_9 = vector.multi_reduction <add>, %mul3A_8, %reduce_sum3A [1] : vector<2000x128xf32> to vector<2000xf32>
    %broadcast_in_dim3A = vector.shape_cast %reduce_sum3A_9 : vector<2000xf32> to vector<2000x1xf32>
    %slice3A_10 = vector.extract_strided_slice %get3A_1 {offsets = [0, 0], sizes = [2000, 1], strides = [1, 1]} : vector<2000x128xf32> to vector<2000x1xf32>
    %slice3A_11 = vector.extract_strided_slice %get3A_1 {offsets = [0, 0], sizes = [2000, 1], strides = [1, 1]} : vector<2000x128xf32> to vector<2000x1xf32>
    %mul3A_12 = arith.mulf %slice3A_10, %slice3A_11 : vector<2000x1xf32>
    %sub3A_13 = arith.subf %broadcast_in_dim3A, %mul3A_12 : vector<2000x1xf32>
    %max3A_14 = arith.constant 9.99999996E-13 : f32
    %max3A_15 = vector.broadcast %max3A_14 : f32 to vector<2000x1xf32>
    %max3A_16 = arith.maximumf %sub3A_13, %max3A_15 : vector<2000x1xf32>
    %sqrt3A_17 = math.sqrt %max3A_16 : vector<2000x1xf32>
    %div3A = arith.divf %log3A, %sqrt3A_17 : vector<2000x1xf32>
    %mul3A_18 = vector.broadcast %div3A : vector<2000x1xf32> to vector<2000x128xf32>
    %mul3A_19 = arith.mulf %mul3A_18, %get3A_1 : vector<2000x128xf32>
    %jit3A = arith.constant 0.000000e+00 : f32
    %broadcast_in_dim3A_20 = vector.broadcast %jit3A : f32 to vector<2000x128xf32>
    %select_n3A = arith.select %eq3A_3, %broadcast_in_dim3A_20, %mul3A_19 : vector<2000x128xi1>, vector<2000x128xf32>
    %get3A_21 = arith.constant 0 : index
    %get3A_22 = arith.constant 0 : index
    %get3A_23 = vector.load %arg2[%get3A_21, %get3A_22] : memref<128x128xf32, #tpu.memory_space<vmem>>, vector<128x128xf32>
    %dot_general3A = arith.constant dense<0.000000e+00> : vector<2000x128xf32>
    %dot_general3A_24 = tpu.matmul %select_n3A, %get3A_23, %dot_general3A {dimension_numbers = #tpu.dot_dimension_numbers<[1], [0], [0], [1], [0, 0, 1, 1], [], []>, transpose_lhs_hint = false} : vector<2000x128xf32>, vector<128x128xf32>, vector<2000x128xf32> -> vector<2000x128xf32>
    %jit3A_25 = arith.constant 0.000000e+00 : f32
    %broadcast_in_dim3A_26 = vector.broadcast %jit3A_25 : f32 to vector<2000x128xf32>
    %select_n3A_27 = arith.select %eq3A_3, %broadcast_in_dim3A_26, %dot_general3A_24 : vector<2000x128xi1>, vector<2000x128xf32>
    %jit3A_28 = arith.constant 0.000000e+00 : f32
    %broadcast_in_dim3A_29 = vector.broadcast %jit3A_28 : f32 to vector<2000x128xf32>
    %select_n3A_30 = arith.select %eq3A_3, %broadcast_in_dim3A_29, %select_n3A_27 : vector<2000x128xi1>, vector<2000x128xf32>
    %mul3A_31 = arith.mulf %select_n3A_30, %select_n3A_30 : vector<2000x128xf32>
    %reduce_sum3A_32 = arith.constant dense<0.000000e+00> : vector<2000xf32>
    %reduce_sum3A_33 = vector.multi_reduction <add>, %mul3A_31, %reduce_sum3A_32 [1] : vector<2000x128xf32> to vector<2000xf32>
    %broadcast_in_dim3A_34 = vector.shape_cast %reduce_sum3A_33 : vector<2000xf32> to vector<2000x1xf32>
    %max3A_35 = arith.constant 9.99999996E-13 : f32
    %max3A_36 = vector.broadcast %max3A_35 : f32 to vector<2000x1xf32>
    %max3A_37 = arith.maximumf %broadcast_in_dim3A_34, %max3A_36 : vector<2000x1xf32>
    %sqrt3A_38 = math.sqrt %max3A_37 : vector<2000x1xf32>
    %exp3A = math.exp %sqrt3A_38 : vector<2000x1xf32>
    %div3A_39 = arith.constant 1.000000e+00 : f32
    %div3A_40 = vector.broadcast %div3A_39 : f32 to vector<2000x1xf32>
    %div3A_41 = arith.divf %div3A_40, %exp3A : vector<2000x1xf32>
    %add3A_42 = arith.addf %exp3A, %div3A_41 : vector<2000x1xf32>
    %mul3A_43 = arith.constant 5.000000e-01 : f32
    %mul3A_44 = vector.broadcast %mul3A_43 : f32 to vector<2000x1xf32>
    %mul3A_45 = arith.mulf %mul3A_44, %add3A_42 : vector<2000x1xf32>
    %sub3A_46 = arith.subf %exp3A, %div3A_41 : vector<2000x1xf32>
    %mul3A_47 = arith.constant 5.000000e-01 : f32
    %mul3A_48 = vector.broadcast %mul3A_47 : f32 to vector<2000x1xf32>
    %mul3A_49 = arith.mulf %mul3A_48, %sub3A_46 : vector<2000x1xf32>
    %div3A_50 = arith.divf %mul3A_49, %sqrt3A_38 : vector<2000x1xf32>
    %mul3A_51 = vector.broadcast %div3A_50 : vector<2000x1xf32> to vector<2000x128xf32>
    %mul3A_52 = arith.mulf %mul3A_51, %select_n3A_30 : vector<2000x128xf32>
    %broadcast_in_dim3A_53 = vector.shape_cast %mul3A_45 : vector<2000x1xf32> to vector<2000x1xf32>
    %broadcast_in_dim3A_54 = vector.broadcast %broadcast_in_dim3A_53 : vector<2000x1xf32> to vector<2000x128xf32>
    %select_n3A_55 = arith.select %eq3A_3, %broadcast_in_dim3A_54, %mul3A_52 : vector<2000x128xi1>, vector<2000x128xf32>
    %iota3A_56 = tpu.iota {dimensions = array<i32: 1>} : vector<1x128xi32>
    %eq3A_57 = arith.constant 0 : i32
    %eq3A_58 = vector.broadcast %eq3A_57 : i32 to vector<1x128xi32>
    %eq3A_59 = arith.cmpi eq, %iota3A_56, %eq3A_58 : vector<1x128xi32>
    %get3A_60 = arith.constant 0 : index
    %get3A_61 = arith.constant 0 : index
    %get3A_62 = vector.load %arg3[%get3A_60, %get3A_61] : memref<1x128xf32, #tpu.memory_space<vmem>>, vector<1x128xf32>
    %jit3A_63 = arith.constant 0.000000e+00 : f32
    %broadcast_in_dim3A_64 = vector.broadcast %jit3A_63 : f32 to vector<1x128xf32>
    %select_n3A_65 = arith.select %eq3A_59, %broadcast_in_dim3A_64, %get3A_62 : vector<1x128xi1>, vector<1x128xf32>
    %mul3A_66 = vector.broadcast %select_n3A_65 : vector<1x128xf32> to vector<2000x128xf32>
    %mul3A_67 = arith.mulf %select_n3A_55, %mul3A_66 : vector<2000x128xf32>
    %reduce_sum3A_68 = arith.constant dense<0.000000e+00> : vector<2000xf32>
    %reduce_sum3A_69 = vector.multi_reduction <add>, %mul3A_67, %reduce_sum3A_68 [1] : vector<2000x128xf32> to vector<2000xf32>
    %broadcast_in_dim3A_70 = vector.shape_cast %reduce_sum3A_69 : vector<2000xf32> to vector<2000x1xf32>
    %slice3A_71 = vector.extract_strided_slice %select_n3A_55 {offsets = [0, 0], sizes = [2000, 1], strides = [1, 1]} : vector<2000x128xf32> to vector<2000x1xf32>
    %add3A_72 = arith.constant 1.000000e+00 : f32
    %add3A_73 = vector.broadcast %add3A_72 : f32 to vector<2000x1xf32>
    %add3A_74 = arith.addf %add3A_73, %slice3A_71 : vector<2000x1xf32>
    %div3A_75 = arith.divf %broadcast_in_dim3A_70, %add3A_74 : vector<2000x1xf32>
    %jit3A_76 = arith.constant 1.000000e+00 : f32
    %jit3A_77 = arith.constant 0.000000e+00 : f32
    %broadcast_in_dim3A_78 = vector.broadcast %jit3A_76 : f32 to vector<2000x128xf32>
    %broadcast_in_dim3A_79 = vector.broadcast %jit3A_77 : f32 to vector<2000x128xf32>
    %select_n3A_80 = arith.select %eq3A_3, %broadcast_in_dim3A_78, %broadcast_in_dim3A_79 : vector<2000x128xi1>, vector<2000x128xf32>
    %add3A_81 = arith.addf %select_n3A_80, %select_n3A_55 : vector<2000x128xf32>
    %mul3A_82 = vector.broadcast %div3A_75 : vector<2000x1xf32> to vector<2000x128xf32>
    %mul3A_83 = arith.mulf %mul3A_82, %add3A_81 : vector<2000x128xf32>
    %add3A_84 = vector.broadcast %select_n3A_65 : vector<1x128xf32> to vector<2000x128xf32>
    %add3A_85 = arith.addf %add3A_84, %mul3A_83 : vector<2000x128xf32>
    %mul3A_86 = arith.mulf %add3A_85, %add3A_85 : vector<2000x128xf32>
    %reduce_sum3A_87 = arith.constant dense<0.000000e+00> : vector<2000xf32>
    %reduce_sum3A_88 = vector.multi_reduction <add>, %mul3A_86, %reduce_sum3A_87 [1] : vector<2000x128xf32> to vector<2000xf32>
    %broadcast_in_dim3A_89 = vector.shape_cast %reduce_sum3A_88 : vector<2000xf32> to vector<2000x1xf32>
    %slice3A_90 = vector.extract_strided_slice %add3A_85 {offsets = [0, 0], sizes = [2000, 1], strides = [1, 1]} : vector<2000x128xf32> to vector<2000x1xf32>
    %mul3A_91 = arith.constant 2.000000e+00 : f32
    %mul3A_92 = vector.broadcast %mul3A_91 : f32 to vector<2000x1xf32>
    %mul3A_93 = arith.mulf %mul3A_92, %slice3A_90 : vector<2000x1xf32>
    %slice3A_94 = vector.extract_strided_slice %add3A_85 {offsets = [0, 0], sizes = [2000, 1], strides = [1, 1]} : vector<2000x128xf32> to vector<2000x1xf32>
    %mul3A_95 = arith.mulf %mul3A_93, %slice3A_94 : vector<2000x1xf32>
    %sub3A_96 = arith.subf %broadcast_in_dim3A_89, %mul3A_95 : vector<2000x1xf32>
    %max3A_97 = arith.constant 9.99999996E-13 : f32
    %max3A_98 = vector.broadcast %max3A_97 : f32 to vector<2000x1xf32>
    %max3A_99 = arith.maximumf %sub3A_96, %max3A_98 : vector<2000x1xf32>
    %sqrt3A_100 = math.sqrt %max3A_99 : vector<2000x1xf32>
    %exp3A_101 = math.exp %sqrt3A_100 : vector<2000x1xf32>
    %div3A_102 = arith.constant 1.000000e+00 : f32
    %div3A_103 = vector.broadcast %div3A_102 : f32 to vector<2000x1xf32>
    %div3A_104 = arith.divf %div3A_103, %exp3A_101 : vector<2000x1xf32>
    %add3A_105 = arith.addf %exp3A_101, %div3A_104 : vector<2000x1xf32>
    %mul3A_106 = arith.constant 5.000000e-01 : f32
    %mul3A_107 = vector.broadcast %mul3A_106 : f32 to vector<2000x1xf32>
    %mul3A_108 = arith.mulf %mul3A_107, %add3A_105 : vector<2000x1xf32>
    %sub3A_109 = arith.subf %exp3A_101, %div3A_104 : vector<2000x1xf32>
    %mul3A_110 = arith.constant 5.000000e-01 : f32
    %mul3A_111 = vector.broadcast %mul3A_110 : f32 to vector<2000x1xf32>
    %mul3A_112 = arith.mulf %mul3A_111, %sub3A_109 : vector<2000x1xf32>
    %mul3A_113 = vector.broadcast %mul3A_108 : vector<2000x1xf32> to vector<2000x128xf32>
    %mul3A_114 = arith.mulf %mul3A_113, %select_n3A_55 : vector<2000x128xf32>
    %div3A_115 = arith.divf %mul3A_112, %sqrt3A_100 : vector<2000x1xf32>
    %mul3A_116 = vector.broadcast %div3A_115 : vector<2000x1xf32> to vector<2000x128xf32>
    %mul3A_117 = arith.mulf %mul3A_116, %add3A_85 : vector<2000x128xf32>
    %add3A_118 = arith.addf %mul3A_114, %mul3A_117 : vector<2000x128xf32>
    %swap3A = arith.constant 0 : index
    %swap3A_119 = arith.constant 0 : index
    %swap3A_120 = vector.load %arg6[%swap3A, %swap3A_119] : memref<2000x128xf32, #tpu.memory_space<vmem>>, vector<2000x128xf32>
    tpu.vector_store %arg6[%swap3A, %swap3A_119], %add3A_118 {strides = array<i32>} : memref<2000x128xf32, #tpu.memory_space<vmem>>, vector<2000x128xf32>,
    %slice3A_121 = vector.extract_strided_slice %add3A_118 {offsets = [0, 0], sizes = [2000, 1], strides = [1, 1]} : vector<2000x128xf32> to vector<2000x1xf32>
    %max3A_122 = arith.constant 1.00000012 : f32
    %max3A_123 = vector.broadcast %max3A_122 : f32 to vector<2000x1xf32>
    %max3A_124 = arith.maximumf %slice3A_121, %max3A_123 : vector<2000x1xf32>
    %mul3A_125 = arith.mulf %max3A_124, %max3A_124 : vector<2000x1xf32>
    %sub3A_126 = arith.constant 1.000000e+00 : f32
    %sub3A_127 = vector.broadcast %sub3A_126 : f32 to vector<2000x1xf32>
    %sub3A_128 = arith.subf %mul3A_125, %sub3A_127 : vector<2000x1xf32>
    %sqrt3A_129 = math.sqrt %sub3A_128 : vector<2000x1xf32>
    %add3A_130 = arith.addf %max3A_124, %sqrt3A_129 : vector<2000x1xf32>
    %log3A_131 = math.log %add3A_130 : vector<2000x1xf32>
    %mul3A_132 = arith.mulf %add3A_118, %add3A_118 : vector<2000x128xf32>
    %reduce_sum3A_133 = arith.constant dense<0.000000e+00> : vector<2000xf32>
    %reduce_sum3A_134 = vector.multi_reduction <add>, %mul3A_132, %reduce_sum3A_133 [1] : vector<2000x128xf32> to vector<2000xf32>
    %broadcast_in_dim3A_135 = vector.shape_cast %reduce_sum3A_134 : vector<2000xf32> to vector<2000x1xf32>
    %slice3A_136 = vector.extract_strided_slice %add3A_118 {offsets = [0, 0], sizes = [2000, 1], strides = [1, 1]} : vector<2000x128xf32> to vector<2000x1xf32>
    %slice3A_137 = vector.extract_strided_slice %add3A_118 {offsets = [0, 0], sizes = [2000, 1], strides = [1, 1]} : vector<2000x128xf32> to vector<2000x1xf32>
    %mul3A_138 = arith.mulf %slice3A_136, %slice3A_137 : vector<2000x1xf32>
    %sub3A_139 = arith.subf %broadcast_in_dim3A_135, %mul3A_138 : vector<2000x1xf32>
    %max3A_140 = arith.constant 9.99999996E-13 : f32
    %max3A_141 = vector.broadcast %max3A_140 : f32 to vector<2000x1xf32>
    %max3A_142 = arith.maximumf %sub3A_139, %max3A_141 : vector<2000x1xf32>
    %sqrt3A_143 = math.sqrt %max3A_142 : vector<2000x1xf32>
    %div3A_144 = arith.divf %log3A_131, %sqrt3A_143 : vector<2000x1xf32>
    %mul3A_145 = vector.broadcast %div3A_144 : vector<2000x1xf32> to vector<2000x128xf32>
    %mul3A_146 = arith.mulf %mul3A_145, %add3A_118 : vector<2000x128xf32>
    %jit3A_147 = arith.constant 0.000000e+00 : f32
    %broadcast_in_dim3A_148 = vector.broadcast %jit3A_147 : f32 to vector<2000x128xf32>
    %select_n3A_149 = arith.select %eq3A_3, %broadcast_in_dim3A_148, %mul3A_146 : vector<2000x128xi1>, vector<2000x128xf32>
    %get3A_150 = arith.constant 0 : index
    %get3A_151 = arith.constant 0 : index
    %get3A_152 = vector.load %arg4[%get3A_150, %get3A_151] : memref<128x128xf32, #tpu.memory_space<vmem>>, vector<128x128xf32>
    %dot_general3A_153 = arith.constant dense<0.000000e+00> : vector<2000x128xf32>
    %dot_general3A_154 = tpu.matmul %select_n3A_149, %get3A_152, %dot_general3A_153 {dimension_numbers = #tpu.dot_dimension_numbers<[1], [0], [0], [1], [0, 0, 1, 1], [], []>, transpose_lhs_hint = false} : vector<2000x128xf32>, vector<128x128xf32>, vector<2000x128xf32> -> vector<2000x128xf32>
    %get3A_155 = arith.constant 0 : index
    %get3A_156 = arith.constant 0 : index
    %get3A_157 = vector.load %arg5[%get3A_155, %get3A_156] : memref<128x128xf32, #tpu.memory_space<vmem>>, vector<128x128xf32>
    %dot_general3A_158 = arith.constant dense<0.000000e+00> : vector<2000x128xf32>
    %dot_general3A_159 = tpu.matmul %select_n3A_149, %get3A_157, %dot_general3A_158 {dimension_numbers = #tpu.dot_dimension_numbers<[1], [0], [0], [1], [0, 0, 1, 1], [], []>, transpose_lhs_hint = false} : vector<2000x128xf32>, vector<128x128xf32>, vector<2000x128xf32> -> vector<2000x128xf32>
    %bitcast_convert_type3A = tpu.bitcast %add3A_118 : vector<2000x128xf32> -> vector<2000x128xi32>
    %add3A_160 = arith.constant 32767 : i32
    %add3A_161 = vector.broadcast %add3A_160 : i32 to vector<2000x128xi32>
    %add3A_162 = arith.addi %bitcast_convert_type3A, %add3A_161 : vector<2000x128xi32>
    %shift_right_logical3A = arith.constant 16 : i32
    %shift_right_logical3A_163 = vector.broadcast %shift_right_logical3A : i32 to vector<2000x128xi32>
    %shift_right_logical3A_164 = arith.shrui %bitcast_convert_type3A, %shift_right_logical3A_163 : vector<2000x128xi32>
    %and3A = arith.constant 1 : i32
    %and3A_165 = vector.broadcast %and3A : i32 to vector<2000x128xi32>
    %and3A_166 = arith.andi %shift_right_logical3A_164, %and3A_165 : vector<2000x128xi32>
    %add3A_167 = arith.addi %add3A_162, %and3A_166 : vector<2000x128xi32>
    %shift_right_logical3A_168 = arith.constant 16 : i32
    %shift_right_logical3A_169 = vector.broadcast %shift_right_logical3A_168 : i32 to vector<2000x128xi32>
    %shift_right_logical3A_170 = arith.shrui %add3A_167, %shift_right_logical3A_169 : vector<2000x128xi32>
    %bitcast_convert_type3A_171 = tpu.bitcast %dot_general3A_154 : vector<2000x128xf32> -> vector<2000x128xi32>
    %add3A_172 = arith.constant 32767 : i32
    %add3A_173 = vector.broadcast %add3A_172 : i32 to vector<2000x128xi32>
    %add3A_174 = arith.addi %bitcast_convert_type3A_171, %add3A_173 : vector<2000x128xi32>
    %shift_right_logical3A_175 = arith.constant 16 : i32
    %shift_right_logical3A_176 = vector.broadcast %shift_right_logical3A_175 : i32 to vector<2000x128xi32>
    %shift_right_logical3A_177 = arith.shrui %bitcast_convert_type3A_171, %shift_right_logical3A_176 : vector<2000x128xi32>
    %and3A_178 = arith.constant 1 : i32
    %and3A_179 = vector.broadcast %and3A_178 : i32 to vector<2000x128xi32>
    %and3A_180 = arith.andi %shift_right_logical3A_177, %and3A_179 : vector<2000x128xi32>
    %add3A_181 = arith.addi %add3A_174, %and3A_180 : vector<2000x128xi32>
    %shift_right_logical3A_182 = arith.constant 16 : i32
    %shift_right_logical3A_183 = vector.broadcast %shift_right_logical3A_182 : i32 to vector<2000x128xi32>
    %shift_right_logical3A_184 = arith.shrui %add3A_181, %shift_right_logical3A_183 : vector<2000x128xi32>
    %shift_left3A = arith.constant 16 : i32
    %shift_left3A_185 = vector.broadcast %shift_left3A : i32 to vector<2000x128xi32>
    %shift_left3A_186 = arith.shli %shift_right_logical3A_184, %shift_left3A_185 : vector<2000x128xi32>
    %or3A = arith.ori %shift_right_logical3A_170, %shift_left3A_186 : vector<2000x128xi32>
    %swap3A_187 = arith.constant 0 : index
    %swap3A_188 = arith.constant 0 : index
    %swap3A_189 = vector.load %arg7[%swap3A_187, %swap3A_188] : memref<2000x128xi32, #tpu.memory_space<vmem>>, vector<2000x128xi32>
    tpu.vector_store %arg7[%swap3A_187, %swap3A_188], %or3A {strides = array<i32>} : memref<2000x128xi32, #tpu.memory_space<vmem>>, vector<2000x128xi32>,
    %bitcast_convert_type3A_190 = tpu.bitcast %add3A_118 : vector<2000x128xf32> -> vector<2000x128xi32>
    %add3A_191 = arith.constant 32767 : i32
    %add3A_192 = vector.broadcast %add3A_191 : i32 to vector<2000x128xi32>
    %add3A_193 = arith.addi %bitcast_convert_type3A_190, %add3A_192 : vector<2000x128xi32>
    %shift_right_logical3A_194 = arith.constant 16 : i32
    %shift_right_logical3A_195 = vector.broadcast %shift_right_logical3A_194 : i32 to vector<2000x128xi32>
    %shift_right_logical3A_196 = arith.shrui %bitcast_convert_type3A_190, %shift_right_logical3A_195 : vector<2000x128xi32>
    %and3A_197 = arith.constant 1 : i32
    %and3A_198 = vector.broadcast %and3A_197 : i32 to vector<2000x128xi32>
    %and3A_199 = arith.andi %shift_right_logical3A_196, %and3A_198 : vector<2000x128xi32>
    %add3A_200 = arith.addi %add3A_193, %and3A_199 : vector<2000x128xi32>
    %shift_right_logical3A_201 = arith.constant 16 : i32
    %shift_right_logical3A_202 = vector.broadcast %shift_right_logical3A_201 : i32 to vector<2000x128xi32>
    %shift_right_logical3A_203 = arith.shrui %add3A_200, %shift_right_logical3A_202 : vector<2000x128xi32>
    %bitcast_convert_type3A_204 = tpu.bitcast %dot_general3A_159 : vector<2000x128xf32> -> vector<2000x128xi32>
    %add3A_205 = arith.constant 32767 : i32
    %add3A_206 = vector.broadcast %add3A_205 : i32 to vector<2000x128xi32>
    %add3A_207 = arith.addi %bitcast_convert_type3A_204, %add3A_206 : vector<2000x128xi32>
    %shift_right_logical3A_208 = arith.constant 16 : i32
    %shift_right_logical3A_209 = vector.broadcast %shift_right_logical3A_208 : i32 to vector<2000x128xi32>
    %shift_right_logical3A_210 = arith.shrui %bitcast_convert_type3A_204, %shift_right_logical3A_209 : vector<2000x128xi32>
    %and3A_211 = arith.constant 1 : i32
    %and3A_212 = vector.broadcast %and3A_211 : i32 to vector<2000x128xi32>
    %and3A_213 = arith.andi %shift_right_logical3A_210, %and3A_212 : vector<2000x128xi32>
    %add3A_214 = arith.addi %add3A_207, %and3A_213 : vector<2000x128xi32>
    %shift_right_logical3A_215 = arith.constant 16 : i32
    %shift_right_logical3A_216 = vector.broadcast %shift_right_logical3A_215 : i32 to vector<2000x128xi32>
    %shift_right_logical3A_217 = arith.shrui %add3A_214, %shift_right_logical3A_216 : vector<2000x128xi32>
    %shift_left3A_218 = arith.constant 16 : i32
    %shift_left3A_219 = vector.broadcast %shift_left3A_218 : i32 to vector<2000x128xi32>
    %shift_left3A_220 = arith.shli %shift_right_logical3A_217, %shift_left3A_219 : vector<2000x128xi32>
    %or3A_221 = arith.ori %shift_right_logical3A_203, %shift_left3A_220 : vector<2000x128xi32>
    %swap3A_222 = arith.constant 0 : index
    %swap3A_223 = arith.constant 0 : index
    %swap3A_224 = vector.load %arg8[%swap3A_222, %swap3A_223] : memref<2000x128xi32, #tpu.memory_space<vmem>>, vector<2000x128xi32>
    tpu.vector_store %arg8[%swap3A_222, %swap3A_223], %or3A_221 {strides = array<i32>} : memref<2000x128xi32, #tpu.memory_space<vmem>>, vector<2000x128xi32>,
    return
  }
  func.func @transform_0(%arg0: i32) -> (i32, i32) {
    %c0_i32 = arith.constant 0 : i32
    %c0_i32_0 = arith.constant 0 : i32
    return %arg0, %c0_i32 : i32, i32
  }
  func.func @transform_1(%arg0: i32) -> (i32, i32) {
    %c0_i32 = arith.constant 0 : i32
    %c0_i32_0 = arith.constant 0 : i32
    %c0_i32_1 = arith.constant 0 : i32
    return %c0_i32, %c0_i32_0 : i32, i32
  }
  func.func @transform_2(%arg0: i32) -> (i32, i32) {
    %c0_i32 = arith.constant 0 : i32
    %c0_i32_0 = arith.constant 0 : i32
    %c0_i32_1 = arith.constant 0 : i32
    return %c0_i32, %c0_i32_0 : i32, i32
  }
  func.func @transform_3(%arg0: i32) -> (i32, i32) {
    %c0_i32 = arith.constant 0 : i32
    %c0_i32_0 = arith.constant 0 : i32
    %c0_i32_1 = arith.constant 0 : i32
    return %c0_i32, %c0_i32_0 : i32, i32
  }
  func.func @transform_4(%arg0: i32) -> (i32, i32) {
    %c0_i32 = arith.constant 0 : i32
    %c0_i32_0 = arith.constant 0 : i32
    %c0_i32_1 = arith.constant 0 : i32
    return %c0_i32, %c0_i32_0 : i32, i32
  }
  func.func @transform_5(%arg0: i32) -> (i32, i32) {
    %c0_i32 = arith.constant 0 : i32
    %c0_i32_0 = arith.constant 0 : i32
    return %arg0, %c0_i32 : i32, i32
  }
  func.func @transform_6(%arg0: i32) -> (i32, i32) {
    %c0_i32 = arith.constant 0 : i32
    %c0_i32_0 = arith.constant 0 : i32
    return %arg0, %c0_i32 : i32, i32
  }
  func.func @transform_7(%arg0: i32) -> (i32, i32) {
    %c0_i32 = arith.constant 0 : i32
    %c0_i32_0 = arith.constant 0 : i32
    return %arg0, %c0_i32 : i32, i32
  }
}

module attributes {stable_mosaic.version = 14 : i64} {
  func.func @_edge_body(%arg0: i32, %arg1: memref<2048x128xi32, #tpu.memory_space<vmem>>, %arg2: memref<2048x128xi32, #tpu.memory_space<vmem>>, %arg3: memref<2048x1xf32, #tpu.memory_space<vmem>>, %arg4: memref<2048x1xf32, #tpu.memory_space<vmem>>, %arg5: memref<8x128xf32, #tpu.memory_space<vmem>>, %arg6: memref<2048x128xf32, #tpu.memory_space<vmem>>) attributes {dimension_semantics = [#tpu.dimension_semantics<arbitrary>], iteration_bounds = array<i64: 80>, scalar_prefetch = 0 : i64, scratch_operands = 0 : i64, tpu.core_type = #tpu.core_type<tc>, window_params = [{transform_indices = @transform_0, window_bounds = array<i64: 2048, 128>}, {transform_indices = @transform_1, window_bounds = array<i64: 2048, 128>}, {transform_indices = @transform_2, window_bounds = array<i64: 2048, 1>}, {transform_indices = @transform_3, window_bounds = array<i64: 2048, 1>}, {pipeline_mode = #tpu.pipeline_mode<synchronous>, transform_indices = @transform_4, window_bounds = array<i64: 8, 128>}, {transform_indices = @transform_5, window_bounds = array<i64: 2048, 128>}]} {
    %get3A = arith.constant 0 : index
    %get3A_0 = arith.constant 0 : index
    %get3A_1 = vector.load %arg1[%get3A, %get3A_0] : memref<2048x128xi32, #tpu.memory_space<vmem>>, vector<2048x128xi32>
    %get3A_2 = arith.constant 0 : index
    %get3A_3 = arith.constant 0 : index
    %get3A_4 = vector.load %arg2[%get3A_2, %get3A_3] : memref<2048x128xi32, #tpu.memory_space<vmem>>, vector<2048x128xi32>
    %shift_left3A = arith.constant 16 : i32
    %shift_left3A_5 = vector.broadcast %shift_left3A : i32 to vector<2048x128xi32>
    %shift_left3A_6 = arith.shli %get3A_1, %shift_left3A_5 : vector<2048x128xi32>
    %bitcast_convert_type3A = tpu.bitcast %shift_left3A_6 : vector<2048x128xi32> -> vector<2048x128xf32>
    %and3A = arith.constant -65536 : i32
    %and3A_7 = vector.broadcast %and3A : i32 to vector<2048x128xi32>
    %and3A_8 = arith.andi %get3A_1, %and3A_7 : vector<2048x128xi32>
    %bitcast_convert_type3A_9 = tpu.bitcast %and3A_8 : vector<2048x128xi32> -> vector<2048x128xf32>
    %shift_left3A_10 = arith.constant 16 : i32
    %shift_left3A_11 = vector.broadcast %shift_left3A_10 : i32 to vector<2048x128xi32>
    %shift_left3A_12 = arith.shli %get3A_4, %shift_left3A_11 : vector<2048x128xi32>
    %bitcast_convert_type3A_13 = tpu.bitcast %shift_left3A_12 : vector<2048x128xi32> -> vector<2048x128xf32>
    %and3A_14 = arith.constant -65536 : i32
    %and3A_15 = vector.broadcast %and3A_14 : i32 to vector<2048x128xi32>
    %and3A_16 = arith.andi %get3A_4, %and3A_15 : vector<2048x128xi32>
    %bitcast_convert_type3A_17 = tpu.bitcast %and3A_16 : vector<2048x128xi32> -> vector<2048x128xf32>
    %mul3A = arith.mulf %bitcast_convert_type3A, %bitcast_convert_type3A_13 : vector<2048x128xf32>
    %reduce_sum3A = arith.constant dense<0.000000e+00> : vector<2048xf32>
    %reduce_sum3A_18 = vector.multi_reduction <add>, %mul3A, %reduce_sum3A [1] : vector<2048x128xf32> to vector<2048xf32>
    %broadcast_in_dim3A = vector.shape_cast %reduce_sum3A_18 : vector<2048xf32> to vector<2048x1xf32>
    %slice3A = vector.extract_strided_slice %bitcast_convert_type3A {offsets = [0, 0], sizes = [2048, 1], strides = [1, 1]} : vector<2048x128xf32> to vector<2048x1xf32>
    %mul3A_19 = arith.constant 2.000000e+00 : f32
    %mul3A_20 = vector.broadcast %mul3A_19 : f32 to vector<2048x1xf32>
    %mul3A_21 = arith.mulf %mul3A_20, %slice3A : vector<2048x1xf32>
    %slice3A_22 = vector.extract_strided_slice %bitcast_convert_type3A_13 {offsets = [0, 0], sizes = [2048, 1], strides = [1, 1]} : vector<2048x128xf32> to vector<2048x1xf32>
    %mul3A_23 = arith.mulf %mul3A_21, %slice3A_22 : vector<2048x1xf32>
    %sub3A = arith.subf %broadcast_in_dim3A, %mul3A_23 : vector<2048x1xf32>
    %neg3A = arith.constant 0.000000e+00 : f32
    %neg3A_24 = vector.broadcast %neg3A : f32 to vector<2048x1xf32>
    %neg3A_25 = arith.subf %neg3A_24, %sub3A : vector<2048x1xf32>
    %max3A = arith.constant 1.00000012 : f32
    %max3A_26 = vector.broadcast %max3A : f32 to vector<2048x1xf32>
    %max3A_27 = arith.maximumf %neg3A_25, %max3A_26 : vector<2048x1xf32>
    %reshape3A = vector.shape_cast %max3A_27 : vector<2048x1xf32> to vector<16x128xf32>
    %mul3A_28 = arith.mulf %reshape3A, %reshape3A : vector<16x128xf32>
    %sub3A_29 = arith.constant 1.000000e+00 : f32
    %sub3A_30 = vector.broadcast %sub3A_29 : f32 to vector<16x128xf32>
    %sub3A_31 = arith.subf %mul3A_28, %sub3A_30 : vector<16x128xf32>
    %max3A_32 = arith.constant 9.99999996E-13 : f32
    %max3A_33 = vector.broadcast %max3A_32 : f32 to vector<16x128xf32>
    %max3A_34 = arith.maximumf %sub3A_31, %max3A_33 : vector<16x128xf32>
    %sqrt3A = math.sqrt %max3A_34 : vector<16x128xf32>
    %add3A = arith.addf %reshape3A, %sqrt3A : vector<16x128xf32>
    %log3A = math.log %add3A : vector<16x128xf32>
    %div3A = arith.divf %log3A, %sqrt3A : vector<16x128xf32>
    %reshape3A_35 = vector.shape_cast %log3A : vector<16x128xf32> to vector<2048x1xf32>
    %get3A_36 = arith.constant 0 : index
    %get3A_37 = arith.constant 0 : index
    %get3A_38 = vector.load %arg5[%get3A_36, %get3A_37] : memref<8x128xf32, #tpu.memory_space<vmem>>, vector<1x128xf32>
    %get3A_39 = arith.constant 1 : index
    %get3A_40 = arith.constant 0 : index
    %get3A_41 = vector.load %arg5[%get3A_39, %get3A_40] : memref<8x128xf32, #tpu.memory_space<vmem>>, vector<1x128xf32>
    %get3A_42 = arith.constant 2 : index
    %get3A_43 = arith.constant 0 : index
    %get3A_44 = vector.load %arg5[%get3A_42, %get3A_43] : memref<8x128xf32, #tpu.memory_space<vmem>>, vector<1x128xf32>
    %get3A_45 = arith.constant 3 : index
    %get3A_46 = arith.constant 0 : index
    %get3A_47 = vector.load %arg5[%get3A_45, %get3A_46] : memref<8x128xf32, #tpu.memory_space<vmem>>, vector<1x128xf32>
    %get3A_48 = arith.constant 4 : index
    %get3A_49 = arith.constant 0 : index
    %get3A_50 = vector.load %arg5[%get3A_48, %get3A_49] : memref<8x128xf32, #tpu.memory_space<vmem>>, vector<1x1xf32>
    %add3A_51 = arith.addf %bitcast_convert_type3A_9, %bitcast_convert_type3A_17 : vector<2048x128xf32>
    %get3A_52 = arith.constant 0 : index
    %get3A_53 = arith.constant 0 : index
    %get3A_54 = vector.load %arg3[%get3A_52, %get3A_53] : memref<2048x1xf32, #tpu.memory_space<vmem>>, vector<2048x1xf32>
    %mul3A_55 = vector.broadcast %get3A_54 : vector<2048x1xf32> to vector<2048x128xf32>
    %mul3A_56 = vector.broadcast %get3A_38 : vector<1x128xf32> to vector<2048x128xf32>
    %mul3A_57 = arith.mulf %mul3A_55, %mul3A_56 : vector<2048x128xf32>
    %add3A_58 = arith.addf %add3A_51, %mul3A_57 : vector<2048x128xf32>
    %mul3A_59 = vector.broadcast %reshape3A_35 : vector<2048x1xf32> to vector<2048x128xf32>
    %mul3A_60 = vector.broadcast %get3A_41 : vector<1x128xf32> to vector<2048x128xf32>
    %mul3A_61 = arith.mulf %mul3A_59, %mul3A_60 : vector<2048x128xf32>
    %add3A_62 = arith.addf %add3A_58, %mul3A_61 : vector<2048x128xf32>
    %add3A_63 = vector.broadcast %get3A_44 : vector<1x128xf32> to vector<2048x128xf32>
    %add3A_64 = arith.addf %add3A_62, %add3A_63 : vector<2048x128xf32>
    %neg3A_65 = arith.constant 0.000000e+00 : f32
    %neg3A_66 = vector.broadcast %neg3A_65 : f32 to vector<2048x128xf32>
    %neg3A_67 = arith.subf %neg3A_66, %add3A_64 : vector<2048x128xf32>
    %exp3A = math.exp %neg3A_67 : vector<2048x128xf32>
    %add3A_68 = arith.constant 1.000000e+00 : f32
    %add3A_69 = vector.broadcast %add3A_68 : f32 to vector<2048x128xf32>
    %add3A_70 = arith.addf %add3A_69, %exp3A : vector<2048x128xf32>
    %div3A_71 = arith.constant 1.000000e+00 : f32
    %div3A_72 = vector.broadcast %div3A_71 : f32 to vector<2048x128xf32>
    %div3A_73 = arith.divf %div3A_72, %add3A_70 : vector<2048x128xf32>
    %mul3A_74 = arith.mulf %add3A_64, %div3A_73 : vector<2048x128xf32>
    %mul3A_75 = vector.broadcast %get3A_47 : vector<1x128xf32> to vector<2048x128xf32>
    %mul3A_76 = arith.mulf %mul3A_74, %mul3A_75 : vector<2048x128xf32>
    %reduce_sum3A_77 = arith.constant dense<0.000000e+00> : vector<2048xf32>
    %reduce_sum3A_78 = vector.multi_reduction <add>, %mul3A_76, %reduce_sum3A_77 [1] : vector<2048x128xf32> to vector<2048xf32>
    %broadcast_in_dim3A_79 = vector.shape_cast %reduce_sum3A_78 : vector<2048xf32> to vector<2048x1xf32>
    %add3A_80 = vector.broadcast %get3A_50 : vector<1x1xf32> to vector<2048x1xf32>
    %add3A_81 = arith.addf %broadcast_in_dim3A_79, %add3A_80 : vector<2048x1xf32>
    %reshape3A_82 = vector.shape_cast %add3A_81 : vector<2048x1xf32> to vector<16x128xf32>
    %neg3A_83 = arith.constant 0.000000e+00 : f32
    %neg3A_84 = vector.broadcast %neg3A_83 : f32 to vector<16x128xf32>
    %neg3A_85 = arith.subf %neg3A_84, %reshape3A_82 : vector<16x128xf32>
    %exp3A_86 = math.exp %neg3A_85 : vector<16x128xf32>
    %add3A_87 = arith.constant 1.000000e+00 : f32
    %add3A_88 = vector.broadcast %add3A_87 : f32 to vector<16x128xf32>
    %add3A_89 = arith.addf %add3A_88, %exp3A_86 : vector<16x128xf32>
    %div3A_90 = arith.constant 1.000000e+00 : f32
    %div3A_91 = vector.broadcast %div3A_90 : f32 to vector<16x128xf32>
    %div3A_92 = arith.divf %div3A_91, %add3A_89 : vector<16x128xf32>
    %mul3A_93 = arith.mulf %div3A_92, %div3A : vector<16x128xf32>
    %reshape3A_94 = vector.shape_cast %mul3A_93 : vector<16x128xf32> to vector<2048x1xf32>
    %get3A_95 = arith.constant 0 : index
    %get3A_96 = arith.constant 0 : index
    %get3A_97 = vector.load %arg4[%get3A_95, %get3A_96] : memref<2048x1xf32, #tpu.memory_space<vmem>>, vector<2048x1xf32>
    %mul3A_98 = arith.mulf %reshape3A_94, %get3A_97 : vector<2048x1xf32>
    %mul3A_99 = vector.broadcast %max3A_27 : vector<2048x1xf32> to vector<2048x128xf32>
    %mul3A_100 = arith.mulf %mul3A_99, %bitcast_convert_type3A : vector<2048x128xf32>
    %sub3A_101 = arith.subf %bitcast_convert_type3A_13, %mul3A_100 : vector<2048x128xf32>
    %mul3A_102 = vector.broadcast %mul3A_98 : vector<2048x1xf32> to vector<2048x128xf32>
    %mul3A_103 = arith.mulf %mul3A_102, %sub3A_101 : vector<2048x128xf32>
    %swap3A = arith.constant 0 : index
    %swap3A_104 = arith.constant 0 : index
    %swap3A_105 = vector.load %arg6[%swap3A, %swap3A_104] : memref<2048x128xf32, #tpu.memory_space<vmem>>, vector<2048x128xf32>
    tpu.vector_store %arg6[%swap3A, %swap3A_104], %mul3A_103 {strides = array<i32>} : memref<2048x128xf32, #tpu.memory_space<vmem>>, vector<2048x128xf32>,
    return
  }
  func.func @transform_0(%arg0: i32) -> (i32, i32) {
    %c0_i32 = arith.constant 0 : i32
    %c0_i32_0 = arith.constant 0 : i32
    return %arg0, %c0_i32 : i32, i32
  }
  func.func @transform_1(%arg0: i32) -> (i32, i32) {
    %c0_i32 = arith.constant 0 : i32
    %c0_i32_0 = arith.constant 0 : i32
    return %arg0, %c0_i32 : i32, i32
  }
  func.func @transform_2(%arg0: i32) -> (i32, i32) {
    %c0_i32 = arith.constant 0 : i32
    %c0_i32_0 = arith.constant 0 : i32
    return %arg0, %c0_i32 : i32, i32
  }
  func.func @transform_3(%arg0: i32) -> (i32, i32) {
    %c0_i32 = arith.constant 0 : i32
    %c0_i32_0 = arith.constant 0 : i32
    return %arg0, %c0_i32 : i32, i32
  }
  func.func @transform_4(%arg0: i32) -> (i32, i32) {
    %c0_i32 = arith.constant 0 : i32
    %c0_i32_0 = arith.constant 0 : i32
    %c0_i32_1 = arith.constant 0 : i32
    return %c0_i32, %c0_i32_0 : i32, i32
  }
  func.func @transform_5(%arg0: i32) -> (i32, i32) {
    %c0_i32 = arith.constant 0 : i32
    %c0_i32_0 = arith.constant 0 : i32
    return %arg0, %c0_i32 : i32, i32
  }
}

module attributes {stable_mosaic.version = 14 : i64} {
  func.func @_epilogue_body(%arg0: i32, %arg1: memref<2000x128xf32, #tpu.memory_space<vmem>>, %arg2: memref<2000x128xf32, #tpu.memory_space<vmem>>, %arg3: memref<2000x128xf32, #tpu.memory_space<vmem>>, %arg4: memref<2x128xf32, #tpu.memory_space<vmem>>, %arg5: memref<2000x128xf32, #tpu.memory_space<vmem>>) attributes {dimension_semantics = [#tpu.dimension_semantics<arbitrary>], iteration_bounds = array<i64: 5>, scalar_prefetch = 0 : i64, scratch_operands = 0 : i64, tpu.core_type = #tpu.core_type<tc>, window_params = [{transform_indices = @transform_0, window_bounds = array<i64: 2000, 128>}, {transform_indices = @transform_1, window_bounds = array<i64: 2000, 128>}, {transform_indices = @transform_2, window_bounds = array<i64: 2000, 128>}, {pipeline_mode = #tpu.pipeline_mode<synchronous>, transform_indices = @transform_3, window_bounds = array<i64: 2, 128>}, {transform_indices = @transform_4, window_bounds = array<i64: 2000, 128>}]} {
    %get3A = arith.constant 0 : index
    %get3A_0 = arith.constant 0 : index
    %get3A_1 = vector.load %arg1[%get3A, %get3A_0] : memref<2000x128xf32, #tpu.memory_space<vmem>>, vector<2000x128xf32>
    %iota3A = tpu.iota {dimensions = array<i32: 1>} : vector<2000x128xi32>
    %eq3A = arith.constant 0 : i32
    %eq3A_2 = vector.broadcast %eq3A : i32 to vector<2000x128xi32>
    %eq3A_3 = arith.cmpi eq, %iota3A, %eq3A_2 : vector<2000x128xi32>
    %get3A_4 = arith.constant 0 : index
    %get3A_5 = arith.constant 0 : index
    %get3A_6 = vector.load %arg2[%get3A_4, %get3A_5] : memref<2000x128xf32, #tpu.memory_space<vmem>>, vector<2000x128xf32>
    %get3A_7 = arith.constant 0 : index
    %get3A_8 = arith.constant 0 : index
    %get3A_9 = vector.load %arg3[%get3A_7, %get3A_8] : memref<2000x128xf32, #tpu.memory_space<vmem>>, vector<2000x128xf32>
    %add3A = arith.addf %get3A_6, %get3A_9 : vector<2000x128xf32>
    %mul3A = arith.constant 1.000000e-03 : f32
    %mul3A_10 = vector.broadcast %mul3A : f32 to vector<2000x128xf32>
    %mul3A_11 = arith.mulf %add3A, %mul3A_10 : vector<2000x128xf32>
    %mul3A_12 = arith.mulf %get3A_1, %mul3A_11 : vector<2000x128xf32>
    %reduce_sum3A = arith.constant dense<0.000000e+00> : vector<2000xf32>
    %reduce_sum3A_13 = vector.multi_reduction <add>, %mul3A_12, %reduce_sum3A [1] : vector<2000x128xf32> to vector<2000xf32>
    %broadcast_in_dim3A = vector.shape_cast %reduce_sum3A_13 : vector<2000xf32> to vector<2000x1xf32>
    %slice3A = vector.extract_strided_slice %get3A_1 {offsets = [0, 0], sizes = [2000, 1], strides = [1, 1]} : vector<2000x128xf32> to vector<2000x1xf32>
    %mul3A_14 = arith.constant 2.000000e+00 : f32
    %mul3A_15 = vector.broadcast %mul3A_14 : f32 to vector<2000x1xf32>
    %mul3A_16 = arith.mulf %mul3A_15, %slice3A : vector<2000x1xf32>
    %slice3A_17 = vector.extract_strided_slice %mul3A_11 {offsets = [0, 0], sizes = [2000, 1], strides = [1, 1]} : vector<2000x128xf32> to vector<2000x1xf32>
    %mul3A_18 = arith.mulf %mul3A_16, %slice3A_17 : vector<2000x1xf32>
    %sub3A = arith.subf %broadcast_in_dim3A, %mul3A_18 : vector<2000x1xf32>
    %mul3A_19 = vector.broadcast %sub3A : vector<2000x1xf32> to vector<2000x128xf32>
    %mul3A_20 = arith.mulf %mul3A_19, %get3A_1 : vector<2000x128xf32>
    %add3A_21 = arith.addf %mul3A_11, %mul3A_20 : vector<2000x128xf32>
    %mul3A_22 = arith.mulf %add3A_21, %add3A_21 : vector<2000x128xf32>
    %reduce_sum3A_23 = arith.constant dense<0.000000e+00> : vector<2000xf32>
    %reduce_sum3A_24 = vector.multi_reduction <add>, %mul3A_22, %reduce_sum3A_23 [1] : vector<2000x128xf32> to vector<2000xf32>
    %broadcast_in_dim3A_25 = vector.shape_cast %reduce_sum3A_24 : vector<2000xf32> to vector<2000x1xf32>
    %slice3A_26 = vector.extract_strided_slice %add3A_21 {offsets = [0, 0], sizes = [2000, 1], strides = [1, 1]} : vector<2000x128xf32> to vector<2000x1xf32>
    %mul3A_27 = arith.constant 2.000000e+00 : f32
    %mul3A_28 = vector.broadcast %mul3A_27 : f32 to vector<2000x1xf32>
    %mul3A_29 = arith.mulf %mul3A_28, %slice3A_26 : vector<2000x1xf32>
    %slice3A_30 = vector.extract_strided_slice %add3A_21 {offsets = [0, 0], sizes = [2000, 1], strides = [1, 1]} : vector<2000x128xf32> to vector<2000x1xf32>
    %mul3A_31 = arith.mulf %mul3A_29, %slice3A_30 : vector<2000x1xf32>
    %sub3A_32 = arith.subf %broadcast_in_dim3A_25, %mul3A_31 : vector<2000x1xf32>
    %max3A = arith.constant 9.99999996E-13 : f32
    %max3A_33 = vector.broadcast %max3A : f32 to vector<2000x1xf32>
    %max3A_34 = arith.maximumf %sub3A_32, %max3A_33 : vector<2000x1xf32>
    %sqrt3A = math.sqrt %max3A_34 : vector<2000x1xf32>
    %exp3A = math.exp %sqrt3A : vector<2000x1xf32>
    %div3A = arith.constant 1.000000e+00 : f32
    %div3A_35 = vector.broadcast %div3A : f32 to vector<2000x1xf32>
    %div3A_36 = arith.divf %div3A_35, %exp3A : vector<2000x1xf32>
    %add3A_37 = arith.addf %exp3A, %div3A_36 : vector<2000x1xf32>
    %mul3A_38 = arith.constant 5.000000e-01 : f32
    %mul3A_39 = vector.broadcast %mul3A_38 : f32 to vector<2000x1xf32>
    %mul3A_40 = arith.mulf %mul3A_39, %add3A_37 : vector<2000x1xf32>
    %sub3A_41 = arith.subf %exp3A, %div3A_36 : vector<2000x1xf32>
    %mul3A_42 = arith.constant 5.000000e-01 : f32
    %mul3A_43 = vector.broadcast %mul3A_42 : f32 to vector<2000x1xf32>
    %mul3A_44 = arith.mulf %mul3A_43, %sub3A_41 : vector<2000x1xf32>
    %mul3A_45 = vector.broadcast %mul3A_40 : vector<2000x1xf32> to vector<2000x128xf32>
    %mul3A_46 = arith.mulf %mul3A_45, %get3A_1 : vector<2000x128xf32>
    %div3A_47 = arith.divf %mul3A_44, %sqrt3A : vector<2000x1xf32>
    %mul3A_48 = vector.broadcast %div3A_47 : vector<2000x1xf32> to vector<2000x128xf32>
    %mul3A_49 = arith.mulf %mul3A_48, %add3A_21 : vector<2000x128xf32>
    %add3A_50 = arith.addf %mul3A_46, %mul3A_49 : vector<2000x128xf32>
    %slice3A_51 = vector.extract_strided_slice %add3A_50 {offsets = [0, 0], sizes = [2000, 1], strides = [1, 1]} : vector<2000x128xf32> to vector<2000x1xf32>
    %max3A_52 = arith.constant 1.00000012 : f32
    %max3A_53 = vector.broadcast %max3A_52 : f32 to vector<2000x1xf32>
    %max3A_54 = arith.maximumf %slice3A_51, %max3A_53 : vector<2000x1xf32>
    %mul3A_55 = arith.mulf %max3A_54, %max3A_54 : vector<2000x1xf32>
    %sub3A_56 = arith.constant 1.000000e+00 : f32
    %sub3A_57 = vector.broadcast %sub3A_56 : f32 to vector<2000x1xf32>
    %sub3A_58 = arith.subf %mul3A_55, %sub3A_57 : vector<2000x1xf32>
    %sqrt3A_59 = math.sqrt %sub3A_58 : vector<2000x1xf32>
    %add3A_60 = arith.addf %max3A_54, %sqrt3A_59 : vector<2000x1xf32>
    %log3A = math.log %add3A_60 : vector<2000x1xf32>
    %mul3A_61 = arith.mulf %add3A_50, %add3A_50 : vector<2000x128xf32>
    %reduce_sum3A_62 = arith.constant dense<0.000000e+00> : vector<2000xf32>
    %reduce_sum3A_63 = vector.multi_reduction <add>, %mul3A_61, %reduce_sum3A_62 [1] : vector<2000x128xf32> to vector<2000xf32>
    %broadcast_in_dim3A_64 = vector.shape_cast %reduce_sum3A_63 : vector<2000xf32> to vector<2000x1xf32>
    %slice3A_65 = vector.extract_strided_slice %add3A_50 {offsets = [0, 0], sizes = [2000, 1], strides = [1, 1]} : vector<2000x128xf32> to vector<2000x1xf32>
    %slice3A_66 = vector.extract_strided_slice %add3A_50 {offsets = [0, 0], sizes = [2000, 1], strides = [1, 1]} : vector<2000x128xf32> to vector<2000x1xf32>
    %mul3A_67 = arith.mulf %slice3A_65, %slice3A_66 : vector<2000x1xf32>
    %sub3A_68 = arith.subf %broadcast_in_dim3A_64, %mul3A_67 : vector<2000x1xf32>
    %max3A_69 = arith.constant 9.99999996E-13 : f32
    %max3A_70 = vector.broadcast %max3A_69 : f32 to vector<2000x1xf32>
    %max3A_71 = arith.maximumf %sub3A_68, %max3A_70 : vector<2000x1xf32>
    %sqrt3A_72 = math.sqrt %max3A_71 : vector<2000x1xf32>
    %div3A_73 = arith.divf %log3A, %sqrt3A_72 : vector<2000x1xf32>
    %mul3A_74 = vector.broadcast %div3A_73 : vector<2000x1xf32> to vector<2000x128xf32>
    %mul3A_75 = arith.mulf %mul3A_74, %add3A_50 : vector<2000x128xf32>
    %jit3A = arith.constant 0.000000e+00 : f32
    %broadcast_in_dim3A_76 = vector.broadcast %jit3A : f32 to vector<2000x128xf32>
    %select_n3A = arith.select %eq3A_3, %broadcast_in_dim3A_76, %mul3A_75 : vector<2000x128xi1>, vector<2000x128xf32>
    %reduce_sum3A_77 = arith.constant dense<0.000000e+00> : vector<2000xf32>
    %reduce_sum3A_78 = vector.multi_reduction <add>, %select_n3A, %reduce_sum3A_77 [1] : vector<2000x128xf32> to vector<2000xf32>
    %broadcast_in_dim3A_79 = vector.shape_cast %reduce_sum3A_78 : vector<2000xf32> to vector<2000x1xf32>
    %mul3A_80 = arith.constant 0.00787401571 : f32
    %mul3A_81 = vector.broadcast %mul3A_80 : f32 to vector<2000x1xf32>
    %mul3A_82 = arith.mulf %broadcast_in_dim3A_79, %mul3A_81 : vector<2000x1xf32>
    %sub3A_83 = vector.broadcast %mul3A_82 : vector<2000x1xf32> to vector<2000x128xf32>
    %sub3A_84 = arith.subf %select_n3A, %sub3A_83 : vector<2000x128xf32>
    %jit3A_85 = arith.constant 0.000000e+00 : f32
    %broadcast_in_dim3A_86 = vector.broadcast %jit3A_85 : f32 to vector<2000x128xf32>
    %select_n3A_87 = arith.select %eq3A_3, %broadcast_in_dim3A_86, %sub3A_84 : vector<2000x128xi1>, vector<2000x128xf32>
    %mul3A_88 = arith.mulf %select_n3A_87, %select_n3A_87 : vector<2000x128xf32>
    %reduce_sum3A_89 = arith.constant dense<0.000000e+00> : vector<2000xf32>
    %reduce_sum3A_90 = vector.multi_reduction <add>, %mul3A_88, %reduce_sum3A_89 [1] : vector<2000x128xf32> to vector<2000xf32>
    %broadcast_in_dim3A_91 = vector.shape_cast %reduce_sum3A_90 : vector<2000xf32> to vector<2000x1xf32>
    %mul3A_92 = arith.constant 0.00787401571 : f32
    %mul3A_93 = vector.broadcast %mul3A_92 : f32 to vector<2000x1xf32>
    %mul3A_94 = arith.mulf %broadcast_in_dim3A_91, %mul3A_93 : vector<2000x1xf32>
    %get3A_95 = arith.constant 0 : index
    %get3A_96 = arith.constant 0 : index
    %get3A_97 = vector.load %arg4[%get3A_95, %get3A_96] : memref<2x128xf32, #tpu.memory_space<vmem>>, vector<1x128xf32>
    %get3A_98 = arith.constant 1 : index
    %get3A_99 = arith.constant 0 : index
    %get3A_100 = vector.load %arg4[%get3A_98, %get3A_99] : memref<2x128xf32, #tpu.memory_space<vmem>>, vector<1x128xf32>
    %add3A_101 = arith.constant 9.99999974E-6 : f32
    %add3A_102 = vector.broadcast %add3A_101 : f32 to vector<2000x1xf32>
    %add3A_103 = arith.addf %mul3A_94, %add3A_102 : vector<2000x1xf32>
    %sqrt3A_104 = math.sqrt %add3A_103 : vector<2000x1xf32>
    %div3A_105 = vector.broadcast %sqrt3A_104 : vector<2000x1xf32> to vector<2000x128xf32>
    %div3A_106 = arith.divf %select_n3A_87, %div3A_105 : vector<2000x128xf32>
    %mul3A_107 = vector.broadcast %get3A_97 : vector<1x128xf32> to vector<2000x128xf32>
    %mul3A_108 = arith.mulf %div3A_106, %mul3A_107 : vector<2000x128xf32>
    %add3A_109 = vector.broadcast %get3A_100 : vector<1x128xf32> to vector<2000x128xf32>
    %add3A_110 = arith.addf %mul3A_108, %add3A_109 : vector<2000x128xf32>
    %jit3A_111 = arith.constant 0.000000e+00 : f32
    %broadcast_in_dim3A_112 = vector.broadcast %jit3A_111 : f32 to vector<2000x128xf32>
    %select_n3A_113 = arith.select %eq3A_3, %broadcast_in_dim3A_112, %add3A_110 : vector<2000x128xi1>, vector<2000x128xf32>
    %mul3A_114 = arith.mulf %select_n3A_113, %select_n3A_113 : vector<2000x128xf32>
    %reduce_sum3A_115 = arith.constant dense<0.000000e+00> : vector<2000xf32>
    %reduce_sum3A_116 = vector.multi_reduction <add>, %mul3A_114, %reduce_sum3A_115 [1] : vector<2000x128xf32> to vector<2000xf32>
    %broadcast_in_dim3A_117 = vector.shape_cast %reduce_sum3A_116 : vector<2000xf32> to vector<2000x1xf32>
    %max3A_118 = arith.constant 9.99999996E-13 : f32
    %max3A_119 = vector.broadcast %max3A_118 : f32 to vector<2000x1xf32>
    %max3A_120 = arith.maximumf %broadcast_in_dim3A_117, %max3A_119 : vector<2000x1xf32>
    %sqrt3A_121 = math.sqrt %max3A_120 : vector<2000x1xf32>
    %exp3A_122 = math.exp %sqrt3A_121 : vector<2000x1xf32>
    %div3A_123 = arith.constant 1.000000e+00 : f32
    %div3A_124 = vector.broadcast %div3A_123 : f32 to vector<2000x1xf32>
    %div3A_125 = arith.divf %div3A_124, %exp3A_122 : vector<2000x1xf32>
    %add3A_126 = arith.addf %exp3A_122, %div3A_125 : vector<2000x1xf32>
    %mul3A_127 = arith.constant 5.000000e-01 : f32
    %mul3A_128 = vector.broadcast %mul3A_127 : f32 to vector<2000x1xf32>
    %mul3A_129 = arith.mulf %mul3A_128, %add3A_126 : vector<2000x1xf32>
    %sub3A_130 = arith.subf %exp3A_122, %div3A_125 : vector<2000x1xf32>
    %mul3A_131 = arith.constant 5.000000e-01 : f32
    %mul3A_132 = vector.broadcast %mul3A_131 : f32 to vector<2000x1xf32>
    %mul3A_133 = arith.mulf %mul3A_132, %sub3A_130 : vector<2000x1xf32>
    %div3A_134 = arith.divf %mul3A_133, %sqrt3A_121 : vector<2000x1xf32>
    %mul3A_135 = vector.broadcast %div3A_134 : vector<2000x1xf32> to vector<2000x128xf32>
    %mul3A_136 = arith.mulf %mul3A_135, %select_n3A_113 : vector<2000x128xf32>
    %broadcast_in_dim3A_137 = vector.shape_cast %mul3A_129 : vector<2000x1xf32> to vector<2000x1xf32>
    %broadcast_in_dim3A_138 = vector.broadcast %broadcast_in_dim3A_137 : vector<2000x1xf32> to vector<2000x128xf32>
    %select_n3A_139 = arith.select %eq3A_3, %broadcast_in_dim3A_138, %mul3A_136 : vector<2000x128xi1>, vector<2000x128xf32>
    %slice3A_140 = vector.extract_strided_slice %select_n3A_139 {offsets = [0, 0], sizes = [2000, 1], strides = [1, 1]} : vector<2000x128xf32> to vector<2000x1xf32>
    %max3A_141 = arith.constant 1.00000012 : f32
    %max3A_142 = vector.broadcast %max3A_141 : f32 to vector<2000x1xf32>
    %max3A_143 = arith.maximumf %slice3A_140, %max3A_142 : vector<2000x1xf32>
    %mul3A_144 = arith.mulf %max3A_143, %max3A_143 : vector<2000x1xf32>
    %sub3A_145 = arith.constant 1.000000e+00 : f32
    %sub3A_146 = vector.broadcast %sub3A_145 : f32 to vector<2000x1xf32>
    %sub3A_147 = arith.subf %mul3A_144, %sub3A_146 : vector<2000x1xf32>
    %sqrt3A_148 = math.sqrt %sub3A_147 : vector<2000x1xf32>
    %add3A_149 = arith.addf %max3A_143, %sqrt3A_148 : vector<2000x1xf32>
    %log3A_150 = math.log %add3A_149 : vector<2000x1xf32>
    %mul3A_151 = arith.mulf %select_n3A_139, %select_n3A_139 : vector<2000x128xf32>
    %reduce_sum3A_152 = arith.constant dense<0.000000e+00> : vector<2000xf32>
    %reduce_sum3A_153 = vector.multi_reduction <add>, %mul3A_151, %reduce_sum3A_152 [1] : vector<2000x128xf32> to vector<2000xf32>
    %broadcast_in_dim3A_154 = vector.shape_cast %reduce_sum3A_153 : vector<2000xf32> to vector<2000x1xf32>
    %slice3A_155 = vector.extract_strided_slice %select_n3A_139 {offsets = [0, 0], sizes = [2000, 1], strides = [1, 1]} : vector<2000x128xf32> to vector<2000x1xf32>
    %slice3A_156 = vector.extract_strided_slice %select_n3A_139 {offsets = [0, 0], sizes = [2000, 1], strides = [1, 1]} : vector<2000x128xf32> to vector<2000x1xf32>
    %mul3A_157 = arith.mulf %slice3A_155, %slice3A_156 : vector<2000x1xf32>
    %sub3A_158 = arith.subf %broadcast_in_dim3A_154, %mul3A_157 : vector<2000x1xf32>
    %max3A_159 = arith.constant 9.99999996E-13 : f32
    %max3A_160 = vector.broadcast %max3A_159 : f32 to vector<2000x1xf32>
    %max3A_161 = arith.maximumf %sub3A_158, %max3A_160 : vector<2000x1xf32>
    %sqrt3A_162 = math.sqrt %max3A_161 : vector<2000x1xf32>
    %div3A_163 = arith.divf %log3A_150, %sqrt3A_162 : vector<2000x1xf32>
    %mul3A_164 = vector.broadcast %div3A_163 : vector<2000x1xf32> to vector<2000x128xf32>
    %mul3A_165 = arith.mulf %mul3A_164, %select_n3A_139 : vector<2000x128xf32>
    %jit3A_166 = arith.constant 0.000000e+00 : f32
    %broadcast_in_dim3A_167 = vector.broadcast %jit3A_166 : f32 to vector<2000x128xf32>
    %select_n3A_168 = arith.select %eq3A_3, %broadcast_in_dim3A_167, %mul3A_165 : vector<2000x128xi1>, vector<2000x128xf32>
    %neg3A = arith.constant 0.000000e+00 : f32
    %neg3A_169 = vector.broadcast %neg3A : f32 to vector<2000x128xf32>
    %neg3A_170 = arith.subf %neg3A_169, %select_n3A_168 : vector<2000x128xf32>
    %exp3A_171 = math.exp %neg3A_170 : vector<2000x128xf32>
    %add3A_172 = arith.constant 1.000000e+00 : f32
    %add3A_173 = vector.broadcast %add3A_172 : f32 to vector<2000x128xf32>
    %add3A_174 = arith.addf %add3A_173, %exp3A_171 : vector<2000x128xf32>
    %div3A_175 = arith.constant 1.000000e+00 : f32
    %div3A_176 = vector.broadcast %div3A_175 : f32 to vector<2000x128xf32>
    %div3A_177 = arith.divf %div3A_176, %add3A_174 : vector<2000x128xf32>
    %mul3A_178 = arith.mulf %select_n3A_168, %div3A_177 : vector<2000x128xf32>
    %jit3A_179 = arith.constant 0.000000e+00 : f32
    %broadcast_in_dim3A_180 = vector.broadcast %jit3A_179 : f32 to vector<2000x128xf32>
    %select_n3A_181 = arith.select %eq3A_3, %broadcast_in_dim3A_180, %mul3A_178 : vector<2000x128xi1>, vector<2000x128xf32>
    %mul3A_182 = arith.mulf %select_n3A_181, %select_n3A_181 : vector<2000x128xf32>
    %reduce_sum3A_183 = arith.constant dense<0.000000e+00> : vector<2000xf32>
    %reduce_sum3A_184 = vector.multi_reduction <add>, %mul3A_182, %reduce_sum3A_183 [1] : vector<2000x128xf32> to vector<2000xf32>
    %broadcast_in_dim3A_185 = vector.shape_cast %reduce_sum3A_184 : vector<2000xf32> to vector<2000x1xf32>
    %max3A_186 = arith.constant 9.99999996E-13 : f32
    %max3A_187 = vector.broadcast %max3A_186 : f32 to vector<2000x1xf32>
    %max3A_188 = arith.maximumf %broadcast_in_dim3A_185, %max3A_187 : vector<2000x1xf32>
    %sqrt3A_189 = math.sqrt %max3A_188 : vector<2000x1xf32>
    %exp3A_190 = math.exp %sqrt3A_189 : vector<2000x1xf32>
    %div3A_191 = arith.constant 1.000000e+00 : f32
    %div3A_192 = vector.broadcast %div3A_191 : f32 to vector<2000x1xf32>
    %div3A_193 = arith.divf %div3A_192, %exp3A_190 : vector<2000x1xf32>
    %add3A_194 = arith.addf %exp3A_190, %div3A_193 : vector<2000x1xf32>
    %mul3A_195 = arith.constant 5.000000e-01 : f32
    %mul3A_196 = vector.broadcast %mul3A_195 : f32 to vector<2000x1xf32>
    %mul3A_197 = arith.mulf %mul3A_196, %add3A_194 : vector<2000x1xf32>
    %sub3A_198 = arith.subf %exp3A_190, %div3A_193 : vector<2000x1xf32>
    %mul3A_199 = arith.constant 5.000000e-01 : f32
    %mul3A_200 = vector.broadcast %mul3A_199 : f32 to vector<2000x1xf32>
    %mul3A_201 = arith.mulf %mul3A_200, %sub3A_198 : vector<2000x1xf32>
    %div3A_202 = arith.divf %mul3A_201, %sqrt3A_189 : vector<2000x1xf32>
    %mul3A_203 = vector.broadcast %div3A_202 : vector<2000x1xf32> to vector<2000x128xf32>
    %mul3A_204 = arith.mulf %mul3A_203, %select_n3A_181 : vector<2000x128xf32>
    %broadcast_in_dim3A_205 = vector.shape_cast %mul3A_197 : vector<2000x1xf32> to vector<2000x1xf32>
    %broadcast_in_dim3A_206 = vector.broadcast %broadcast_in_dim3A_205 : vector<2000x1xf32> to vector<2000x128xf32>
    %select_n3A_207 = arith.select %eq3A_3, %broadcast_in_dim3A_206, %mul3A_204 : vector<2000x128xi1>, vector<2000x128xf32>
    %swap3A = arith.constant 0 : index
    %swap3A_208 = arith.constant 0 : index
    %swap3A_209 = vector.load %arg5[%swap3A, %swap3A_208] : memref<2000x128xf32, #tpu.memory_space<vmem>>, vector<2000x128xf32>
    tpu.vector_store %arg5[%swap3A, %swap3A_208], %select_n3A_207 {strides = array<i32>} : memref<2000x128xf32, #tpu.memory_space<vmem>>, vector<2000x128xf32>,
    return
  }
  func.func @transform_0(%arg0: i32) -> (i32, i32) {
    %c0_i32 = arith.constant 0 : i32
    %c0_i32_0 = arith.constant 0 : i32
    return %arg0, %c0_i32 : i32, i32
  }
  func.func @transform_1(%arg0: i32) -> (i32, i32) {
    %c0_i32 = arith.constant 0 : i32
    %c0_i32_0 = arith.constant 0 : i32
    return %arg0, %c0_i32 : i32, i32
  }
  func.func @transform_2(%arg0: i32) -> (i32, i32) {
    %c0_i32 = arith.constant 0 : i32
    %c0_i32_0 = arith.constant 0 : i32
    return %arg0, %c0_i32 : i32, i32
  }
  func.func @transform_3(%arg0: i32) -> (i32, i32) {
    %c0_i32 = arith.constant 0 : i32
    %c0_i32_0 = arith.constant 0 : i32
    %c0_i32_1 = arith.constant 0 : i32
    return %c0_i32, %c0_i32_0 : i32, i32
  }
  func.func @transform_4(%arg0: i32) -> (i32, i32) {
    %c0_i32 = arith.constant 0 : i32
    %c0_i32_0 = arith.constant 0 : i32
    return %arg0, %c0_i32 : i32, i32
  }
}

</mosaic_0001>

<sc_bundles>
// kernel: kernel.12.cloned.1.call-start
scs
__scs_entry_jumppad:
0x0: {  	(pc) =	sbr.rel $0x88, $3  }
0x1: {  	(tag) =	ssettag $0x0;
	lr =	simm.s32 $0x1  }
0x2: {  	[smem:$0x3F95] =	sst lr;
	_ =	strace $0xD0000000  }
0x3: {  	_ = 	snop  }
0x4: {  	_ = 	snop  }
0x5: {  	_ = 	snop  }
0x6: {  	_ = 	snop  }
0x7: {  	_ = 	snop  }
__scs_overlays_trampoline_lowered:
0x8: {  	[smem:$0x3FA4] =	sst s0  }
0x9: {  	[smem:$0x3FA5] =	sst s1  }
0xa: {  	[smem:$0x3FA6] =	sst s2  }
0xb: {  	[smem:$0x3FA7] =	sst s3  }
0xc: {  	[smem:$0x3FA8] =	sst s4  }
0xd: {  	[smem:$0x3FA9] =	sst s5  }
0xe: {  	[smem:$0x3FAA] =	sst s6  }
0xf: {  	[smem:$0x3FAB] =	sst s7  }
0x10: {  	[smem:$0x3FAC] =	sst s8  }
0x11: {  	[smem:$0x3FAD] =	sst s9;
	s0 =	simm.s32 @!p0 $0x0  }
0x12: {  	s1 =	sld [smem:$0x3F93];
	s0 =	simm.s32 @p0 $0x1  }
0x13: {  	[smem:$0x3FAE] =	sst s0;
	s0 =	simm.s32 @!p1 $0x0  }
0x14: {  	s2 =	sld [smem:$0x3F92];
	s0 =	simm.s32 @p1 $0x1  }
0x15: {  	[smem:$0x3FAF] =	sst s0;
	s0 =	simm.s32 @!p2 $0x0  }
0x16: {  	s3 =	sld [smem:$0x3FDB];
	s0 =	simm.s32 @p2 $0x1  }
0x17: {  	s4 =	simm.s32 $0x1BF5;
	[smem:$0x3FB1] =	sst s0  }
0x18: {  	s0 =	sld [smem:$0x3F94];
	_ =	swait.ge [sflag:s4], $0x0  }
0x19: {  	s7 =	sld [smem:$0x3F95]  }
0x1a: {  	s8 =	sadd.s32 $0xFFFFE003, lr  }
0x1b: {  	s9 =	sadd.s32 $0xFFFFFEF7, lr;
	s5 =	simm.s32 $0xFFFFFFFF;
	p2 =	slt.u32 s8, $0xFFFFF086  }
0x1c: {  	p1 =	slt.u32 s9, $0xF7A;
	s5 =	simm.s32 @!p2 $0x0  }
0x1d: {  	s5 =	simm.s32 @p1 $0x1;
	p0 =	seq.s32 s7, s2  }
0x1e: {  	s7 =	smul.u32 @!p0 $0xF7A, s2;
	p2 =	seq.s32 @!p0 s5, $0x0  }
0x1f: {  	s9 =	smul.u32 $0xF7A, s1;
	s8 =	simm.s32 @!p0 $0x1BF5;
	p2 =	por !p2, p0  }
0x20: {  	[sflag:s8] =	ssyncset.s32 @!p0 $0xFFFFF086;
	s6 =	sadd.s32 @!p0 s3, s7;
	s7 =	simm.s32 @!p0 $0x108  }
0x21: {  	s3 =	sadd.s32 s3, s9;
	s6 =	sadd.s32 @!p0 $0x88, s6;
	s7 =	simm.s32 @p2 $0x1082  }
0x22: {  	[simem:s7], [sflag:s8] =	dma.local @!p0 [hbm:s6], $0xF7A  }
0x23: {  	s9 =	sor.u32 $0xD0000000, s2;
	s6 =	simm.s32 $0x108;
	_ =	swait.ge @!p0 [sflag:s8], $0x0  }
0x24: {  	s3 =	sadd.s32 $0x88, s3;
	s6 =	simm.s32 @!p1 $0x1082;
	[sflag:s4] =	ssyncset.s32 $0xFFFFF086  }
0x25: {  	[simem:s6], [sflag:s4] =	dma.local [hbm:s3], $0xF7A  }
0x26: {  	[smem:$0x3F95] =	sst s1;
	(tag) =	ssettag s2;
	_ =	strace s9  }
0x27: {  	s1 =	sld [smem:$0x3FA5]  }
0x28: {  	s2 =	sld [smem:$0x3FA6]  }
0x29: {  	s4 =	sld [smem:$0x3FA8]  }
0x2a: {  	p0 =	seq.s32 s5, $0x0;
	s5 =	sld [smem:$0x3FA9]  }
0x2b: {  	s6 =	sld [smem:$0x3FAA]  }
0x2c: {  	s7 =	sld [smem:$0x3FAB]  }
0x2d: {  	s3 =	simm.s32 $0x108;
	s8 =	sld [smem:$0x3FAC]  }
0x2e: {  	s3 =	simm.s32 @!p0 $0x1082;
	s9 =	sld [smem:$0x3FAD]  }
0x2f: {  	lr =	sadd.s32 s0, s3;
	s0 =	sld [smem:$0x3FA4]  }
0x30: {  	s3 =	sld [smem:$0x3FA7]  }
0x31: {  	[smem:$0x3FB0] =	sst s10  }
0x32: {  	s10 =	sld [smem:$0x3FAE];
	_ =	sdelay $0x3  }
0x33: {  	p0 =	seq.s32 s10, $0x1;
	s10 =	sld [smem:$0x3FB0];
	_ =	sdelay $0x3  }
0x34: {  	[smem:$0x3FB0] =	sst s10  }
0x35: {  	s10 =	sld [smem:$0x3FAF];
	_ =	sdelay $0x3  }
0x36: {  	p1 =	seq.s32 s10, $0x1;
	s10 =	sld [smem:$0x3FB0];
	_ =	sdelay $0x3  }
0x37: {  	[smem:$0x3FB0] =	sst s10  }
0x38: {  	s10 =	sld [smem:$0x3FB1]  }
0x39: {  	_ = 	snop;
	(pc) =	sbr.ind lr, $3  }
0x3a: {  	_ = 	snop  }
0x3b: {  	_ = 	snop  }
0x3c: {  	p2 =	seq.s32 s10, $0x1;
	s10 =	sld [smem:$0x3FB0]  }
0x3d: {  	_ =	shalt  }
0x3e: {  	_ =	shalt  }
0x3f: {  	_ =	shalt  }
0x40: {  	_ =	shalt  }
0x41: {  	_ =	shalt  }
0x42: {  	_ =	shalt  }
0x43: {  	_ =	shalt  }
0x44: {  	_ =	shalt  }
0x45: {  	_ =	shalt  }
0x46: {  	_ =	shalt  }
0x47: {  	_ =	shalt  }
0x48: {  	_ =	shalt  }
0x49: {  	_ =	shalt  }
0x4a: {  	_ =	shalt  }
0x4b: {  	_ =	shalt  }
0x4c: {  	_ =	shalt  }
0x4d: {  	_ =	shalt  }
0x4e: {  	_ =	shalt  }
0x4f: {  	_ =	shalt  }
0x50: {  	_ =	shalt  }
0x51: {  	_ =	shalt  }
0x52: {  	_ =	shalt  }
0x53: {  	_ =	shalt  }
0x54: {  	_ =	shalt  }
0x55: {  	_ =	shalt  }
0x56: {  	_ =	shalt  }
0x57: {  	_ =	shalt  }
0x58: {  	_ =	shalt  }
0x59: {  	_ =	shalt  }
0x5a: {  	_ =	shalt  }
0x5b: {  	_ =	shalt  }
0x5c: {  	_ =	shalt  }
0x5d: {  	_ =	shalt  }
0x5e: {  	_ =	shalt  }
0x5f: {  	_ =	shalt  }
0x60: {  	_ =	shalt  }
0x61: {  	_ =	shalt  }
0x62: {  	_ =	shalt  }
0x63: {  	_ =	shalt  }
0x64: {  	_ =	shalt  }
0x65: {  	_ =	shalt  }
0x66: {  	_ =	shalt  }
0x67: {  	_ =	shalt  }
0x68: {  	_ =	shalt  }
0x69: {  	_ =	shalt  }
0x6a: {  	_ =	shalt  }
0x6b: {  	_ =	shalt  }
0x6c: {  	_ =	shalt  }
0x6d: {  	_ =	shalt  }
0x6e: {  	_ =	shalt  }
0x6f: {  	_ =	shalt  }
0x70: {  	_ =	shalt  }
0x71: {  	_ =	shalt  }
0x72: {  	_ =	shalt  }
0x73: {  	_ =	shalt  }
0x74: {  	_ =	shalt  }
0x75: {  	_ =	shalt  }
0x76: {  	_ =	shalt  }
0x77: {  	_ =	shalt  }
0x78: {  	_ =	shalt  }
0x79: {  	_ =	shalt  }
0x7a: {  	_ =	shalt  }
0x7b: {  	_ =	shalt  }
0x7c: {  	_ =	shalt  }
0x7d: {  	_ =	shalt  }
0x7e: {  	_ =	shalt  }
0x7f: {  	_ =	shalt  }
0x80: {  	_ =	shalt  }
0x81: {  	_ =	shalt  }
0x82: {  	_ =	shalt  }
0x83: {  	_ =	shalt  }
0x84: {  	_ =	shalt  }
0x85: {  	_ =	shalt  }
0x86: {  	_ =	shalt  }
0x87: {  	_ =	shalt  }
.Lfunc_end0:
.L_simem_size_0:
called_computation.1_lowered:
.L_overlay_start_0:
0x88: {  	s2 =	sld [smem:$0x3FD9]  }
0x89: {  	s3 =	sld [smem:$0x3FFE];
	_ =	sdelay $0x1  }
0x8a: {  	s1 =	srdreg.scid  }
0x8b: {  	s0 =	sand.u32 $0x1, s1  }
0x8c: {  	s17 =	sshll.u32 s0, $0xA;
	s2 =	sadd.s32 s3, s2  }
0x8d: {  	s2 =	sadd.s32 s2, s17  }
0x8e: {  	[smem:$0x3FBC] =	sst s2  }
0x8f: {  	_ = 	snop  }
0x90: {  	(tm) =	ssettm $0x1  }
0x91: {  	s18 =	sld [smem:$0x3FFB];
	_ =	sdelay $0x3  }
0x92: {  	_ =	strace s18  }
0x93: {  	s2 =	sld [smem:$0x3FFC];
	_ =	sdelay $0x3  }
0x94: {  	_ =	strace s2  }
0x95: {  	s2 =	sld [smem:$0x3FFD];
	_ =	sdelay $0x3  }
0x96: {  	_ =	strace s2  }
0x97: {  	_ =	strace $0x8FFFFFFF  }
0x98: {  	s19 =	sld [smem:$0x3FDB];
	_ =	sdelay $0x1  }
0x99: {  	s20 =	simm.s32 $_scs_section_size  }
0x9a: {  	s4 =	simm.s32 $_size__tile_overlayer_lowered;
	s5 =	simm.s32 $_tile_overlayer_lowered  }
0x9b: {  	s6 =	simm.s32 $0x1BFF;
	s21 =	sshll.u32 s5, $0x1;
	s3 =	sadd.s32 s20, s19  }
0x9c: {  	s22 =	simm.s32 $0x0;
	s4 =	sshll.u32 s4, $0x1;
	s5 =	sadd.s32 s21, s3  }
0x9d: {  	[timem:s22], [sflag:s6] =	dma.local [hbm:s5], s4  }
0x9e: {  	_ =	swait.ge [sflag:s6], s4  }
0x9f: {  	s4 =	ssub.s32 $0x0, s4;
	[sflag:s6] =	ssyncset.done $0x0  }
0xa0: {  	[sflag:s6] =	ssyncadd.s32 s4;
	_ =	sdelay $0x1  }
0xa1: {  	s23 =	simm.s32 $0x1B8B  }
0xa2: {  	_ =	swait.ge [sflag:s23], $0x1  }
0xa3: {  	[sflag:s23] =	ssyncset.done $0x0  }
0xa4: {  	[sflag:s23] =	ssyncadd.s32 $0xFFFFFFFF  }
0xa5: {  	s4 =	sld [smem:$0x0]  }
0xa6: {  	s5 =	sand.u32 $0xFFFFFFFE, s1  }
0xa7: {  	p0 =	sne.s32 s1, s5  }
0xa8: {  	s5 =	sshll.u32 @p0 s5, $0xE  }
0xa9: {  	s5 =	sadd.s32 @p0 $0x11B8D, s5;
	s6 =	sshll.u32 @p0 s4, $0x11  }
0xaa: {  	s5 =	sor.u32 @p0 s6, s5  }
0xab: {  	[sflag:s5] =	ssyncadd.remote.s32 @p0 $0x1;
	_ =	sdelay $0x1  }
0xac: {  	s5 =	simm.s32 @p0 $0x1B8D  }
0xad: {  	_ =	swait.eq @p0 [sflag:s5], $0x1  }
0xae: {  	[sflag:s5] =	ssyncadd.s32 @p0 $0xFFFFFFFF  }
0xaf: {  	s6 =	sshll.u32 @!p0 s1, $0xE  }
0xb0: {  	s6 =	sor.u32 @!p0 $0x4000, s6;
	s5 =	simm.s32 @!p0 $0x1B8D  }
0xb1: {  	s4 =	sshll.u32 @!p0 s4, $0x11;
	s6 =	sadd.s32 @!p0 $0x11B8D, s6;
	_ =	swait.eq @!p0 [sflag:s5], $0x1  }
0xb2: {  	s4 =	sor.u32 @!p0 s4, s6;
	[sflag:s5] =	ssyncadd.s32 @!p0 $0xFFFFFFFF  }
0xb3: {  	s25 =	simm.s32 $0x1B8E;
	s24 =	sld [smem:$0x3FFE];
	[sflag:s4] =	ssyncadd.remote.s32 @!p0 $0x1  }
0xb4: {  	s26 =	simm.s32 $execute0_lowered;
	[smem:$0x3FD2] =	sst s25  }
0xb5: {  	s5 =	sshll.u32 s26, $0x1;
	_ =	strace $0x80000049;
	[dreg:$0x1] =	wrdreg $0xFFFFFFFF  }
0xb6: {  	s28 =	simm.s32 $_size_execute0_lowered;
	s3 =	sadd.s32 s3, s5;
	[dreg:$0x0] =	wrdreg $0x0  }
0xb7: {  	s5 =	sshll.u32 s28, $0x1;
	[dreg:$0x2] =	wrdreg s3  }
0xb8: {  	[dreg:$0x3] =	wrdreg s5  }
0xb9: {  	[dreg:$0x4] =	wrdreg $0xC0  }
0xba: {  	_ =	task [dreg:s22], $0x5FFFF  }
0xbb: {  	[dreg:$0x1] =	wrdreg $0xFFFFFFFF  }
0xbc: {  	[dreg:$0x0] =	wrdreg $0x60  }
0xbd: {  	[dreg:$0x2] =	wrdreg s24  }
0xbe: {  	[dreg:$0x3] =	wrdreg $0xA  }
0xbf: {  	_ =	task.clear_ibuf [dreg:s22], $0x4FFFF;
	_ =	strace $0x90000049  }
0xc0: {  	s29 =	simm.s32 $0xA;
	_ =	strace $0x8000004B  }
0xc1: {  	_ =	swait.ge [sflag:s29], $0x1  }
0xc2: {  	[sflag:s29] =	ssyncadd.s32 $0xFFFFFFFF  }
0xc3: {  	_ =	strace $0x9000004B  }
0xc4: {  	_ =	sfence  }
0xc5: {  	s30 =	sld [smem:$0x0];
	_ =	sdelay $0x2  }
0xc6: {  	s31 =	sshll.u32 s1, $0xD;
	s1 =	sshrl.u32 s1, $0x2  }
0xc7: {  	s4 =	sand.u32 $0x4000, s31;
	s1 =	sadd.s32 s1, s30  }
0xc8: {  	s0 =	sor.u32 s4, s0;
	s1 =	sshll.u32 s1, $0x11  }
0xc9: {  	s0 =	sor.u32 s1, s0  }
0xca: {  	s0 =	sadd.s32 $0x8F2B, s0  }
0xcb: {  	[sflag:s0] =	ssyncadd.remote.s32 $0x1  }
0xcc: {  	_ =	sfence.sel $0xFFFF  }
0xcd: {  	[dreg:$0x0] =	wrdreg $0xFFFFFFFF;
	(pc) =	sbr.abs _section_cstart, $3  }
0xce: {  	[dreg:$0x1] =	wrdreg $0xFFFFFFFF  }
0xcf: {  	_ =	task.clear_ibuf [dreg:s22], $0x2FFFF;
	_ =	strace $0x9FFFFFFF  }
0xd0: {  	(tm) =	ssettm $0x7FFFFFFF  }
0xd1: {  	_ =	shalt  }
tec
execute0_lowered:
.L_overlay_start_1:
0x0: {  	(tag) =	ssettag $0x1  }
0x1: {  	s0 =	srdreg.scid  }
0x2: {  	s15 =	stileid.u32;
	s1 =	rddreg [dreg:$0x0]  }
0x3: {  	s2 =	simm.s32 $0x0;
	s17 =	simm.s32 $0x1400;
	s18 =	simm.s32 $0x80  }
0x4: {  	s19 =	simm.s32 $0x2800;
	s20 =	simm.s32 $0xA800;
	s21 =	simm.s32 $0x6800  }
0x5: {  	s23 =	simm.s32 $0xE800;
	s24 =	simm.s32 $0x1;
	s25 =	simm.s32 $0x3  }
0x6: {  	s28 =	simm.s32 $0x4;
	s29 =	simm.s32 $0x0;
	s11 =	smul.u32 $0x140000, s15  }
0x7: {  	s0 =	sand.u32 $0x1, s0;
	s3 =	sshll.u32 s15, $0x1;
	s15 =	smul.u32 $0x28000, s15  }
0x8: {  	[smem:$0x7FF] =	sst s2;
	s13 =	sadd.s32 $0x566200, s1;
	s12 =	smul.u32 $0xA0000, s0  }
0x9: {  	s6 =	sor.u32 s0, s3;
	s26 =	ssub.s32 $0x2, s0;
	s0 =	smul.u32 $0x14000, s0  }
0xa: {  	s4 =	sadd.s32 $0x35000, s1;
	_ =	strace $0x8000004A;
	s5 =	smul.u32 $0x1400, s6  }
0xb: {  	s3 =	sadd.s32 $0xDE00, s1;
	s8 =	sshrl.u32 s26, $0x1;
	s9 =	smul.u32 $0xA0000, s6  }
0xc: {  	s10 =	smul.u32 $0x14000, s6;
	s16 =	sadd.s32 s15, s13;
	s8 =	ssub.s32 s26, s8  }
0xd: {  	s12 =	sadd.s32 s12, s11;
	s31 =	sadd.s32 s0, s16;
	s16 =	simm.s32 $0x5  }
0xe: {  	s5 =	sshrl.u32 s5, $0x3;
	s9 =	sshrl.u32 s9, $0x3;
	s14 =	sadd.s32 $0x13800, s10  }
0xf: {  	s7 =	sadd.s32 s5, s1;
	s1 =	sadd.s32 $0x7E6200, s1;
	s9 =	sadd.s32 $0x13000, s9  }
0x10: {  	s30 =	sshrl.u32 s12, $0x3;
	s5 =	sadd.s32 $0x561200, s7;
	s6 =	sadd.s32 $0x55C200, s7  }
0x11: {  	s7 =	smax.u32 s8, $0x1;
	s8 =	sadd.s32 s13, s9;
	s9 =	sadd.s32 s1, s9  }
0x12: {  	s11 =	sadd.s32 s1, s14;
	s12 =	sadd.s32 s30, s1;
	s1 =	sadd.s32 s15, s1  }
0x13: {  	s26 =	simm.s32 $0x2;
	s10 =	sadd.s32 s13, s14;
	s0 =	sadd.s32 s0, s1  }
0x14: {  	s13 =	sadd.s32 s30, s13;
	s14 =	sadd.s32 $0x800, s31;
	s15 =	sadd.s32 $0x800, s0  }
.LBB2_1:
0x15: {  	[tilespmem:s2], [sflag:$0x5] =	stream.linear.gather [hbm4b:s5+s2], $0x1400, $0x38;
	[tilespmem:$0x12800] =	vst v63  }
0x16: {  	_ =	swait.ge [sflag:s16], $0x1400  }
0x17: {  	[sflag:s16] =	ssyncset.done $0x0  }
0x18: {  	[sflag:s16] =	ssyncadd.s32 $0xFFFFEC00  }
0x19: {  	[tilespmem:s17], [sflag:$0x5] =	stream.linear.gather [hbm4b:s6+s2], $0x1400, $0x38;
	[tilespmem:$0x12800] =	vst v63  }
0x1a: {  	_ =	swait.ge [sflag:s16], $0x1400  }
0x1b: {  	[sflag:s16] =	ssyncset.done $0x0  }
0x1c: {  	[sflag:s16] =	ssyncadd.s32 $0xFFFFEC00  }
0x1d: {  	[tilespmem:s19], [sflag:$0x1] =	stream.indirect.gather [hbm4b:s3+s18], $0x80, s2, s18, $0xb8;
	[tilespmem:$0x12800] =	vst v63  }
0x1e: {  	_ = 	snop  }
0x1f: {  	[tilespmem:s20], [sflag:$0x3] =	stream.indirect.gather [hbm4b:s4+s18], $0x80, s17, s18, $0xb8;
	[tilespmem:$0x12800] =	vst v63  }
0x20: {  	_ = 	snop  }
0x21: {  	[tilespmem:s21], [sflag:$0x2] =	stream.indirect.gather [hbm4b:s3+s18], $0x80, s18, s18, $0xb8;
	[tilespmem:$0x12800] =	vst v63  }
0x22: {  	s0 =	simm.s32 $0x1480  }
0x23: {  	[tilespmem:s23], [sflag:$0x4] =	stream.indirect.gather [hbm4b:s4+s18], $0x80, s0, s18, $0xb8;
	[tilespmem:$0x12800] =	vst v63  }
0x24: {  	_ =	swait.ge [sflag:s24], $0x4000  }
0x25: {  	[sflag:s24] =	ssyncset.done $0x0  }
0x26: {  	s22 =	sadd.s32 $0x0, s13;
	[sflag:s24] =	ssyncadd.s32 $0xFFFFC000  }
0x27: {  	[hbm4b:s22+s2] =	stream.linear.scatter [tilespmem:s19], [sflag:$0x5], $0x4000, $0x38;
	[tilespmem:$0x12800] =	vst v63  }
0x28: {  	_ =	swait.ge [sflag:s16], $0x4000  }
0x29: {  	[sflag:s16] =	ssyncset.done $0x0  }
0x2a: {  	[sflag:s16] =	ssyncadd.s32 $0xFFFFC000  }
0x2b: {  	_ =	swait.ge [sflag:s25], $0x4000  }
0x2c: {  	[sflag:s25] =	ssyncset.done $0x0  }
0x2d: {  	s1 =	sadd.s32 $0x0, s12;
	[sflag:s25] =	ssyncadd.s32 $0xFFFFC000  }
0x2e: {  	[hbm4b:s1+s2] =	stream.linear.scatter [tilespmem:s20], [sflag:$0x5], $0x4000, $0x38;
	[tilespmem:$0x12800] =	vst v63  }
0x2f: {  	_ =	swait.ge [sflag:s16], $0x4000  }
0x30: {  	[sflag:s16] =	ssyncset.done $0x0  }
0x31: {  	s22 =	simm.s32 $0x100;
	[sflag:s16] =	ssyncadd.s32 $0xFFFFC000  }
0x32: {  	[tilespmem:s19], [sflag:$0x1] =	stream.indirect.gather [hbm4b:s3+s18], $0x80, s22, s18, $0xb8;
	[tilespmem:$0x12800] =	vst v63  }
0x33: {  	s1 =	simm.s32 $0x1500  }
0x34: {  	[tilespmem:s20], [sflag:$0x3] =	stream.indirect.gather [hbm4b:s4+s18], $0x80, s1, s18, $0xb8;
	[tilespmem:$0x12800] =	vst v63  }
0x35: {  	_ =	swait.ge [sflag:s26], $0x4000  }
0x36: {  	[sflag:s26] =	ssyncset.done $0x0  }
0x37: {  	s22 =	sadd.s32 $0x0, s14;
	[sflag:s26] =	ssyncadd.s32 $0xFFFFC000  }
0x38: {  	[hbm4b:s22+s2] =	stream.linear.scatter [tilespmem:s21], [sflag:$0x5], $0x4000, $0x38;
	[tilespmem:$0x12800] =	vst v63  }
0x39: {  	_ =	swait.ge [sflag:s16], $0x4000  }
0x3a: {  	[sflag:s16] =	ssyncset.done $0x0  }
0x3b: {  	[sflag:s16] =	ssyncadd.s32 $0xFFFFC000  }
0x3c: {  	_ =	swait.ge [sflag:s28], $0x4000  }
0x3d: {  	[sflag:s28] =	ssyncset.done $0x0  }
0x3e: {  	s1 =	sadd.s32 $0x0, s15;
	[sflag:s28] =	ssyncadd.s32 $0xFFFFC000  }
0x3f: {  	[hbm4b:s1+s2] =	stream.linear.scatter [tilespmem:s23], [sflag:$0x5], $0x4000, $0x38;
	[tilespmem:$0x12800] =	vst v63  }
0x40: {  	s30 =	simm.s32 $0x1000;
	_ =	swait.ge [sflag:s16], $0x4000  }
0x41: {  	s31 =	simm.s32 $0x1600;
	s0 =	simm.s32 $0x1580;
	[sflag:s16] =	ssyncset.done $0x0  }
0x42: {  	s22 =	simm.s32 $0x180;
	s1 =	simm.s32 $0x200;
	[sflag:s16] =	ssyncadd.s32 $0xFFFFC000  }
0x43: {  	[tilespmem:s21], [sflag:$0x2] =	stream.indirect.gather [hbm4b:s3+s18], $0x80, s22, s18, $0xb8;
	[tilespmem:$0x12800] =	vst v63  }
.LBB2_2:
0x44: {  	[tilespmem:s23], [sflag:$0x4] =	stream.indirect.gather [hbm4b:s4+s18], $0x80, s0, s18, $0xb8;
	[tilespmem:$0x12800] =	vst v63  }
0x45: {  	s0 =	smov.u32 s30  }
0x46: {  	p0 =	sne.s32 s30, $0x12000;
	s30 =	sadd.s32 $0x1000, s30;
	_ =	swait.ge [sflag:s24], $0x4000  }
0x47: {  	[sflag:s24] =	ssyncset.done $0x0  }
0x48: {  	s22 =	sadd.s32 s0, s13;
	[sflag:s24] =	ssyncadd.s32 $0xFFFFC000  }
0x49: {  	[hbm4b:s22+s2] =	stream.linear.scatter [tilespmem:s19], [sflag:$0x5], $0x4000, $0x38;
	[tilespmem:$0x12800] =	vst v63  }
0x4a: {  	_ =	swait.ge [sflag:s16], $0x4000  }
0x4b: {  	[sflag:s16] =	ssyncset.done $0x0  }
0x4c: {  	[sflag:s16] =	ssyncadd.s32 $0xFFFFC000  }
0x4d: {  	_ =	swait.ge [sflag:s25], $0x4000  }
0x4e: {  	[sflag:s25] =	ssyncset.done $0x0  }
0x4f: {  	s22 =	sadd.s32 s0, s12;
	[sflag:s25] =	ssyncadd.s32 $0xFFFFC000  }
0x50: {  	[hbm4b:s22+s2] =	stream.linear.scatter [tilespmem:s20], [sflag:$0x5], $0x4000, $0x38;
	[tilespmem:$0x12800] =	vst v63  }
0x51: {  	_ =	swait.ge [sflag:s16], $0x4000  }
0x52: {  	[sflag:s16] =	ssyncset.done $0x0  }
0x53: {  	[sflag:s16] =	ssyncadd.s32 $0xFFFFC000  }
0x54: {  	[tilespmem:s19], [sflag:$0x1] =	stream.indirect.gather [hbm4b:s3+s18], $0x80, s1, s18, $0xb8;
	[tilespmem:$0x12800] =	vst v63  }
0x55: {  	_ = 	snop  }
0x56: {  	[tilespmem:s20], [sflag:$0x3] =	stream.indirect.gather [hbm4b:s4+s18], $0x80, s31, s18, $0xb8;
	[tilespmem:$0x12800] =	vst v63  }
0x57: {  	_ =	swait.ge [sflag:s26], $0x4000  }
0x58: {  	[sflag:s26] =	ssyncset.done $0x0  }
0x59: {  	s22 =	sadd.s32 s0, s14;
	[sflag:s26] =	ssyncadd.s32 $0xFFFFC000  }
0x5a: {  	[hbm4b:s22+s2] =	stream.linear.scatter [tilespmem:s21], [sflag:$0x5], $0x4000, $0x38;
	[tilespmem:$0x12800] =	vst v63  }
0x5b: {  	_ =	swait.ge [sflag:s16], $0x4000  }
0x5c: {  	[sflag:s16] =	ssyncset.done $0x0  }
0x5d: {  	[sflag:s16] =	ssyncadd.s32 $0xFFFFC000  }
0x5e: {  	_ =	swait.ge [sflag:s28], $0x4000  }
0x5f: {  	[sflag:s28] =	ssyncset.done $0x0  }
0x60: {  	s0 =	sadd.s32 s0, s15;
	[sflag:s28] =	ssyncadd.s32 $0xFFFFC000  }
0x61: {  	[hbm4b:s0+s2] =	stream.linear.scatter [tilespmem:s23], [sflag:$0x5], $0x4000, $0x38;
	[tilespmem:$0x12800] =	vst v63  }
.Ltmp0:
0x62: {  	_ =	swait.ge [sflag:s16], $0x4000;
	(pc) =	sbr.rel @p0 .LBB2_2-.Ltmp0, $4  }
0x63: {  	[sflag:s16] =	ssyncset.done $0x0  }
0x64: {  	s0 =	sadd.s32 $0x80, s1;
	[sflag:s16] =	ssyncadd.s32 $0xFFFFC000  }
0x65: {  	[tilespmem:s21], [sflag:$0x2] =	stream.indirect.gather [hbm4b:s3+s18], $0x80, s0, s18, $0xb8;
	[tilespmem:$0x12800] =	vst v63  }
0x66: {  	s1 =	sadd.s32 $0x100, s1;
	s0 =	sadd.s32 $0x80, s31;
	s31 =	sadd.s32 $0x100, s31  }
0x67: {  	[tilespmem:s23], [sflag:$0x4] =	stream.indirect.gather [hbm4b:s4+s18], $0x80, s0, s18, $0xb8;
	[tilespmem:$0x12800] =	vst v63  }
0x68: {  	_ =	swait.ge [sflag:s24], $0x4000  }
0x69: {  	[sflag:s24] =	ssyncset.done $0x0  }
0x6a: {  	[sflag:s24] =	ssyncadd.s32 $0xFFFFC000  }
0x6b: {  	[hbm4b:s8+s2] =	stream.linear.scatter [tilespmem:s19], [sflag:$0x5], $0x4000, $0x38;
	[tilespmem:$0x12800] =	vst v63  }
0x6c: {  	_ =	swait.ge [sflag:s16], $0x4000  }
0x6d: {  	[sflag:s16] =	ssyncset.done $0x0  }
0x6e: {  	[sflag:s16] =	ssyncadd.s32 $0xFFFFC000  }
0x6f: {  	_ =	swait.ge [sflag:s25], $0x4000  }
0x70: {  	[sflag:s25] =	ssyncset.done $0x0  }
0x71: {  	[sflag:s25] =	ssyncadd.s32 $0xFFFFC000  }
0x72: {  	[hbm4b:s9+s2] =	stream.linear.scatter [tilespmem:s20], [sflag:$0x5], $0x4000, $0x38;
	[tilespmem:$0x12800] =	vst v63  }
0x73: {  	_ =	swait.ge [sflag:s16], $0x4000  }
0x74: {  	[sflag:s16] =	ssyncset.done $0x0  }
0x75: {  	[sflag:s16] =	ssyncadd.s32 $0xFFFFC000  }
0x76: {  	_ =	swait.ge [sflag:s26], $0x4000  }
0x77: {  	[sflag:s26] =	ssyncset.done $0x0  }
0x78: {  	[sflag:s26] =	ssyncadd.s32 $0xFFFFC000  }
0x79: {  	[hbm4b:s10+s2] =	stream.linear.scatter [tilespmem:s21], [sflag:$0x5], $0x4000, $0x38;
	[tilespmem:$0x12800] =	vst v63  }
0x7a: {  	_ =	swait.ge [sflag:s16], $0x4000  }
0x7b: {  	[sflag:s16] =	ssyncset.done $0x0  }
0x7c: {  	[sflag:s16] =	ssyncadd.s32 $0xFFFFC000  }
0x7d: {  	s29 =	sadd.s32 $0x1, s29;
	_ =	swait.ge [sflag:s28], $0x4000  }
0x7e: {  	p0 =	sne.s32 s29, s7;
	[sflag:s28] =	ssyncset.done $0x0  }
.Ltmp1:
0x7f: {  	[sflag:s28] =	ssyncadd.s32 $0xFFFFC000;
	(pc) =	sbr.rel @p0 .LBB2_1-.Ltmp1, $4  }
0x80: {  	[hbm4b:s11+s2] =	stream.linear.scatter [tilespmem:s23], [sflag:$0x5], $0x4000, $0x38;
	[tilespmem:$0x12800] =	vst v63  }
0x81: {  	_ =	swait.ge [sflag:s16], $0x4000  }
0x82: {  	[sflag:s16] =	ssyncset.done $0x0  }
0x83: {  	[sflag:s16] =	ssyncadd.s32 $0xFFFFC000  }
0x84: {  	_ =	sfence.sel $0x180000  }
0x85: {  	[bflag:$0x0] =	sbarrier.arrive $0xFFFF  }
0x86: {  	_ =	strace $0x9000004A  }
0x87: {  	s0 =	stileid.u32;
	[bflag:$0x2] =	sbarrier.arrive $0xFFFF  }
0x88: {  	p0 =	sne.s32 s0, $0x0;
	s0 =	rddreg [dreg:$0x1]  }
0x89: {  	s0 =	sadd.s32 @!p0 $0x100000, s0  }
0x8a: {  	[sflag:s0] =	ssyncadd.tile.s32 @!p0 $0x1;
	_ =	shalt  }
.Lfunc_end2:
_tile_overlayer_lowered:
.L_overlay_start_2:
0x8b: {  	(tag) =	ssettag $0x2  }
0x8c: {  	s0 =	rddreg [dreg:$0x0];
	s2 =	stileid.u32  }
0x8d: {  	s1 =	rddreg [dreg:$0x1];
	p0 =	sne.s32 s2, $0x0  }
0x8e: {  	s3 =	rddreg [dreg:$0x2];
	[bflag:$0x3] =	sbarrier.arrive $0xFFFF;
	s2 =	simm.s32 @!p0 $0x1C05  }
0x8f: {  	[timem:s3], [sflag:s2] =	dma.local @!p0 [hbm:s0], s1  }
0x90: {  	s0 =	simm.s32 @!p0 $0x5  }
0x91: {  	_ =	swait.ge @!p0 [sflag:s0], s1  }
0x92: {  	s1 =	ssub.s32 @!p0 $0x0, s1;
	[sflag:s0] =	ssyncset.done @!p0 $0x0  }
0x93: {  	[sflag:s0] =	ssyncadd.s32 @!p0 s1  }
0x94: {  	[bflag:$0x3] =	sbarrier.arrive $0xFFFF  }
0x95: {  	_ =	shalt  }

// kernel: kernel.15.cloned.1.call-start
scs
__scs_entry_jumppad:
0x0: {  	(pc) =	sbr.rel $0x88, $3  }
0x1: {  	(tag) =	ssettag $0x0;
	lr =	simm.s32 $0x1  }
0x2: {  	[smem:$0x3F95] =	sst lr;
	_ =	strace $0xD0000000  }
0x3: {  	_ = 	snop  }
0x4: {  	_ = 	snop  }
0x5: {  	_ = 	snop  }
0x6: {  	_ = 	snop  }
0x7: {  	_ = 	snop  }
__scs_overlays_trampoline_lowered:
0x8: {  	[smem:$0x3FA4] =	sst s0  }
0x9: {  	[smem:$0x3FA5] =	sst s1  }
0xa: {  	[smem:$0x3FA6] =	sst s2  }
0xb: {  	[smem:$0x3FA7] =	sst s3  }
0xc: {  	[smem:$0x3FA8] =	sst s4  }
0xd: {  	[smem:$0x3FA9] =	sst s5  }
0xe: {  	[smem:$0x3FAA] =	sst s6  }
0xf: {  	[smem:$0x3FAB] =	sst s7  }
0x10: {  	[smem:$0x3FAC] =	sst s8  }
0x11: {  	[smem:$0x3FAD] =	sst s9;
	s0 =	simm.s32 @!p0 $0x0  }
0x12: {  	s1 =	sld [smem:$0x3F93];
	s0 =	simm.s32 @p0 $0x1  }
0x13: {  	[smem:$0x3FAE] =	sst s0;
	s0 =	simm.s32 @!p1 $0x0  }
0x14: {  	s2 =	sld [smem:$0x3F92];
	s0 =	simm.s32 @p1 $0x1  }
0x15: {  	[smem:$0x3FAF] =	sst s0;
	s0 =	simm.s32 @!p2 $0x0  }
0x16: {  	s3 =	sld [smem:$0x3FDB];
	s0 =	simm.s32 @p2 $0x1  }
0x17: {  	s4 =	simm.s32 $0x1BF5;
	[smem:$0x3FB1] =	sst s0  }
0x18: {  	s0 =	sld [smem:$0x3F94];
	_ =	swait.ge [sflag:s4], $0x0  }
0x19: {  	s7 =	sld [smem:$0x3F95]  }
0x1a: {  	s8 =	sadd.s32 $0xFFFFE003, lr  }
0x1b: {  	s9 =	sadd.s32 $0xFFFFFEF7, lr;
	s5 =	simm.s32 $0xFFFFFFFF;
	p2 =	slt.u32 s8, $0xFFFFF086  }
0x1c: {  	p1 =	slt.u32 s9, $0xF7A;
	s5 =	simm.s32 @!p2 $0x0  }
0x1d: {  	s5 =	simm.s32 @p1 $0x1;
	p0 =	seq.s32 s7, s2  }
0x1e: {  	s7 =	smul.u32 @!p0 $0xF7A, s2;
	p2 =	seq.s32 @!p0 s5, $0x0  }
0x1f: {  	s9 =	smul.u32 $0xF7A, s1;
	s8 =	simm.s32 @!p0 $0x1BF5;
	p2 =	por !p2, p0  }
0x20: {  	[sflag:s8] =	ssyncset.s32 @!p0 $0xFFFFF086;
	s6 =	sadd.s32 @!p0 s3, s7;
	s7 =	simm.s32 @!p0 $0x108  }
0x21: {  	s3 =	sadd.s32 s3, s9;
	s6 =	sadd.s32 @!p0 $0x88, s6;
	s7 =	simm.s32 @p2 $0x1082  }
0x22: {  	[simem:s7], [sflag:s8] =	dma.local @!p0 [hbm:s6], $0xF7A  }
0x23: {  	s9 =	sor.u32 $0xD0000000, s2;
	s6 =	simm.s32 $0x108;
	_ =	swait.ge @!p0 [sflag:s8], $0x0  }
0x24: {  	s3 =	sadd.s32 $0x88, s3;
	s6 =	simm.s32 @!p1 $0x1082;
	[sflag:s4] =	ssyncset.s32 $0xFFFFF086  }
0x25: {  	[simem:s6], [sflag:s4] =	dma.local [hbm:s3], $0xF7A  }
0x26: {  	[smem:$0x3F95] =	sst s1;
	(tag) =	ssettag s2;
	_ =	strace s9  }
0x27: {  	s1 =	sld [smem:$0x3FA5]  }
0x28: {  	s2 =	sld [smem:$0x3FA6]  }
0x29: {  	s4 =	sld [smem:$0x3FA8]  }
0x2a: {  	p0 =	seq.s32 s5, $0x0;
	s5 =	sld [smem:$0x3FA9]  }
0x2b: {  	s6 =	sld [smem:$0x3FAA]  }
0x2c: {  	s7 =	sld [smem:$0x3FAB]  }
0x2d: {  	s3 =	simm.s32 $0x108;
	s8 =	sld [smem:$0x3FAC]  }
0x2e: {  	s3 =	simm.s32 @!p0 $0x1082;
	s9 =	sld [smem:$0x3FAD]  }
0x2f: {  	lr =	sadd.s32 s0, s3;
	s0 =	sld [smem:$0x3FA4]  }
0x30: {  	s3 =	sld [smem:$0x3FA7]  }
0x31: {  	[smem:$0x3FB0] =	sst s10  }
0x32: {  	s10 =	sld [smem:$0x3FAE];
	_ =	sdelay $0x3  }
0x33: {  	p0 =	seq.s32 s10, $0x1;
	s10 =	sld [smem:$0x3FB0];
	_ =	sdelay $0x3  }
0x34: {  	[smem:$0x3FB0] =	sst s10  }
0x35: {  	s10 =	sld [smem:$0x3FAF];
	_ =	sdelay $0x3  }
0x36: {  	p1 =	seq.s32 s10, $0x1;
	s10 =	sld [smem:$0x3FB0];
	_ =	sdelay $0x3  }
0x37: {  	[smem:$0x3FB0] =	sst s10  }
0x38: {  	s10 =	sld [smem:$0x3FB1]  }
0x39: {  	_ = 	snop;
	(pc) =	sbr.ind lr, $3  }
0x3a: {  	_ = 	snop  }
0x3b: {  	_ = 	snop  }
0x3c: {  	p2 =	seq.s32 s10, $0x1;
	s10 =	sld [smem:$0x3FB0]  }
0x3d: {  	_ =	shalt  }
0x3e: {  	_ =	shalt  }
0x3f: {  	_ =	shalt  }
0x40: {  	_ =	shalt  }
0x41: {  	_ =	shalt  }
0x42: {  	_ =	shalt  }
0x43: {  	_ =	shalt  }
0x44: {  	_ =	shalt  }
0x45: {  	_ =	shalt  }
0x46: {  	_ =	shalt  }
0x47: {  	_ =	shalt  }
0x48: {  	_ =	shalt  }
0x49: {  	_ =	shalt  }
0x4a: {  	_ =	shalt  }
0x4b: {  	_ =	shalt  }
0x4c: {  	_ =	shalt  }
0x4d: {  	_ =	shalt  }
0x4e: {  	_ =	shalt  }
0x4f: {  	_ =	shalt  }
0x50: {  	_ =	shalt  }
0x51: {  	_ =	shalt  }
0x52: {  	_ =	shalt  }
0x53: {  	_ =	shalt  }
0x54: {  	_ =	shalt  }
0x55: {  	_ =	shalt  }
0x56: {  	_ =	shalt  }
0x57: {  	_ =	shalt  }
0x58: {  	_ =	shalt  }
0x59: {  	_ =	shalt  }
0x5a: {  	_ =	shalt  }
0x5b: {  	_ =	shalt  }
0x5c: {  	_ =	shalt  }
0x5d: {  	_ =	shalt  }
0x5e: {  	_ =	shalt  }
0x5f: {  	_ =	shalt  }
0x60: {  	_ =	shalt  }
0x61: {  	_ =	shalt  }
0x62: {  	_ =	shalt  }
0x63: {  	_ =	shalt  }
0x64: {  	_ =	shalt  }
0x65: {  	_ =	shalt  }
0x66: {  	_ =	shalt  }
0x67: {  	_ =	shalt  }
0x68: {  	_ =	shalt  }
0x69: {  	_ =	shalt  }
0x6a: {  	_ =	shalt  }
0x6b: {  	_ =	shalt  }
0x6c: {  	_ =	shalt  }
0x6d: {  	_ =	shalt  }
0x6e: {  	_ =	shalt  }
0x6f: {  	_ =	shalt  }
0x70: {  	_ =	shalt  }
0x71: {  	_ =	shalt  }
0x72: {  	_ =	shalt  }
0x73: {  	_ =	shalt  }
0x74: {  	_ =	shalt  }
0x75: {  	_ =	shalt  }
0x76: {  	_ =	shalt  }
0x77: {  	_ =	shalt  }
0x78: {  	_ =	shalt  }
0x79: {  	_ =	shalt  }
0x7a: {  	_ =	shalt  }
0x7b: {  	_ =	shalt  }
0x7c: {  	_ =	shalt  }
0x7d: {  	_ =	shalt  }
0x7e: {  	_ =	shalt  }
0x7f: {  	_ =	shalt  }
0x80: {  	_ =	shalt  }
0x81: {  	_ =	shalt  }
0x82: {  	_ =	shalt  }
0x83: {  	_ =	shalt  }
0x84: {  	_ =	shalt  }
0x85: {  	_ =	shalt  }
0x86: {  	_ =	shalt  }
0x87: {  	_ =	shalt  }
.Lfunc_end0:
.L_simem_size_0:
called_computation.2_lowered:
.L_overlay_start_0:
0x88: {  	s2 =	sld [smem:$0x3FD9]  }
0x89: {  	s3 =	sld [smem:$0x3FFE];
	_ =	sdelay $0x1  }
0x8a: {  	s1 =	srdreg.scid  }
0x8b: {  	s0 =	sand.u32 $0x1, s1  }
0x8c: {  	s16 =	sshll.u32 s0, $0xA;
	s2 =	sadd.s32 s3, s2  }
0x8d: {  	s2 =	sadd.s32 s2, s16  }
0x8e: {  	[smem:$0x3FBC] =	sst s2  }
0x8f: {  	_ = 	snop  }
0x90: {  	(tm) =	ssettm $0x1  }
0x91: {  	s17 =	sld [smem:$0x3FFB];
	_ =	sdelay $0x3  }
0x92: {  	_ =	strace s17  }
0x93: {  	s2 =	sld [smem:$0x3FFC];
	_ =	sdelay $0x3  }
0x94: {  	_ =	strace s2  }
0x95: {  	s2 =	sld [smem:$0x3FFD];
	_ =	sdelay $0x3  }
0x96: {  	_ =	strace s2  }
0x97: {  	_ =	strace $0x8FFFFFFF  }
0x98: {  	s18 =	sld [smem:$0x3FDB];
	_ =	sdelay $0x1  }
0x99: {  	s19 =	simm.s32 $_scs_section_size  }
0x9a: {  	s4 =	simm.s32 $_size__tile_overlayer_lowered;
	s5 =	simm.s32 $_tile_overlayer_lowered  }
0x9b: {  	s22 =	simm.s32 $0x1BFF;
	s21 =	sshll.u32 s5, $0x1;
	s2 =	sadd.s32 s19, s18  }
0x9c: {  	s6 =	simm.s32 $0x0;
	s20 =	sshll.u32 s4, $0x1;
	s4 =	sadd.s32 s21, s2  }
0x9d: {  	[timem:s6], [sflag:s22] =	dma.local [hbm:s4], s20  }
0x9e: {  	_ =	swait.ge [sflag:s22], s20  }
0x9f: {  	s3 =	ssub.s32 $0x0, s20;
	[sflag:s22] =	ssyncset.done $0x0  }
0xa0: {  	[sflag:s22] =	ssyncadd.s32 s3;
	_ =	sdelay $0x1  }
0xa1: {  	s23 =	simm.s32 $0x1B8B  }
0xa2: {  	_ =	swait.ge [sflag:s23], $0x1  }
0xa3: {  	[sflag:s23] =	ssyncset.done $0x0  }
0xa4: {  	s25 =	simm.s32 $0x1B8E;
	s24 =	sld [smem:$0x3FFE];
	[sflag:s23] =	ssyncadd.s32 $0xFFFFFFFF  }
0xa5: {  	s26 =	simm.s32 $execute0_lowered;
	[smem:$0x3FD2] =	sst s25  }
0xa6: {  	s4 =	sshll.u32 s26, $0x1;
	_ =	strace $0x8000004C;
	[dreg:$0x1] =	wrdreg $0xFFFFFFFF  }
0xa7: {  	s28 =	simm.s32 $_size_execute0_lowered;
	s2 =	sadd.s32 s2, s4;
	[dreg:$0x0] =	wrdreg $0x0  }
0xa8: {  	s4 =	sshll.u32 s28, $0x1;
	[dreg:$0x2] =	wrdreg s2  }
0xa9: {  	[dreg:$0x3] =	wrdreg s4  }
0xaa: {  	[dreg:$0x4] =	wrdreg $0xC0  }
0xab: {  	_ =	task [dreg:s6], $0x5FFFF  }
0xac: {  	[dreg:$0x1] =	wrdreg $0xFFFFFFFF  }
0xad: {  	[dreg:$0x0] =	wrdreg $0x60  }
0xae: {  	[dreg:$0x2] =	wrdreg s24  }
0xaf: {  	[dreg:$0x3] =	wrdreg $0xA8000  }
0xb0: {  	[dreg:$0x4] =	wrdreg $0x9  }
0xb1: {  	_ =	task.clear_ibuf [dreg:s6], $0x5FFFF;
	_ =	strace $0x9000004C  }
0xb2: {  	s29 =	simm.s32 $0x9;
	_ =	strace $0x8000004E  }
0xb3: {  	_ =	swait.ge [sflag:s29], $0x1  }
0xb4: {  	[sflag:s29] =	ssyncadd.s32 $0xFFFFFFFF  }
0xb5: {  	_ =	strace $0x9000004E  }
0xb6: {  	_ =	sfence  }
0xb7: {  	s30 =	sld [smem:$0x0];
	_ =	sdelay $0x2  }
0xb8: {  	s31 =	sshll.u32 s1, $0xD;
	s1 =	sshrl.u32 s1, $0x2  }
0xb9: {  	s3 =	sand.u32 $0x4000, s31;
	s1 =	sadd.s32 s1, s30  }
0xba: {  	s0 =	sor.u32 s3, s0;
	s1 =	sshll.u32 s1, $0x11  }
0xbb: {  	s0 =	sor.u32 s1, s0  }
0xbc: {  	s0 =	sadd.s32 $0x8F2B, s0  }
0xbd: {  	[sflag:s0] =	ssyncadd.remote.s32 $0x1  }
0xbe: {  	_ =	sfence.sel $0xFFFF  }
0xbf: {  	[dreg:$0x0] =	wrdreg $0xFFFFFFFF;
	(pc) =	sbr.abs _section_cstart, $3  }
0xc0: {  	[dreg:$0x1] =	wrdreg $0xFFFFFFFF  }
0xc1: {  	_ =	task.clear_ibuf [dreg:s6], $0x2FFFF;
	_ =	strace $0x9FFFFFFF  }
0xc2: {  	(tm) =	ssettm $0x7FFFFFFF  }
0xc3: {  	_ =	shalt  }
tec
execute0_lowered:
.L_overlay_start_1:
0x0: {  	(tag) =	ssettag $0x1  }
0x1: {  	s0 =	rddreg [dreg:$0x0]  }
0x2: {  	s1 =	srdreg.scid;
	s12 =	stileid.u32  }
0x3: {  	s2 =	rddreg [dreg:$0x1];
	s3 =	simm.s32 $0x0;
	s20 =	smul.u32 $0x50000, s12  }
0x4: {  	s30 =	simm.s32 $0x2800;
	s31 =	simm.s32 $0x3;
	s26 =	smul.u32 $0x280, s12  }
0x5: {  	s1 =	sand.u32 $0x1, s1;
	s6 =	sadd.s32 $0x1470400, s0;
	s16 =	smul.u32 $0x2800, s12  }
0x6: {  	s4 =	sshll.u32 s12, $0x1;
	s7 =	sadd.s32 $0xA66200, s0;
	s21 =	smul.u32 $0x28000, s1  }
0x7: {  	s4 =	sor.u32 s1, s4;
	s10 =	ssub.s32 $0x2, s1;
	s1 =	smul.u32 $0xA0000, s1  }
0x8: {  	[smem:$0x7FF] =	sst s3;
	s9 =	sadd.s32 $0xCE6200, s0;
	s5 =	smul.u32 $0x500, s4  }
0x9: {  	_ =	strace $0x8000004D;
	s11 =	sshrl.u32 s10, $0x1;
	s4 =	smul.u32 $0x14000, s4  }
0xa: {  	[dreg:$0x3] =	wrdreg s9;
	s22 =	ssub.s32 s10, s11;
	s10 =	smul.u32 $0x140000, s12  }
0xb: {  	s11 =	sadd.s32 $0x80, s26;
	s8 =	sadd.s32 s5, s0;
	s5 =	sshrl.u32 s20, $0x2  }
0xc: {  	s0 =	sadd.s32 s21, s0;
	s23 =	sadd.s32 s6, s4;
	s24 =	sor.u32 $0x800, s4  }
0xd: {  	s4 =	sadd.s32 s7, s4;
	s9 =	smax.u32 s22, $0x1;
	s17 =	sshll.u32 s11, $0x4  }
0xe: {  	s22 =	sshll.u32 s11, $0x7;
	s5 =	sadd.s32 s5, s2;
	[dreg:$0x5] =	wrdreg s23  }
0xf: {  	s8 =	sadd.s32 $0x1466400, s8;
	s25 =	sadd.s32 s6, s24;
	[dreg:$0x7] =	wrdreg s4  }
0x10: {  	s0 =	sadd.s32 $0xCE6A00, s0;
	[dreg:$0x9] =	wrdreg s9;
	s23 =	sadd.s32 $0x100, s26  }
0x11: {  	s1 =	sadd.s32 s1, s10;
	s4 =	sadd.s32 $0x200, s26;
	[dreg:$0x4] =	wrdreg s8  }
0x12: {  	s22 =	sadd.s32 s22, s2;
	[dreg:$0x6] =	wrdreg s25;
	s8 =	sadd.s32 s7, s24  }
0x13: {  	s18 =	sshll.u32 s23, $0x4;
	s24 =	sadd.s32 $0x180, s26;
	s20 =	sor.u32 $0xC000, s1  }
0x14: {  	s1 =	sor.u32 $0x8000, s1;
	s21 =	sshll.u32 s4, $0x4;
	s16 =	sadd.s32 s16, s0  }
0x15: {  	s17 =	sadd.s32 s17, s0;
	s23 =	sshll.u32 s23, $0x7;
	s26 =	sshll.u32 s4, $0x7  }
0x16: {  	s28 =	sadd.s32 $0xC000, s5;
	s29 =	sadd.s32 $0x10000, s5;
	s4 =	simm.s32 $0x80  }
0x17: {  	[dreg:$0x8] =	wrdreg s8;
	s19 =	sshll.u32 s24, $0x4;
	s14 =	sshrl.u32 s20, $0x3  }
0x18: {  	s1 =	sshrl.u32 s1, $0x3;
	s18 =	sadd.s32 s18, s0;
	s20 =	sadd.s32 s21, s0  }
0x19: {  	s21 =	sadd.s32 $0x4000, s5;
	s25 =	sshll.u32 s24, $0x7;
	s23 =	sadd.s32 s23, s2  }
0x1a: {  	s12 =	sadd.s32 s14, s6;
	s13 =	sadd.s32 s1, s6;
	s14 =	sadd.s32 s14, s7  }
0x1b: {  	s15 =	sadd.s32 s1, s7;
	s19 =	sadd.s32 s19, s0;
	s24 =	sadd.s32 s25, s2  }
0x1c: {  	s25 =	sadd.s32 s26, s2;
	s26 =	sadd.s32 $0x8000, s5;
	s1 =	simm.s32 $0x6800  }
0x1d: {  	s0 =	simm.s32 $0x1;
	s6 =	simm.s32 $0x2;
	s7 =	simm.s32 $0x0  }
.LBB2_1:
0x1e: {  	s8 =	rddreg [dreg:$0x3]  }
0x1f: {  	[tilespmem:s30], [sflag:$0x3] =	stream.linear.gather [hbm4b:s8+s3], $0x4000, $0x38;
	[tilespmem:$0x1E800] =	vst v63  }
0x20: {  	_ =	swait.ge [sflag:s31], $0x4000  }
0x21: {  	[sflag:s31] =	ssyncset.done $0x0  }
0x22: {  	[sflag:s31] =	ssyncadd.s32 $0xFFFFC000  }
0x23: {  	[spmem:s5] =	stream.linear.scatter [tilespmem:s30], [sflag:$0x3], $0x4000, $0x38;
	[tilespmem:$0x1E800] =	vst v63  }
0x24: {  	_ =	swait.ge [sflag:s31], $0x4000  }
0x25: {  	[sflag:s31] =	ssyncset.done $0x0  }
0x26: {  	[sflag:s31] =	ssyncadd.s32 $0xFFFFC000  }
0x27: {  	[spmem:s21] =	stream.linear.scatter [tilespmem:s30], [sflag:$0x3], $0x4000, $0x38;
	[tilespmem:$0x1E800] =	vst v63  }
0x28: {  	_ =	swait.ge [sflag:s31], $0x4000  }
0x29: {  	[sflag:s31] =	ssyncset.done $0x0  }
0x2a: {  	[sflag:s31] =	ssyncadd.s32 $0xFFFFC000  }
0x2b: {  	[spmem:s26] =	stream.linear.scatter [tilespmem:s30], [sflag:$0x3], $0x4000, $0x38;
	[tilespmem:$0x1E800] =	vst v63  }
0x2c: {  	_ =	swait.ge [sflag:s31], $0x4000  }
0x2d: {  	[sflag:s31] =	ssyncset.done $0x0  }
0x2e: {  	[sflag:s31] =	ssyncadd.s32 $0xFFFFC000  }
0x2f: {  	[spmem:s28] =	stream.linear.scatter [tilespmem:s30], [sflag:$0x3], $0x4000, $0x38;
	[tilespmem:$0x1E800] =	vst v63  }
0x30: {  	_ =	swait.ge [sflag:s31], $0x4000  }
0x31: {  	[sflag:s31] =	ssyncset.done $0x0  }
0x32: {  	[sflag:s31] =	ssyncadd.s32 $0xFFFFC000  }
0x33: {  	[spmem:s29] =	stream.linear.scatter [tilespmem:s30], [sflag:$0x3], $0x4000, $0x38;
	[tilespmem:$0x1E800] =	vst v63  }
0x34: {  	_ =	swait.ge [sflag:s31], $0x4000  }
0x35: {  	[sflag:s31] =	ssyncset.done $0x0  }
0x36: {  	[sflag:s31] =	ssyncadd.s32 $0xFFFFC000  }
0x37: {  	[bflag:$0x0] =	sbarrier.arrive $0xFFFF  }
0x38: {  	s10 =	rddreg [dreg:$0x4]  }
0x39: {  	[tilespmem:s3], [sflag:$0x3] =	stream.linear.gather [hbm4b:s10+s3], $0x2800, $0x38;
	[tilespmem:$0x1E800] =	vst v63  }
0x3a: {  	_ =	swait.ge [sflag:s31], $0x2800  }
0x3b: {  	[sflag:s31] =	ssyncset.done $0x0  }
0x3c: {  	s11 =	rddreg [dreg:$0x5];
	[sflag:s31] =	ssyncadd.s32 $0xFFFFD800  }
0x3d: {  	[tilespmem:s30], [sflag:$0x1] =	stream.linear.gather [hbm4b:s11+s3], $0x4000, $0x38;
	[tilespmem:$0x1E800] =	vst v63  }
0x3e: {  	s9 =	rddreg [dreg:$0x6]  }
0x3f: {  	[tilespmem:s1], [sflag:$0x2] =	stream.linear.gather [hbm4b:s9+s3], $0x4000, $0x38;
	[tilespmem:$0x1E800] =	vst v63  }
0x40: {  	_ =	swait.ge [sflag:s0], $0x4000  }
0x41: {  	[sflag:s0] =	ssyncset.done $0x0  }
0x42: {  	s10 =	simm.s32 $0x0;
	[sflag:s0] =	ssyncadd.s32 $0xFFFFC000  }
0x43: {  	[spmem:s2] =	stream.indirect.scatter.add.f32 [tilespmem:s30], [sflag:$0x3], $0x80, s10, s4, $0xb8;
	[tilespmem:$0x1E800] =	vst v63  }
0x44: {  	_ =	swait.ge [sflag:s31], $0x4000  }
0x45: {  	[sflag:s31] =	ssyncset.done $0x0  }
0x46: {  	s11 =	sadd.s32 $0x0, s13;
	[sflag:s31] =	ssyncadd.s32 $0xFFFFC000  }
0x47: {  	[tilespmem:s30], [sflag:$0x1] =	stream.linear.gather [hbm4b:s11+s3], $0x4000, $0x38;
	[tilespmem:$0x1E800] =	vst v63  }
0x48: {  	_ =	swait.ge [sflag:s6], $0x4000  }
0x49: {  	[sflag:s6] =	ssyncset.done $0x0  }
0x4a: {  	[sflag:s6] =	ssyncadd.s32 $0xFFFFC000  }
0x4b: {  	[spmem:s2] =	stream.indirect.scatter.add.f32 [tilespmem:s1], [sflag:$0x3], $0x80, s4, s4, $0xb8;
	[tilespmem:$0x1E800] =	vst v63  }
0x4c: {  	_ =	swait.ge [sflag:s31], $0x4000  }
0x4d: {  	s8 =	simm.s32 $0x1000;
	[sflag:s31] =	ssyncset.done $0x0  }
0x4e: {  	s9 =	simm.s32 $0x180;
	s10 =	sadd.s32 $0x0, s12;
	[sflag:s31] =	ssyncadd.s32 $0xFFFFC000  }
.LBB2_2:
0x4f: {  	[tilespmem:s1], [sflag:$0x2] =	stream.linear.gather [hbm4b:s10+s3], $0x4000, $0x38;
	[tilespmem:$0x1E800] =	vst v63  }
0x50: {  	s10 =	smov.u32 s8  }
0x51: {  	p0 =	sne.s32 s8, $0x12000;
	s8 =	sadd.s32 $0x1000, s8;
	_ =	swait.ge [sflag:s0], $0x4000  }
0x52: {  	[sflag:s0] =	ssyncset.done $0x0  }
0x53: {  	s11 =	sadd.s32 $0xFFFFFF80, s9;
	[sflag:s0] =	ssyncadd.s32 $0xFFFFC000  }
0x54: {  	[spmem:s2] =	stream.indirect.scatter.add.f32 [tilespmem:s30], [sflag:$0x3], $0x80, s11, s4, $0xb8;
	[tilespmem:$0x1E800] =	vst v63  }
0x55: {  	_ =	swait.ge [sflag:s31], $0x4000  }
0x56: {  	[sflag:s31] =	ssyncset.done $0x0  }
0x57: {  	s11 =	sadd.s32 s10, s13;
	[sflag:s31] =	ssyncadd.s32 $0xFFFFC000  }
0x58: {  	[tilespmem:s30], [sflag:$0x1] =	stream.linear.gather [hbm4b:s11+s3], $0x4000, $0x38;
	[tilespmem:$0x1E800] =	vst v63  }
0x59: {  	_ =	swait.ge [sflag:s6], $0x4000  }
0x5a: {  	[sflag:s6] =	ssyncset.done $0x0  }
.Ltmp0:
0x5b: {  	[sflag:s6] =	ssyncadd.s32 $0xFFFFC000;
	(pc) =	sbr.rel @p0 .LBB2_2-.Ltmp0, $4  }
0x5c: {  	[spmem:s2] =	stream.indirect.scatter.add.f32 [tilespmem:s1], [sflag:$0x3], $0x80, s9, s4, $0xb8;
	[tilespmem:$0x1E800] =	vst v63  }
0x5d: {  	_ =	swait.ge [sflag:s31], $0x4000  }
0x5e: {  	[sflag:s31] =	ssyncset.done $0x0  }
0x5f: {  	s10 =	sadd.s32 s10, s12;
	s9 =	sadd.s32 $0x100, s9;
	[sflag:s31] =	ssyncadd.s32 $0xFFFFC000  }
0x60: {  	[tilespmem:s1], [sflag:$0x2] =	stream.linear.gather [hbm4b:s10+s3], $0x4000, $0x38;
	[tilespmem:$0x1E800] =	vst v63  }
0x61: {  	_ =	swait.ge [sflag:s0], $0x4000  }
0x62: {  	[sflag:s0] =	ssyncset.done $0x0  }
0x63: {  	s8 =	simm.s32 $0x1300;
	[sflag:s0] =	ssyncadd.s32 $0xFFFFC000  }
0x64: {  	[spmem:s2] =	stream.indirect.scatter.add.f32 [tilespmem:s30], [sflag:$0x3], $0x80, s8, s4, $0xb8;
	[tilespmem:$0x1E800] =	vst v63  }
0x65: {  	_ =	swait.ge [sflag:s31], $0x4000  }
0x66: {  	[sflag:s31] =	ssyncset.done $0x0  }
0x67: {  	[sflag:s31] =	ssyncadd.s32 $0xFFFFC000  }
0x68: {  	_ =	swait.ge [sflag:s6], $0x4000  }
0x69: {  	[sflag:s6] =	ssyncset.done $0x0  }
0x6a: {  	s9 =	simm.s32 $0x1380;
	[sflag:s6] =	ssyncadd.s32 $0xFFFFC000  }
0x6b: {  	[spmem:s2] =	stream.indirect.scatter.add.f32 [tilespmem:s1], [sflag:$0x3], $0x80, s9, s4, $0xb8;
	[tilespmem:$0x1E800] =	vst v63  }
0x6c: {  	_ =	swait.ge [sflag:s31], $0x4000  }
0x6d: {  	[sflag:s31] =	ssyncset.done $0x0  }
0x6e: {  	s10 =	simm.s32 $0x0;
	s9 =	rddreg [dreg:$0x7];
	[sflag:s31] =	ssyncadd.s32 $0xFFFFC000  }
0x6f: {  	[tilespmem:s30], [sflag:$0x1] =	stream.linear.gather [hbm4b:s9+s10], $0x4000, $0x38;
	[tilespmem:$0x1E800] =	vst v63  }
0x70: {  	s11 =	rddreg [dreg:$0x8]  }
0x71: {  	[tilespmem:s1], [sflag:$0x2] =	stream.linear.gather [hbm4b:s11+s10], $0x4000, $0x38;
	[tilespmem:$0x1E800] =	vst v63  }
0x72: {  	_ =	swait.ge [sflag:s0], $0x4000  }
0x73: {  	[sflag:s0] =	ssyncset.done $0x0  }
0x74: {  	s9 =	simm.s32 $0x1400;
	[sflag:s0] =	ssyncadd.s32 $0xFFFFC000  }
0x75: {  	[spmem:s2] =	stream.indirect.scatter.add.f32 [tilespmem:s30], [sflag:$0x3], $0x80, s9, s4, $0xb8;
	[tilespmem:$0x1E800] =	vst v63  }
0x76: {  	_ =	swait.ge [sflag:s31], $0x4000  }
0x77: {  	[sflag:s31] =	ssyncset.done $0x0  }
0x78: {  	s10 =	sadd.s32 $0x0, s15;
	[sflag:s31] =	ssyncadd.s32 $0xFFFFC000  }
0x79: {  	[tilespmem:s30], [sflag:$0x1] =	stream.linear.gather [hbm4b:s10+s3], $0x4000, $0x38;
	[tilespmem:$0x1E800] =	vst v63  }
0x7a: {  	_ =	swait.ge [sflag:s6], $0x4000  }
0x7b: {  	[sflag:s6] =	ssyncset.done $0x0  }
0x7c: {  	s11 =	simm.s32 $0x1480;
	[sflag:s6] =	ssyncadd.s32 $0xFFFFC000  }
0x7d: {  	[spmem:s2] =	stream.indirect.scatter.add.f32 [tilespmem:s1], [sflag:$0x3], $0x80, s11, s4, $0xb8;
	[tilespmem:$0x1E800] =	vst v63  }
0x7e: {  	_ =	swait.ge [sflag:s31], $0x4000  }
0x7f: {  	s8 =	simm.s32 $0x1000;
	[sflag:s31] =	ssyncset.done $0x0  }
0x80: {  	s9 =	simm.s32 $0x1580;
	s10 =	sadd.s32 $0x0, s14;
	[sflag:s31] =	ssyncadd.s32 $0xFFFFC000  }
.LBB2_4:
0x81: {  	[tilespmem:s1], [sflag:$0x2] =	stream.linear.gather [hbm4b:s10+s3], $0x4000, $0x38;
	[tilespmem:$0x1E800] =	vst v63  }
0x82: {  	s10 =	smov.u32 s8  }
0x83: {  	p0 =	sne.s32 s8, $0x12000;
	s8 =	sadd.s32 $0x1000, s8;
	_ =	swait.ge [sflag:s0], $0x4000  }
0x84: {  	[sflag:s0] =	ssyncset.done $0x0  }
0x85: {  	s11 =	sadd.s32 $0xFFFFFF80, s9;
	[sflag:s0] =	ssyncadd.s32 $0xFFFFC000  }
0x86: {  	[spmem:s2] =	stream.indirect.scatter.add.f32 [tilespmem:s30], [sflag:$0x3], $0x80, s11, s4, $0xb8;
	[tilespmem:$0x1E800] =	vst v63  }
0x87: {  	_ =	swait.ge [sflag:s31], $0x4000  }
0x88: {  	[sflag:s31] =	ssyncset.done $0x0  }
0x89: {  	s11 =	sadd.s32 s10, s15;
	[sflag:s31] =	ssyncadd.s32 $0xFFFFC000  }
0x8a: {  	[tilespmem:s30], [sflag:$0x1] =	stream.linear.gather [hbm4b:s11+s3], $0x4000, $0x38;
	[tilespmem:$0x1E800] =	vst v63  }
0x8b: {  	_ =	swait.ge [sflag:s6], $0x4000  }
0x8c: {  	[sflag:s6] =	ssyncset.done $0x0  }
.Ltmp1:
0x8d: {  	[sflag:s6] =	ssyncadd.s32 $0xFFFFC000;
	(pc) =	sbr.rel @p0 .LBB2_4-.Ltmp1, $4  }
0x8e: {  	[spmem:s2] =	stream.indirect.scatter.add.f32 [tilespmem:s1], [sflag:$0x3], $0x80, s9, s4, $0xb8;
	[tilespmem:$0x1E800] =	vst v63  }
0x8f: {  	_ =	swait.ge [sflag:s31], $0x4000  }
0x90: {  	[sflag:s31] =	ssyncset.done $0x0  }
0x91: {  	s10 =	sadd.s32 s10, s14;
	s9 =	sadd.s32 $0x100, s9;
	[sflag:s31] =	ssyncadd.s32 $0xFFFFC000  }
0x92: {  	[tilespmem:s1], [sflag:$0x2] =	stream.linear.gather [hbm4b:s10+s3], $0x4000, $0x38;
	[tilespmem:$0x1E800] =	vst v63  }
0x93: {  	_ =	swait.ge [sflag:s0], $0x4000  }
0x94: {  	[sflag:s0] =	ssyncset.done $0x0  }
0x95: {  	s8 =	simm.s32 $0x2700;
	[sflag:s0] =	ssyncadd.s32 $0xFFFFC000  }
0x96: {  	[spmem:s2] =	stream.indirect.scatter.add.f32 [tilespmem:s30], [sflag:$0x3], $0x80, s8, s4, $0xb8;
	[tilespmem:$0x1E800] =	vst v63  }
0x97: {  	_ =	swait.ge [sflag:s31], $0x4000  }
0x98: {  	[sflag:s31] =	ssyncset.done $0x0  }
0x99: {  	[sflag:s31] =	ssyncadd.s32 $0xFFFFC000  }
0x9a: {  	_ =	swait.ge [sflag:s6], $0x4000  }
0x9b: {  	[sflag:s6] =	ssyncset.done $0x0  }
0x9c: {  	s10 =	simm.s32 $0x2780;
	[sflag:s6] =	ssyncadd.s32 $0xFFFFC000  }
0x9d: {  	[spmem:s2] =	stream.indirect.scatter.add.f32 [tilespmem:s1], [sflag:$0x3], $0x80, s10, s4, $0xb8;
	[tilespmem:$0x1E800] =	vst v63  }
0x9e: {  	_ =	swait.ge [sflag:s31], $0x4000  }
0x9f: {  	[sflag:s31] =	ssyncset.done $0x0  }
0xa0: {  	[sflag:s31] =	ssyncadd.s32 $0xFFFFC000  }
0xa1: {  	[bflag:$0x0] =	sbarrier.arrive $0xFFFF  }
0xa2: {  	[tilespmem:s30], [sflag:$0x3] =	stream.linear.gather [spmem:s5], $0x4000, $0x38;
	[tilespmem:$0x1E800] =	vst v63  }
0xa3: {  	_ =	swait.ge [sflag:s31], $0x4000  }
0xa4: {  	[sflag:s31] =	ssyncset.done $0x0  }
0xa5: {  	[sflag:s31] =	ssyncadd.s32 $0xFFFFC000  }
0xa6: {  	[hbm4b:s16+s3] =	stream.linear.scatter [tilespmem:s30], [sflag:$0x3], $0x4000, $0x38;
	[tilespmem:$0x1E800] =	vst v63  }
0xa7: {  	_ =	swait.ge [sflag:s31], $0x4000  }
0xa8: {  	[sflag:s31] =	ssyncset.done $0x0  }
0xa9: {  	[sflag:s31] =	ssyncadd.s32 $0xFFFFC000  }
0xaa: {  	[tilespmem:s30], [sflag:$0x3] =	stream.linear.gather [spmem:s22], $0x4000, $0x38;
	[tilespmem:$0x1E800] =	vst v63  }
0xab: {  	_ =	swait.ge [sflag:s31], $0x4000  }
0xac: {  	[sflag:s31] =	ssyncset.done $0x0  }
0xad: {  	[sflag:s31] =	ssyncadd.s32 $0xFFFFC000  }
0xae: {  	[hbm4b:s17+s3] =	stream.linear.scatter [tilespmem:s30], [sflag:$0x3], $0x4000, $0x38;
	[tilespmem:$0x1E800] =	vst v63  }
0xaf: {  	_ =	swait.ge [sflag:s31], $0x4000  }
0xb0: {  	[sflag:s31] =	ssyncset.done $0x0  }
0xb1: {  	[sflag:s31] =	ssyncadd.s32 $0xFFFFC000  }
0xb2: {  	[tilespmem:s30], [sflag:$0x3] =	stream.linear.gather [spmem:s23], $0x4000, $0x38;
	[tilespmem:$0x1E800] =	vst v63  }
0xb3: {  	_ =	swait.ge [sflag:s31], $0x4000  }
0xb4: {  	[sflag:s31] =	ssyncset.done $0x0  }
0xb5: {  	[sflag:s31] =	ssyncadd.s32 $0xFFFFC000  }
0xb6: {  	[hbm4b:s18+s3] =	stream.linear.scatter [tilespmem:s30], [sflag:$0x3], $0x4000, $0x38;
	[tilespmem:$0x1E800] =	vst v63  }
0xb7: {  	_ =	swait.ge [sflag:s31], $0x4000  }
0xb8: {  	[sflag:s31] =	ssyncset.done $0x0  }
0xb9: {  	[sflag:s31] =	ssyncadd.s32 $0xFFFFC000  }
0xba: {  	[tilespmem:s30], [sflag:$0x3] =	stream.linear.gather [spmem:s24], $0x4000, $0x38;
	[tilespmem:$0x1E800] =	vst v63  }
0xbb: {  	_ =	swait.ge [sflag:s31], $0x4000  }
0xbc: {  	[sflag:s31] =	ssyncset.done $0x0  }
0xbd: {  	[sflag:s31] =	ssyncadd.s32 $0xFFFFC000  }
0xbe: {  	[hbm4b:s19+s3] =	stream.linear.scatter [tilespmem:s30], [sflag:$0x3], $0x4000, $0x38;
	[tilespmem:$0x1E800] =	vst v63  }
0xbf: {  	_ =	swait.ge [sflag:s31], $0x4000  }
0xc0: {  	[sflag:s31] =	ssyncset.done $0x0  }
0xc1: {  	[sflag:s31] =	ssyncadd.s32 $0xFFFFC000  }
0xc2: {  	[tilespmem:s30], [sflag:$0x3] =	stream.linear.gather [spmem:s25], $0x4000, $0x38;
	[tilespmem:$0x1E800] =	vst v63  }
0xc3: {  	_ =	swait.ge [sflag:s31], $0x4000  }
0xc4: {  	[sflag:s31] =	ssyncset.done $0x0  }
0xc5: {  	[sflag:s31] =	ssyncadd.s32 $0xFFFFC000  }
0xc6: {  	[hbm4b:s20+s3] =	stream.linear.scatter [tilespmem:s30], [sflag:$0x3], $0x4000, $0x38;
	[tilespmem:$0x1E800] =	vst v63  }
0xc7: {  	_ =	swait.ge [sflag:s31], $0x4000  }
0xc8: {  	s7 =	sadd.s32 $0x1, s7;
	s11 =	rddreg [dreg:$0x9]  }
0xc9: {  	p0 =	sne.s32 s7, s11  }
.Ltmp2:
0xca: {  	_ = 	snop;
	(pc) =	sbr.rel @p0 .LBB2_1-.Ltmp2, $3  }
0xcb: {  	_ =	sdelay $0x1  }
0xcc: {  	[sflag:s31] =	ssyncset.done $0x0  }
0xcd: {  	[sflag:s31] =	ssyncadd.s32 $0xFFFFC000  }
0xce: {  	_ =	sfence.sel $0x180000  }
0xcf: {  	[bflag:$0x0] =	sbarrier.arrive $0xFFFF  }
0xd0: {  	_ =	strace $0x9000004D  }
0xd1: {  	s0 =	stileid.u32;
	[bflag:$0x2] =	sbarrier.arrive $0xFFFF  }
0xd2: {  	p0 =	sne.s32 s0, $0x0;
	s0 =	rddreg [dreg:$0x2]  }
0xd3: {  	s0 =	sadd.s32 @!p0 $0x100000, s0  }
0xd4: {  	[sflag:s0] =	ssyncadd.tile.s32 @!p0 $0x1;
	_ =	shalt  }
.Lfunc_end2:
_tile_overlayer_lowered:
.L_overlay_start_2:
0xd5: {  	(tag) =	ssettag $0x2  }
0xd6: {  	s0 =	rddreg [dreg:$0x0];
	s2 =	stileid.u32  }
0xd7: {  	s1 =	rddreg [dreg:$0x1];
	p0 =	sne.s32 s2, $0x0  }
0xd8: {  	s3 =	rddreg [dreg:$0x2];
	[bflag:$0x3] =	sbarrier.arrive $0xFFFF;
	s2 =	simm.s32 @!p0 $0x1C03  }
0xd9: {  	[timem:s3], [sflag:s2] =	dma.local @!p0 [hbm:s0], s1  }
0xda: {  	s0 =	simm.s32 @!p0 $0x3  }
0xdb: {  	_ =	swait.ge @!p0 [sflag:s0], s1  }
0xdc: {  	s1 =	ssub.s32 @!p0 $0x0, s1;
	[sflag:s0] =	ssyncset.done @!p0 $0x0  }
0xdd: {  	[sflag:s0] =	ssyncadd.s32 @!p0 s1  }
0xde: {  	[bflag:$0x3] =	sbarrier.arrive $0xFFFF  }
0xdf: {  	_ =	shalt  }

// kernel: kernel.9.cloned.1.call-start
scs
__scs_entry_jumppad:
0x0: {  	(pc) =	sbr.rel $0x88, $3  }
0x1: {  	(tag) =	ssettag $0x0;
	lr =	simm.s32 $0x1  }
0x2: {  	[smem:$0x3F95] =	sst lr;
	_ =	strace $0xD0000000  }
0x3: {  	_ = 	snop  }
0x4: {  	_ = 	snop  }
0x5: {  	_ = 	snop  }
0x6: {  	_ = 	snop  }
0x7: {  	_ = 	snop  }
__scs_overlays_trampoline_lowered:
0x8: {  	[smem:$0x3FA4] =	sst s0  }
0x9: {  	[smem:$0x3FA5] =	sst s1  }
0xa: {  	[smem:$0x3FA6] =	sst s2  }
0xb: {  	[smem:$0x3FA7] =	sst s3  }
0xc: {  	[smem:$0x3FA8] =	sst s4  }
0xd: {  	[smem:$0x3FA9] =	sst s5  }
0xe: {  	[smem:$0x3FAA] =	sst s6  }
0xf: {  	[smem:$0x3FAB] =	sst s7  }
0x10: {  	[smem:$0x3FAC] =	sst s8  }
0x11: {  	[smem:$0x3FAD] =	sst s9;
	s0 =	simm.s32 @!p0 $0x0  }
0x12: {  	s1 =	sld [smem:$0x3F93];
	s0 =	simm.s32 @p0 $0x1  }
0x13: {  	[smem:$0x3FAE] =	sst s0;
	s0 =	simm.s32 @!p1 $0x0  }
0x14: {  	s2 =	sld [smem:$0x3F92];
	s0 =	simm.s32 @p1 $0x1  }
0x15: {  	[smem:$0x3FAF] =	sst s0;
	s0 =	simm.s32 @!p2 $0x0  }
0x16: {  	s3 =	sld [smem:$0x3FDB];
	s0 =	simm.s32 @p2 $0x1  }
0x17: {  	s4 =	simm.s32 $0x1BF5;
	[smem:$0x3FB1] =	sst s0  }
0x18: {  	s0 =	sld [smem:$0x3F94];
	_ =	swait.ge [sflag:s4], $0x0  }
0x19: {  	s7 =	sld [smem:$0x3F95]  }
0x1a: {  	s8 =	sadd.s32 $0xFFFFE003, lr  }
0x1b: {  	s9 =	sadd.s32 $0xFFFFFEF7, lr;
	s5 =	simm.s32 $0xFFFFFFFF;
	p2 =	slt.u32 s8, $0xFFFFF086  }
0x1c: {  	p1 =	slt.u32 s9, $0xF7A;
	s5 =	simm.s32 @!p2 $0x0  }
0x1d: {  	s5 =	simm.s32 @p1 $0x1;
	p0 =	seq.s32 s7, s2  }
0x1e: {  	s7 =	smul.u32 @!p0 $0xF7A, s2;
	p2 =	seq.s32 @!p0 s5, $0x0  }
0x1f: {  	s9 =	smul.u32 $0xF7A, s1;
	s8 =	simm.s32 @!p0 $0x1BF5;
	p2 =	por !p2, p0  }
0x20: {  	[sflag:s8] =	ssyncset.s32 @!p0 $0xFFFFF086;
	s6 =	sadd.s32 @!p0 s3, s7;
	s7 =	simm.s32 @!p0 $0x108  }
0x21: {  	s3 =	sadd.s32 s3, s9;
	s6 =	sadd.s32 @!p0 $0x88, s6;
	s7 =	simm.s32 @p2 $0x1082  }
0x22: {  	[simem:s7], [sflag:s8] =	dma.local @!p0 [hbm:s6], $0xF7A  }
0x23: {  	s9 =	sor.u32 $0xD0000000, s2;
	s6 =	simm.s32 $0x108;
	_ =	swait.ge @!p0 [sflag:s8], $0x0  }
0x24: {  	s3 =	sadd.s32 $0x88, s3;
	s6 =	simm.s32 @!p1 $0x1082;
	[sflag:s4] =	ssyncset.s32 $0xFFFFF086  }
0x25: {  	[simem:s6], [sflag:s4] =	dma.local [hbm:s3], $0xF7A  }
0x26: {  	[smem:$0x3F95] =	sst s1;
	(tag) =	ssettag s2;
	_ =	strace s9  }
0x27: {  	s1 =	sld [smem:$0x3FA5]  }
0x28: {  	s2 =	sld [smem:$0x3FA6]  }
0x29: {  	s4 =	sld [smem:$0x3FA8]  }
0x2a: {  	p0 =	seq.s32 s5, $0x0;
	s5 =	sld [smem:$0x3FA9]  }
0x2b: {  	s6 =	sld [smem:$0x3FAA]  }
0x2c: {  	s7 =	sld [smem:$0x3FAB]  }
0x2d: {  	s3 =	simm.s32 $0x108;
	s8 =	sld [smem:$0x3FAC]  }
0x2e: {  	s3 =	simm.s32 @!p0 $0x1082;
	s9 =	sld [smem:$0x3FAD]  }
0x2f: {  	lr =	sadd.s32 s0, s3;
	s0 =	sld [smem:$0x3FA4]  }
0x30: {  	s3 =	sld [smem:$0x3FA7]  }
0x31: {  	[smem:$0x3FB0] =	sst s10  }
0x32: {  	s10 =	sld [smem:$0x3FAE];
	_ =	sdelay $0x3  }
0x33: {  	p0 =	seq.s32 s10, $0x1;
	s10 =	sld [smem:$0x3FB0];
	_ =	sdelay $0x3  }
0x34: {  	[smem:$0x3FB0] =	sst s10  }
0x35: {  	s10 =	sld [smem:$0x3FAF];
	_ =	sdelay $0x3  }
0x36: {  	p1 =	seq.s32 s10, $0x1;
	s10 =	sld [smem:$0x3FB0];
	_ =	sdelay $0x3  }
0x37: {  	[smem:$0x3FB0] =	sst s10  }
0x38: {  	s10 =	sld [smem:$0x3FB1]  }
0x39: {  	_ = 	snop;
	(pc) =	sbr.ind lr, $3  }
0x3a: {  	_ = 	snop  }
0x3b: {  	_ = 	snop  }
0x3c: {  	p2 =	seq.s32 s10, $0x1;
	s10 =	sld [smem:$0x3FB0]  }
0x3d: {  	_ =	shalt  }
0x3e: {  	_ =	shalt  }
0x3f: {  	_ =	shalt  }
0x40: {  	_ =	shalt  }
0x41: {  	_ =	shalt  }
0x42: {  	_ =	shalt  }
0x43: {  	_ =	shalt  }
0x44: {  	_ =	shalt  }
0x45: {  	_ =	shalt  }
0x46: {  	_ =	shalt  }
0x47: {  	_ =	shalt  }
0x48: {  	_ =	shalt  }
0x49: {  	_ =	shalt  }
0x4a: {  	_ =	shalt  }
0x4b: {  	_ =	shalt  }
0x4c: {  	_ =	shalt  }
0x4d: {  	_ =	shalt  }
0x4e: {  	_ =	shalt  }
0x4f: {  	_ =	shalt  }
0x50: {  	_ =	shalt  }
0x51: {  	_ =	shalt  }
0x52: {  	_ =	shalt  }
0x53: {  	_ =	shalt  }
0x54: {  	_ =	shalt  }
0x55: {  	_ =	shalt  }
0x56: {  	_ =	shalt  }
0x57: {  	_ =	shalt  }
0x58: {  	_ =	shalt  }
0x59: {  	_ =	shalt  }
0x5a: {  	_ =	shalt  }
0x5b: {  	_ =	shalt  }
0x5c: {  	_ =	shalt  }
0x5d: {  	_ =	shalt  }
0x5e: {  	_ =	shalt  }
0x5f: {  	_ =	shalt  }
0x60: {  	_ =	shalt  }
0x61: {  	_ =	shalt  }
0x62: {  	_ =	shalt  }
0x63: {  	_ =	shalt  }
0x64: {  	_ =	shalt  }
0x65: {  	_ =	shalt  }
0x66: {  	_ =	shalt  }
0x67: {  	_ =	shalt  }
0x68: {  	_ =	shalt  }
0x69: {  	_ =	shalt  }
0x6a: {  	_ =	shalt  }
0x6b: {  	_ =	shalt  }
0x6c: {  	_ =	shalt  }
0x6d: {  	_ =	shalt  }
0x6e: {  	_ =	shalt  }
0x6f: {  	_ =	shalt  }
0x70: {  	_ =	shalt  }
0x71: {  	_ =	shalt  }
0x72: {  	_ =	shalt  }
0x73: {  	_ =	shalt  }
0x74: {  	_ =	shalt  }
0x75: {  	_ =	shalt  }
0x76: {  	_ =	shalt  }
0x77: {  	_ =	shalt  }
0x78: {  	_ =	shalt  }
0x79: {  	_ =	shalt  }
0x7a: {  	_ =	shalt  }
0x7b: {  	_ =	shalt  }
0x7c: {  	_ =	shalt  }
0x7d: {  	_ =	shalt  }
0x7e: {  	_ =	shalt  }
0x7f: {  	_ =	shalt  }
0x80: {  	_ =	shalt  }
0x81: {  	_ =	shalt  }
0x82: {  	_ =	shalt  }
0x83: {  	_ =	shalt  }
0x84: {  	_ =	shalt  }
0x85: {  	_ =	shalt  }
0x86: {  	_ =	shalt  }
0x87: {  	_ =	shalt  }
.Lfunc_end0:
.L_simem_size_0:
called_computation_lowered:
.L_overlay_start_0:
0x88: {  	s2 =	sld [smem:$0x3FD9]  }
0x89: {  	s3 =	sld [smem:$0x3FFE];
	_ =	sdelay $0x1  }
0x8a: {  	s1 =	srdreg.scid  }
0x8b: {  	s0 =	sand.u32 $0x1, s1  }
0x8c: {  	s16 =	sshll.u32 s0, $0xA;
	s2 =	sadd.s32 s3, s2  }
0x8d: {  	s2 =	sadd.s32 s2, s16  }
0x8e: {  	[smem:$0x3FBC] =	sst s2  }
0x8f: {  	_ = 	snop  }
0x90: {  	(tm) =	ssettm $0x1  }
0x91: {  	s17 =	sld [smem:$0x3FFB];
	_ =	sdelay $0x3  }
0x92: {  	_ =	strace s17  }
0x93: {  	s2 =	sld [smem:$0x3FFC];
	_ =	sdelay $0x3  }
0x94: {  	_ =	strace s2  }
0x95: {  	s2 =	sld [smem:$0x3FFD];
	_ =	sdelay $0x3  }
0x96: {  	_ =	strace s2  }
0x97: {  	_ =	strace $0x8FFFFFFF  }
0x98: {  	s18 =	sld [smem:$0x3FDB];
	_ =	sdelay $0x1  }
0x99: {  	s19 =	simm.s32 $_scs_section_size  }
0x9a: {  	s4 =	simm.s32 $_size__tile_overlayer_lowered;
	s5 =	simm.s32 $_tile_overlayer_lowered  }
0x9b: {  	s22 =	simm.s32 $0x1BFF;
	s21 =	sshll.u32 s5, $0x1;
	s2 =	sadd.s32 s19, s18  }
0x9c: {  	s6 =	simm.s32 $0x0;
	s20 =	sshll.u32 s4, $0x1;
	s4 =	sadd.s32 s21, s2  }
0x9d: {  	[timem:s6], [sflag:s22] =	dma.local [hbm:s4], s20  }
0x9e: {  	_ =	swait.ge [sflag:s22], s20  }
0x9f: {  	s3 =	ssub.s32 $0x0, s20;
	[sflag:s22] =	ssyncset.done $0x0  }
0xa0: {  	[sflag:s22] =	ssyncadd.s32 s3;
	_ =	sdelay $0x1  }
0xa1: {  	s23 =	simm.s32 $0x1B8B  }
0xa2: {  	_ =	swait.ge [sflag:s23], $0x1  }
0xa3: {  	[sflag:s23] =	ssyncset.done $0x0  }
0xa4: {  	s25 =	simm.s32 $0x1B8E;
	s24 =	sld [smem:$0x3FFE];
	[sflag:s23] =	ssyncadd.s32 $0xFFFFFFFF  }
0xa5: {  	s26 =	simm.s32 $execute0_lowered;
	[smem:$0x3FD2] =	sst s25  }
0xa6: {  	s4 =	sshll.u32 s26, $0x1;
	_ =	strace $0x80000046;
	[dreg:$0x1] =	wrdreg $0xFFFFFFFF  }
0xa7: {  	s28 =	simm.s32 $_size_execute0_lowered;
	s2 =	sadd.s32 s2, s4;
	[dreg:$0x0] =	wrdreg $0x0  }
0xa8: {  	s4 =	sshll.u32 s28, $0x1;
	[dreg:$0x2] =	wrdreg s2  }
0xa9: {  	[dreg:$0x3] =	wrdreg s4  }
0xaa: {  	[dreg:$0x4] =	wrdreg $0xC0  }
0xab: {  	_ =	task [dreg:s6], $0x5FFFF  }
0xac: {  	[dreg:$0x1] =	wrdreg $0xFFFFFFFF  }
0xad: {  	[dreg:$0x0] =	wrdreg $0x60  }
0xae: {  	[dreg:$0x2] =	wrdreg s24  }
0xaf: {  	[dreg:$0x3] =	wrdreg $0x9  }
0xb0: {  	_ =	task.clear_ibuf [dreg:s6], $0x4FFFF;
	_ =	strace $0x90000046  }
0xb1: {  	s29 =	simm.s32 $0x9;
	_ =	strace $0x80000048  }
0xb2: {  	_ =	swait.ge [sflag:s29], $0x1  }
0xb3: {  	[sflag:s29] =	ssyncadd.s32 $0xFFFFFFFF  }
0xb4: {  	_ =	strace $0x90000048  }
0xb5: {  	_ =	sfence  }
0xb6: {  	s30 =	sld [smem:$0x0];
	_ =	sdelay $0x2  }
0xb7: {  	s31 =	sshll.u32 s1, $0xD;
	s1 =	sshrl.u32 s1, $0x2  }
0xb8: {  	s3 =	sand.u32 $0x4000, s31;
	s1 =	sadd.s32 s1, s30  }
0xb9: {  	s0 =	sor.u32 s3, s0;
	s1 =	sshll.u32 s1, $0x11  }
0xba: {  	s0 =	sor.u32 s1, s0  }
0xbb: {  	s0 =	sadd.s32 $0x8F2B, s0  }
0xbc: {  	[sflag:s0] =	ssyncadd.remote.s32 $0x1  }
0xbd: {  	_ =	sfence.sel $0xFFFF  }
0xbe: {  	[dreg:$0x0] =	wrdreg $0xFFFFFFFF;
	(pc) =	sbr.abs _section_cstart, $3  }
0xbf: {  	[dreg:$0x1] =	wrdreg $0xFFFFFFFF  }
0xc0: {  	_ =	task.clear_ibuf [dreg:s6], $0x2FFFF;
	_ =	strace $0x9FFFFFFF  }
0xc1: {  	(tm) =	ssettm $0x7FFFFFFF  }
tec
execute0_lowered:
.L_overlay_start_1:
0x0: {  	(tag) =	ssettag $0x1  }
0x1: {  	s0 =	srdreg.scid  }
0x2: {  	s15 =	stileid.u32;
	s1 =	rddreg [dreg:$0x0]  }
0x3: {  	s2 =	simm.s32 $0x0;
	s17 =	simm.s32 $0x1400;
	s18 =	simm.s32 $0x80  }
0x4: {  	s19 =	simm.s32 $0x2800;
	s20 =	simm.s32 $0xA800;
	s21 =	simm.s32 $0x6800  }
0x5: {  	s23 =	simm.s32 $0xE800;
	s24 =	simm.s32 $0x1;
	s25 =	simm.s32 $0x3  }
0x6: {  	s28 =	simm.s32 $0x4;
	s29 =	simm.s32 $0x0;
	s11 =	smul.u32 $0x140000, s15  }
0x7: {  	s0 =	sand.u32 $0x1, s0;
	s3 =	sshll.u32 s15, $0x1;
	s15 =	smul.u32 $0x28000, s15  }
0x8: {  	[smem:$0x7FF] =	sst s2;
	s4 =	sadd.s32 $0x35000, s1;
	s12 =	smul.u32 $0xA0000, s0  }
0x9: {  	s6 =	sor.u32 s0, s3;
	s26 =	ssub.s32 $0x2, s0;
	s0 =	smul.u32 $0x14000, s0  }
0xa: {  	s13 =	sadd.s32 $0x5C200, s1;
	_ =	strace $0x80000047;
	s5 =	smul.u32 $0x1400, s6  }
0xb: {  	s3 =	sadd.s32 $0xDE00, s1;
	s8 =	sshrl.u32 s26, $0x1;
	s9 =	smul.u32 $0xA0000, s6  }
0xc: {  	s10 =	smul.u32 $0x14000, s6;
	s16 =	sadd.s32 s15, s13;
	s8 =	ssub.s32 s26, s8  }
0xd: {  	s12 =	sadd.s32 s12, s11;
	s31 =	sadd.s32 s0, s16;
	s16 =	simm.s32 $0x5  }
0xe: {  	s5 =	sshrl.u32 s5, $0x3;
	s9 =	sshrl.u32 s9, $0x3;
	s14 =	sadd.s32 $0x13800, s10  }
0xf: {  	s30 =	sshrl.u32 s12, $0x3;
	s7 =	sadd.s32 s5, s1;
	s1 =	sadd.s32 $0x2DC200, s1  }
0x10: {  	s9 =	sadd.s32 $0x13000, s9;
	s5 =	sadd.s32 $0x8E00, s7;
	s6 =	sadd.s32 $0x3E00, s7  }
0x11: {  	s7 =	smax.u32 s8, $0x1;
	s8 =	sadd.s32 s13, s9;
	s9 =	sadd.s32 s1, s9  }
0x12: {  	s11 =	sadd.s32 s1, s14;
	s12 =	sadd.s32 s30, s1;
	s1 =	sadd.s32 s15, s1  }
0x13: {  	s26 =	simm.s32 $0x2;
	s10 =	sadd.s32 s13, s14;
	s0 =	sadd.s32 s0, s1  }
0x14: {  	s13 =	sadd.s32 s30, s13;
	s14 =	sadd.s32 $0x800, s31;
	s15 =	sadd.s32 $0x800, s0  }
.LBB2_1:
0x15: {  	[tilespmem:s2], [sflag:$0x5] =	stream.linear.gather [hbm4b:s5+s2], $0x1400, $0x38;
	[tilespmem:$0x12800] =	vst v63  }
0x16: {  	_ =	swait.ge [sflag:s16], $0x1400  }
0x17: {  	[sflag:s16] =	ssyncset.done $0x0  }
0x18: {  	[sflag:s16] =	ssyncadd.s32 $0xFFFFEC00  }
0x19: {  	[tilespmem:s17], [sflag:$0x5] =	stream.linear.gather [hbm4b:s6+s2], $0x1400, $0x38;
	[tilespmem:$0x12800] =	vst v63  }
0x1a: {  	_ =	swait.ge [sflag:s16], $0x1400  }
0x1b: {  	[sflag:s16] =	ssyncset.done $0x0  }
0x1c: {  	[sflag:s16] =	ssyncadd.s32 $0xFFFFEC00  }
0x1d: {  	[tilespmem:s19], [sflag:$0x1] =	stream.indirect.gather [hbm4b:s3+s18], $0x80, s2, s18, $0xb8;
	[tilespmem:$0x12800] =	vst v63  }
0x1e: {  	_ = 	snop  }
0x1f: {  	[tilespmem:s20], [sflag:$0x3] =	stream.indirect.gather [hbm4b:s4+s18], $0x80, s17, s18, $0xb8;
	[tilespmem:$0x12800] =	vst v63  }
0x20: {  	_ = 	snop  }
0x21: {  	[tilespmem:s21], [sflag:$0x2] =	stream.indirect.gather [hbm4b:s3+s18], $0x80, s18, s18, $0xb8;
	[tilespmem:$0x12800] =	vst v63  }
0x22: {  	s0 =	simm.s32 $0x1480  }
0x23: {  	[tilespmem:s23], [sflag:$0x4] =	stream.indirect.gather [hbm4b:s4+s18], $0x80, s0, s18, $0xb8;
	[tilespmem:$0x12800] =	vst v63  }
0x24: {  	_ =	swait.ge [sflag:s24], $0x4000  }
0x25: {  	[sflag:s24] =	ssyncset.done $0x0  }
0x26: {  	s22 =	sadd.s32 $0x0, s13;
	[sflag:s24] =	ssyncadd.s32 $0xFFFFC000  }
0x27: {  	[hbm4b:s22+s2] =	stream.linear.scatter [tilespmem:s19], [sflag:$0x5], $0x4000, $0x38;
	[tilespmem:$0x12800] =	vst v63  }
0x28: {  	_ =	swait.ge [sflag:s16], $0x4000  }
0x29: {  	[sflag:s16] =	ssyncset.done $0x0  }
0x2a: {  	[sflag:s16] =	ssyncadd.s32 $0xFFFFC000  }
0x2b: {  	_ =	swait.ge [sflag:s25], $0x4000  }
0x2c: {  	[sflag:s25] =	ssyncset.done $0x0  }
0x2d: {  	s1 =	sadd.s32 $0x0, s12;
	[sflag:s25] =	ssyncadd.s32 $0xFFFFC000  }
0x2e: {  	[hbm4b:s1+s2] =	stream.linear.scatter [tilespmem:s20], [sflag:$0x5], $0x4000, $0x38;
	[tilespmem:$0x12800] =	vst v63  }
0x2f: {  	_ =	swait.ge [sflag:s16], $0x4000  }
0x30: {  	[sflag:s16] =	ssyncset.done $0x0  }
0x31: {  	s22 =	simm.s32 $0x100;
	[sflag:s16] =	ssyncadd.s32 $0xFFFFC000  }
0x32: {  	[tilespmem:s19], [sflag:$0x1] =	stream.indirect.gather [hbm4b:s3+s18], $0x80, s22, s18, $0xb8;
	[tilespmem:$0x12800] =	vst v63  }
0x33: {  	s1 =	simm.s32 $0x1500  }
0x34: {  	[tilespmem:s20], [sflag:$0x3] =	stream.indirect.gather [hbm4b:s4+s18], $0x80, s1, s18, $0xb8;
	[tilespmem:$0x12800] =	vst v63  }
0x35: {  	_ =	swait.ge [sflag:s26], $0x4000  }
0x36: {  	[sflag:s26] =	ssyncset.done $0x0  }
0x37: {  	s22 =	sadd.s32 $0x0, s14;
	[sflag:s26] =	ssyncadd.s32 $0xFFFFC000  }
0x38: {  	[hbm4b:s22+s2] =	stream.linear.scatter [tilespmem:s21], [sflag:$0x5], $0x4000, $0x38;
	[tilespmem:$0x12800] =	vst v63  }
0x39: {  	_ =	swait.ge [sflag:s16], $0x4000  }
0x3a: {  	[sflag:s16] =	ssyncset.done $0x0  }
0x3b: {  	[sflag:s16] =	ssyncadd.s32 $0xFFFFC000  }
0x3c: {  	_ =	swait.ge [sflag:s28], $0x4000  }
0x3d: {  	[sflag:s28] =	ssyncset.done $0x0  }
0x3e: {  	s1 =	sadd.s32 $0x0, s15;
	[sflag:s28] =	ssyncadd.s32 $0xFFFFC000  }
0x3f: {  	[hbm4b:s1+s2] =	stream.linear.scatter [tilespmem:s23], [sflag:$0x5], $0x4000, $0x38;
	[tilespmem:$0x12800] =	vst v63  }
0x40: {  	s30 =	simm.s32 $0x1000;
	_ =	swait.ge [sflag:s16], $0x4000  }
0x41: {  	s31 =	simm.s32 $0x1600;
	s0 =	simm.s32 $0x1580;
	[sflag:s16] =	ssyncset.done $0x0  }
0x42: {  	s22 =	simm.s32 $0x180;
	s1 =	simm.s32 $0x200;
	[sflag:s16] =	ssyncadd.s32 $0xFFFFC000  }
0x43: {  	[tilespmem:s21], [sflag:$0x2] =	stream.indirect.gather [hbm4b:s3+s18], $0x80, s22, s18, $0xb8;
	[tilespmem:$0x12800] =	vst v63  }
.LBB2_2:
0x44: {  	[tilespmem:s23], [sflag:$0x4] =	stream.indirect.gather [hbm4b:s4+s18], $0x80, s0, s18, $0xb8;
	[tilespmem:$0x12800] =	vst v63  }
0x45: {  	s0 =	smov.u32 s30  }
0x46: {  	p0 =	sne.s32 s30, $0x12000;
	s30 =	sadd.s32 $0x1000, s30;
	_ =	swait.ge [sflag:s24], $0x4000  }
0x47: {  	[sflag:s24] =	ssyncset.done $0x0  }
0x48: {  	s22 =	sadd.s32 s0, s13;
	[sflag:s24] =	ssyncadd.s32 $0xFFFFC000  }
0x49: {  	[hbm4b:s22+s2] =	stream.linear.scatter [tilespmem:s19], [sflag:$0x5], $0x4000, $0x38;
	[tilespmem:$0x12800] =	vst v63  }
0x4a: {  	_ =	swait.ge [sflag:s16], $0x4000  }
0x4b: {  	[sflag:s16] =	ssyncset.done $0x0  }
0x4c: {  	[sflag:s16] =	ssyncadd.s32 $0xFFFFC000  }
0x4d: {  	_ =	swait.ge [sflag:s25], $0x4000  }
0x4e: {  	[sflag:s25] =	ssyncset.done $0x0  }
0x4f: {  	s22 =	sadd.s32 s0, s12;
	[sflag:s25] =	ssyncadd.s32 $0xFFFFC000  }
0x50: {  	[hbm4b:s22+s2] =	stream.linear.scatter [tilespmem:s20], [sflag:$0x5], $0x4000, $0x38;
	[tilespmem:$0x12800] =	vst v63  }
0x51: {  	_ =	swait.ge [sflag:s16], $0x4000  }
0x52: {  	[sflag:s16] =	ssyncset.done $0x0  }
0x53: {  	[sflag:s16] =	ssyncadd.s32 $0xFFFFC000  }
0x54: {  	[tilespmem:s19], [sflag:$0x1] =	stream.indirect.gather [hbm4b:s3+s18], $0x80, s1, s18, $0xb8;
	[tilespmem:$0x12800] =	vst v63  }
0x55: {  	_ = 	snop  }
0x56: {  	[tilespmem:s20], [sflag:$0x3] =	stream.indirect.gather [hbm4b:s4+s18], $0x80, s31, s18, $0xb8;
	[tilespmem:$0x12800] =	vst v63  }
0x57: {  	_ =	swait.ge [sflag:s26], $0x4000  }
0x58: {  	[sflag:s26] =	ssyncset.done $0x0  }
0x59: {  	s22 =	sadd.s32 s0, s14;
	[sflag:s26] =	ssyncadd.s32 $0xFFFFC000  }
0x5a: {  	[hbm4b:s22+s2] =	stream.linear.scatter [tilespmem:s21], [sflag:$0x5], $0x4000, $0x38;
	[tilespmem:$0x12800] =	vst v63  }
0x5b: {  	_ =	swait.ge [sflag:s16], $0x4000  }
0x5c: {  	[sflag:s16] =	ssyncset.done $0x0  }
0x5d: {  	[sflag:s16] =	ssyncadd.s32 $0xFFFFC000  }
0x5e: {  	_ =	swait.ge [sflag:s28], $0x4000  }
0x5f: {  	[sflag:s28] =	ssyncset.done $0x0  }
0x60: {  	s0 =	sadd.s32 s0, s15;
	[sflag:s28] =	ssyncadd.s32 $0xFFFFC000  }
0x61: {  	[hbm4b:s0+s2] =	stream.linear.scatter [tilespmem:s23], [sflag:$0x5], $0x4000, $0x38;
	[tilespmem:$0x12800] =	vst v63  }
.Ltmp0:
0x62: {  	_ =	swait.ge [sflag:s16], $0x4000;
	(pc) =	sbr.rel @p0 .LBB2_2-.Ltmp0, $4  }
0x63: {  	[sflag:s16] =	ssyncset.done $0x0  }
0x64: {  	s0 =	sadd.s32 $0x80, s1;
	[sflag:s16] =	ssyncadd.s32 $0xFFFFC000  }
0x65: {  	[tilespmem:s21], [sflag:$0x2] =	stream.indirect.gather [hbm4b:s3+s18], $0x80, s0, s18, $0xb8;
	[tilespmem:$0x12800] =	vst v63  }
0x66: {  	s1 =	sadd.s32 $0x100, s1;
	s0 =	sadd.s32 $0x80, s31;
	s31 =	sadd.s32 $0x100, s31  }
0x67: {  	[tilespmem:s23], [sflag:$0x4] =	stream.indirect.gather [hbm4b:s4+s18], $0x80, s0, s18, $0xb8;
	[tilespmem:$0x12800] =	vst v63  }
0x68: {  	_ =	swait.ge [sflag:s24], $0x4000  }
0x69: {  	[sflag:s24] =	ssyncset.done $0x0  }
0x6a: {  	[sflag:s24] =	ssyncadd.s32 $0xFFFFC000  }
0x6b: {  	[hbm4b:s8+s2] =	stream.linear.scatter [tilespmem:s19], [sflag:$0x5], $0x4000, $0x38;
	[tilespmem:$0x12800] =	vst v63  }
0x6c: {  	_ =	swait.ge [sflag:s16], $0x4000  }
0x6d: {  	[sflag:s16] =	ssyncset.done $0x0  }
0x6e: {  	[sflag:s16] =	ssyncadd.s32 $0xFFFFC000  }
0x6f: {  	_ =	swait.ge [sflag:s25], $0x4000  }
0x70: {  	[sflag:s25] =	ssyncset.done $0x0  }
0x71: {  	[sflag:s25] =	ssyncadd.s32 $0xFFFFC000  }
0x72: {  	[hbm4b:s9+s2] =	stream.linear.scatter [tilespmem:s20], [sflag:$0x5], $0x4000, $0x38;
	[tilespmem:$0x12800] =	vst v63  }
0x73: {  	_ =	swait.ge [sflag:s16], $0x4000  }
0x74: {  	[sflag:s16] =	ssyncset.done $0x0  }
0x75: {  	[sflag:s16] =	ssyncadd.s32 $0xFFFFC000  }
0x76: {  	_ =	swait.ge [sflag:s26], $0x4000  }
0x77: {  	[sflag:s26] =	ssyncset.done $0x0  }
0x78: {  	[sflag:s26] =	ssyncadd.s32 $0xFFFFC000  }
0x79: {  	[hbm4b:s10+s2] =	stream.linear.scatter [tilespmem:s21], [sflag:$0x5], $0x4000, $0x38;
	[tilespmem:$0x12800] =	vst v63  }
0x7a: {  	_ =	swait.ge [sflag:s16], $0x4000  }
0x7b: {  	[sflag:s16] =	ssyncset.done $0x0  }
0x7c: {  	[sflag:s16] =	ssyncadd.s32 $0xFFFFC000  }
0x7d: {  	s29 =	sadd.s32 $0x1, s29;
	_ =	swait.ge [sflag:s28], $0x4000  }
0x7e: {  	p0 =	sne.s32 s29, s7;
	[sflag:s28] =	ssyncset.done $0x0  }
.Ltmp1:
0x7f: {  	[sflag:s28] =	ssyncadd.s32 $0xFFFFC000;
	(pc) =	sbr.rel @p0 .LBB2_1-.Ltmp1, $4  }
0x80: {  	[hbm4b:s11+s2] =	stream.linear.scatter [tilespmem:s23], [sflag:$0x5], $0x4000, $0x38;
	[tilespmem:$0x12800] =	vst v63  }
0x81: {  	_ =	swait.ge [sflag:s16], $0x4000  }
0x82: {  	[sflag:s16] =	ssyncset.done $0x0  }
0x83: {  	[sflag:s16] =	ssyncadd.s32 $0xFFFFC000  }
0x84: {  	_ =	sfence.sel $0x180000  }
0x85: {  	[bflag:$0x0] =	sbarrier.arrive $0xFFFF  }
0x86: {  	_ =	strace $0x90000047  }
0x87: {  	s0 =	stileid.u32;
	[bflag:$0x2] =	sbarrier.arrive $0xFFFF  }
0x88: {  	p0 =	sne.s32 s0, $0x0;
	s0 =	rddreg [dreg:$0x1]  }
0x89: {  	s0 =	sadd.s32 @!p0 $0x100000, s0  }
0x8a: {  	[sflag:s0] =	ssyncadd.tile.s32 @!p0 $0x1;
	_ =	shalt  }
.Lfunc_end2:
_tile_overlayer_lowered:
.L_overlay_start_2:
0x8b: {  	(tag) =	ssettag $0x2  }
0x8c: {  	s0 =	rddreg [dreg:$0x0];
	s2 =	stileid.u32  }
0x8d: {  	s1 =	rddreg [dreg:$0x1];
	p0 =	sne.s32 s2, $0x0  }
0x8e: {  	s3 =	rddreg [dreg:$0x2];
	[bflag:$0x3] =	sbarrier.arrive $0xFFFF;
	s2 =	simm.s32 @!p0 $0x1C05  }
0x8f: {  	[timem:s3], [sflag:s2] =	dma.local @!p0 [hbm:s0], s1  }
0x90: {  	s0 =	simm.s32 @!p0 $0x5  }
0x91: {  	_ =	swait.ge @!p0 [sflag:s0], s1  }
0x92: {  	s1 =	ssub.s32 @!p0 $0x0, s1;
	[sflag:s0] =	ssyncset.done @!p0 $0x0  }
0x93: {  	[sflag:s0] =	ssyncadd.s32 @!p0 s1  }
0x94: {  	[bflag:$0x3] =	sbarrier.arrive $0xFFFF  }
0x95: {  	_ =	shalt  }

</sc_bundles>
